<compile_context>
chip_gen: v7x
topology: tpu7x:2x2x1
jax: 0.10.2.dev20260603
libtpu: 0.0.44.dev20260713+nightly
codegen_flags: <defaults>
</compile_context>

<pallas_src>
import jax
import jax.numpy as jnp
import numpy as np
from jax import lax
from jax.experimental import pallas as pl
from jax.experimental.pallas import tpu as pltpu
from jax.experimental.pallas import tpu_sc as plsc

NUM_CLASSES = 1000
SMOOTHING = 0.1
FILL = float(np.float32(SMOOTHING / NUM_CLASSES))
PEAK = float(np.float32(np.float32(SMOOTHING / NUM_CLASSES) + np.float32(1.0 - SMOOTHING)))

NC, NS, L = 2, 16, 16
NW = NC * NS
BATCH = 16384
BPW = BATCH // NW
CH = 120
CHUNKS = [(lo, min(CH, NUM_CLASSES - lo)) for lo in range(0, NUM_CLASSES, CH)]


def _sc_body(tgt_hbm, fill_hbm, out_hbm, tgt_v, buf0, buf1, sem0, sem1, semf):
    wid = lax.axis_index("s") * NC + lax.axis_index("c")
    i0 = wid * BPW

    fa = pltpu.async_copy(fill_hbm, buf0, semf)
    fb = pltpu.async_copy(fill_hbm, buf1, semf)
    pltpu.sync_copy(tgt_hbm.at[pl.ds(i0, BPW)], tgt_v)
    fa.wait()
    fb.wait()

    fill_vec = jnp.full((L,), FILL, jnp.float32)
    peak_vec = jnp.full((L,), PEAK, jnp.float32)
    lanes = lax.iota(jnp.int32, L)

    bufs = (buf0, buf1)
    sems = (sem0, sem1)

    def patch(buf, lo, h, prev_chunk):
        def body(k, carry):
            t = tgt_v[pl.ds(k * L, L)]
            col = k * L + lanes
            if prev_chunk is not None:
                plo, ph = prev_chunk
                prow = t - plo
                pm = prow.astype(jnp.uint32) < jnp.uint32(ph)
                plsc.store_scatter(buf, [prow, col], fill_vec, mask=pm)
            row = t - lo
            m = row.astype(jnp.uint32) < jnp.uint32(h)
            plsc.store_scatter(buf, [row, col], peak_vec, mask=m)
            return carry
        lax.fori_loop(0, BPW // L, body, 0, unroll=8)

    copies = [None, None]
    prev = [None, None]
    for ci, (lo, h) in enumerate(CHUNKS):
        p = ci % 2
        if copies[p] is not None:
            copies[p].wait()
        patch(bufs[p], lo, h, prev[p])
        dst = out_hbm.at[pl.ds(lo, h), pl.ds(i0, BPW)]
        src = bufs[p] if h == CH else bufs[p].at[pl.ds(0, h), :]
        copies[p] = pltpu.async_copy(src, dst, sems[p])
        prev[p] = (lo, h)
    copies[0].wait()
    copies[1].wait()


def kernel(target, pred):
    batch = target.shape[0]
    fill_const = jnp.full((CH, BPW), FILL, jnp.float32)
    mesh = plsc.VectorSubcoreMesh(core_axis_name="c", subcore_axis_name="s")
    out_t = pl.kernel(
        _sc_body,
        out_type=jax.ShapeDtypeStruct((NUM_CLASSES, batch), jnp.float32),
        mesh=mesh,
        compiler_params=pltpu.CompilerParams(needs_layout_passes=False),
        scratch_types=[
            pltpu.VMEM((BPW,), jnp.int32),
            pltpu.VMEM((CH, BPW), jnp.float32),
            pltpu.VMEM((CH, BPW), jnp.float32),
            pltpu.SemaphoreType.DMA,
            pltpu.SemaphoreType.DMA,
            pltpu.SemaphoreType.DMA,
        ],
    )(target, fill_const)
    return out_t.T

# --- scband reference (transcript-rebuilt; emitter-appended) ---
"""Pipeline reference for scband-label-smoothing-33414845563708 (READ-ONLY COPY).

The authoritative reference and input builder live on the scoring server;
editing this copy changes nothing except your own understanding.
"""

import jax, jax.numpy as jnp
import numpy as np

NUM_CLASSES = 1000
SMOOTHING = 0.1


def setup_inputs(seed: int = 0) -> dict:
    key = jax.random.key(seed)
    k1, k2 = jax.random.split(key)
    target = jax.random.randint(k1, (16384,), 0, NUM_CLASSES, dtype=jnp.int64 if jax.config.jax_enable_x64 else jnp.int32).astype(jnp.int32)
    pred = jax.random.normal(k2, (16384, NUM_CLASSES), dtype=jnp.float32)
    return {"target": target, "pred": pred}


def reference(target, pred):
    # Faithful translation of LabelSmoothing.forward:
    # q = full(smoothing/k); q.scatter_(1, target.unsqueeze(1), confidence, reduce='add')
    batch_size = target.shape[0]
    confidence = 1.0 - SMOOTHING
    q = jnp.zeros_like(pred) + (SMOOTHING / NUM_CLASSES)
    rows = jnp.arange(batch_size)
    q = q.at[rows, target].add(confidence)
    return q

if __name__ == "__main__":
    import jax
    _d = setup_inputs()
    print(jax.jit(kernel)(*tuple(_d.values())))

</pallas_src>

<mosaic_0001>
#map = affine_map<(d0, d1) -> (0)>
#map1 = affine_map<(d0, d1) -> (0, 0)>
module attributes {stable_mosaic.version = 14 : i64} {
  func.func @_sc_body(%arg0: i32, %arg1: i32, %arg2: memref<16384xi32, #tpu.memory_space<hbm>>, %arg3: memref<120x512xf32, #tpu.memory_space<hbm>>, %arg4: memref<1000x16384xf32, #tpu.memory_space<hbm>>, %arg5: memref<512xi32, #tpu.memory_space<vmem>>, %arg6: memref<120x512xf32, #tpu.memory_space<vmem>>, %arg7: memref<120x512xf32, #tpu.memory_space<vmem>>, %arg8: memref<!tpu.dma_semaphore, #tpu.memory_space<semaphore_mem>>, %arg9: memref<!tpu.dma_semaphore, #tpu.memory_space<semaphore_mem>>, %arg10: memref<!tpu.dma_semaphore, #tpu.memory_space<semaphore_mem>>) attributes {dimension_semantics = [#tpu.dimension_semantics<core_parallel>, #tpu.dimension_semantics<subcore_parallel>], iteration_bounds = array<i64: 2, 16>, scalar_prefetch = 0 : i64, scratch_operands = 6 : i64, tpu.core_type = #tpu.core_type<sc_vector_subcore>, window_params = [{transform_indices = #map}, {transform_indices = #map1}, {transform_indices = #map1}]} {
    %mul3A = arith.constant 2 : i32
    %mul3A_0 = arith.muli %arg1, %mul3A : i32
    %add3A = arith.addi %mul3A_0, %arg0 : i32
    %mul3A_1 = arith.constant 512 : i32
    %mul3A_2 = arith.muli %add3A, %mul3A_1 : i32
    tpu.enqueue_dma source(%arg3 : memref<120x512xf32, #tpu.memory_space<hbm>>) target(%arg6 : memref<120x512xf32, #tpu.memory_space<vmem>>) target_semaphore(%arg10 : memref<!tpu.dma_semaphore, #tpu.memory_space<semaphore_mem>>)
    tpu.enqueue_dma source(%arg3 : memref<120x512xf32, #tpu.memory_space<hbm>>) target(%arg7 : memref<120x512xf32, #tpu.memory_space<vmem>>) target_semaphore(%arg10 : memref<!tpu.dma_semaphore, #tpu.memory_space<semaphore_mem>>)
    "tpu.region"() ({
      %run_scoped3A = tpu.sem_alloc : memref<!tpu.dma_semaphore, #tpu.memory_space<semaphore_mem>>
      %dma_start3A_141 = tpu.memref_slice %arg2[%mul3A_2] : memref<16384xi32, #tpu.memory_space<hbm>> -> memref<512xi32, #tpu.memory_space<hbm>>
      %dma_start3A_142 = tpu.memref_slice %arg2[%mul3A_2] : memref<16384xi32, #tpu.memory_space<hbm>> -> memref<512xi32, #tpu.memory_space<hbm>>
      tpu.enqueue_dma source(%dma_start3A_142 : memref<512xi32, #tpu.memory_space<hbm>>) target(%arg5 : memref<512xi32, #tpu.memory_space<vmem>>) target_semaphore(%run_scoped3A : memref<!tpu.dma_semaphore, #tpu.memory_space<semaphore_mem>>)
      %dma_wait3A_143 = tpu.memref_slice %arg2[%mul3A_2] : memref<16384xi32, #tpu.memory_space<hbm>> -> memref<512xi32, #tpu.memory_space<hbm>>
      %dma_wait3A_144 = tpu.memref_slice %arg2[%mul3A_2] : memref<16384xi32, #tpu.memory_space<hbm>> -> memref<512xi32, #tpu.memory_space<hbm>>
      tpu.wait_dma2 semaphore(%run_scoped3A : memref<!tpu.dma_semaphore, #tpu.memory_space<semaphore_mem>>) src(%dma_wait3A_144 : memref<512xi32, #tpu.memory_space<hbm>>) dst(%arg5 : memref<512xi32, #tpu.memory_space<vmem>>)
      tpu.yield
    }) : () -> ()
    tpu.wait_dma2 semaphore(%arg10 : memref<!tpu.dma_semaphore, #tpu.memory_space<semaphore_mem>>) src(%arg3 : memref<120x512xf32, #tpu.memory_space<hbm>>) dst(%arg6 : memref<120x512xf32, #tpu.memory_space<vmem>>)
    tpu.wait_dma2 semaphore(%arg10 : memref<!tpu.dma_semaphore, #tpu.memory_space<semaphore_mem>>) src(%arg3 : memref<120x512xf32, #tpu.memory_space<hbm>>) dst(%arg7 : memref<120x512xf32, #tpu.memory_space<vmem>>)
    %broadcast_in_dim3A = arith.constant 9.99999974E-5 : f32
    %broadcast_in_dim3A_3 = vector.broadcast %broadcast_in_dim3A : f32 to vector<16xf32>
    %broadcast_in_dim3A_4 = arith.constant 9.001000e-01 : f32
    %broadcast_in_dim3A_5 = vector.broadcast %broadcast_in_dim3A_4 : f32 to vector<16xf32>
    %iota3A = tpu.iota {dimensions = array<i32: 0>} : vector<16xi32>
    %scan3A = arith.constant 0 : i32
    %scan3A_6 = arith.constant 0 : i32
    %scan3A_7 = arith.constant 32 : i32
    %scan3A_8 = arith.addi %scan3A_6, %scan3A_7 : i32
    %scan3A_9 = arith.constant 8 : i32
    scf.for %scan3A_141 = %scan3A_6 to %scan3A_8 step %scan3A_9  : i32 {
      %mul3A_142 = arith.constant 16 : i32
      %mul3A_143 = arith.muli %scan3A_141, %mul3A_142 : i32
      %get3A = arith.index_cast %mul3A_143 : i32 to index
      %get3A_144 = tpu.vector_load %arg5[%get3A] {strides = array<i32>} : memref<512xi32, #tpu.memory_space<vmem>>, vector<16xi32>,
      %mul3A_145 = arith.constant 16 : i32
      %mul3A_146 = arith.muli %scan3A_141, %mul3A_145 : i32
      %add3A_147 = vector.broadcast %mul3A_146 : i32 to vector<16xi32>
      %add3A_148 = arith.addi %add3A_147, %iota3A : vector<16xi32>
      %sub3A = arith.constant 0 : i32
      %sub3A_149 = vector.broadcast %sub3A : i32 to vector<16xi32>
      %sub3A_150 = arith.subi %get3A_144, %sub3A_149 : vector<16xi32>
      %lt3A = arith.constant 120 : i32
      %lt3A_151 = vector.broadcast %lt3A : i32 to vector<16xi32>
      %lt3A_152 = arith.cmpi ult, %sub3A_150, %lt3A_151 : vector<16xi32>
      tpu.vector_store_idx %arg6[%sub3A_150, %add3A_148], %broadcast_in_dim3A_5 masked %lt3A_152 : memref<120x512xf32, #tpu.memory_space<vmem>>[vector<16xi32>, vector<16xi32>], vector<16xf32>, vector<16xi1>
      %scan3A_153 = arith.constant 1 : i32
      %scan3A_154 = arith.addi %scan3A_141, %scan3A_153 : i32
      %mul3A_155 = arith.constant 16 : i32
      %mul3A_156 = arith.muli %scan3A_154, %mul3A_155 : i32
      %get3A_157 = arith.index_cast %mul3A_156 : i32 to index
      %get3A_158 = tpu.vector_load %arg5[%get3A_157] {strides = array<i32>} : memref<512xi32, #tpu.memory_space<vmem>>, vector<16xi32>,
      %mul3A_159 = arith.constant 16 : i32
      %mul3A_160 = arith.muli %scan3A_154, %mul3A_159 : i32
      %add3A_161 = vector.broadcast %mul3A_160 : i32 to vector<16xi32>
      %add3A_162 = arith.addi %add3A_161, %iota3A : vector<16xi32>
      %sub3A_163 = arith.constant 0 : i32
      %sub3A_164 = vector.broadcast %sub3A_163 : i32 to vector<16xi32>
      %sub3A_165 = arith.subi %get3A_158, %sub3A_164 : vector<16xi32>
      %lt3A_166 = arith.constant 120 : i32
      %lt3A_167 = vector.broadcast %lt3A_166 : i32 to vector<16xi32>
      %lt3A_168 = arith.cmpi ult, %sub3A_165, %lt3A_167 : vector<16xi32>
      tpu.vector_store_idx %arg6[%sub3A_165, %add3A_162], %broadcast_in_dim3A_5 masked %lt3A_168 : memref<120x512xf32, #tpu.memory_space<vmem>>[vector<16xi32>, vector<16xi32>], vector<16xf32>, vector<16xi1>
      %scan3A_169 = arith.constant 2 : i32
      %scan3A_170 = arith.addi %scan3A_141, %scan3A_169 : i32
      %mul3A_171 = arith.constant 16 : i32
      %mul3A_172 = arith.muli %scan3A_170, %mul3A_171 : i32
      %get3A_173 = arith.index_cast %mul3A_172 : i32 to index
      %get3A_174 = tpu.vector_load %arg5[%get3A_173] {strides = array<i32>} : memref<512xi32, #tpu.memory_space<vmem>>, vector<16xi32>,
      %mul3A_175 = arith.constant 16 : i32
      %mul3A_176 = arith.muli %scan3A_170, %mul3A_175 : i32
      %add3A_177 = vector.broadcast %mul3A_176 : i32 to vector<16xi32>
      %add3A_178 = arith.addi %add3A_177, %iota3A : vector<16xi32>
      %sub3A_179 = arith.constant 0 : i32
      %sub3A_180 = vector.broadcast %sub3A_179 : i32 to vector<16xi32>
      %sub3A_181 = arith.subi %get3A_174, %sub3A_180 : vector<16xi32>
      %lt3A_182 = arith.constant 120 : i32
      %lt3A_183 = vector.broadcast %lt3A_182 : i32 to vector<16xi32>
      %lt3A_184 = arith.cmpi ult, %sub3A_181, %lt3A_183 : vector<16xi32>
      tpu.vector_store_idx %arg6[%sub3A_181, %add3A_178], %broadcast_in_dim3A_5 masked %lt3A_184 : memref<120x512xf32, #tpu.memory_space<vmem>>[vector<16xi32>, vector<16xi32>], vector<16xf32>, vector<16xi1>
      %scan3A_185 = arith.constant 3 : i32
      %scan3A_186 = arith.addi %scan3A_141, %scan3A_185 : i32
      %mul3A_187 = arith.constant 16 : i32
      %mul3A_188 = arith.muli %scan3A_186, %mul3A_187 : i32
      %get3A_189 = arith.index_cast %mul3A_188 : i32 to index
      %get3A_190 = tpu.vector_load %arg5[%get3A_189] {strides = array<i32>} : memref<512xi32, #tpu.memory_space<vmem>>, vector<16xi32>,
      %mul3A_191 = arith.constant 16 : i32
      %mul3A_192 = arith.muli %scan3A_186, %mul3A_191 : i32
      %add3A_193 = vector.broadcast %mul3A_192 : i32 to vector<16xi32>
      %add3A_194 = arith.addi %add3A_193, %iota3A : vector<16xi32>
      %sub3A_195 = arith.constant 0 : i32
      %sub3A_196 = vector.broadcast %sub3A_195 : i32 to vector<16xi32>
      %sub3A_197 = arith.subi %get3A_190, %sub3A_196 : vector<16xi32>
      %lt3A_198 = arith.constant 120 : i32
      %lt3A_199 = vector.broadcast %lt3A_198 : i32 to vector<16xi32>
      %lt3A_200 = arith.cmpi ult, %sub3A_197, %lt3A_199 : vector<16xi32>
      tpu.vector_store_idx %arg6[%sub3A_197, %add3A_194], %broadcast_in_dim3A_5 masked %lt3A_200 : memref<120x512xf32, #tpu.memory_space<vmem>>[vector<16xi32>, vector<16xi32>], vector<16xf32>, vector<16xi1>
      %scan3A_201 = arith.constant 4 : i32
      %scan3A_202 = arith.addi %scan3A_141, %scan3A_201 : i32
      %mul3A_203 = arith.constant 16 : i32
      %mul3A_204 = arith.muli %scan3A_202, %mul3A_203 : i32
      %get3A_205 = arith.index_cast %mul3A_204 : i32 to index
      %get3A_206 = tpu.vector_load %arg5[%get3A_205] {strides = array<i32>} : memref<512xi32, #tpu.memory_space<vmem>>, vector<16xi32>,
      %mul3A_207 = arith.constant 16 : i32
      %mul3A_208 = arith.muli %scan3A_202, %mul3A_207 : i32
      %add3A_209 = vector.broadcast %mul3A_208 : i32 to vector<16xi32>
      %add3A_210 = arith.addi %add3A_209, %iota3A : vector<16xi32>
      %sub3A_211 = arith.constant 0 : i32
      %sub3A_212 = vector.broadcast %sub3A_211 : i32 to vector<16xi32>
      %sub3A_213 = arith.subi %get3A_206, %sub3A_212 : vector<16xi32>
      %lt3A_214 = arith.constant 120 : i32
      %lt3A_215 = vector.broadcast %lt3A_214 : i32 to vector<16xi32>
      %lt3A_216 = arith.cmpi ult, %sub3A_213, %lt3A_215 : vector<16xi32>
      tpu.vector_store_idx %arg6[%sub3A_213, %add3A_210], %broadcast_in_dim3A_5 masked %lt3A_216 : memref<120x512xf32, #tpu.memory_space<vmem>>[vector<16xi32>, vector<16xi32>], vector<16xf32>, vector<16xi1>
      %scan3A_217 = arith.constant 5 : i32
      %scan3A_218 = arith.addi %scan3A_141, %scan3A_217 : i32
      %mul3A_219 = arith.constant 16 : i32
      %mul3A_220 = arith.muli %scan3A_218, %mul3A_219 : i32
      %get3A_221 = arith.index_cast %mul3A_220 : i32 to index
      %get3A_222 = tpu.vector_load %arg5[%get3A_221] {strides = array<i32>} : memref<512xi32, #tpu.memory_space<vmem>>, vector<16xi32>,
      %mul3A_223 = arith.constant 16 : i32
      %mul3A_224 = arith.muli %scan3A_218, %mul3A_223 : i32
      %add3A_225 = vector.broadcast %mul3A_224 : i32 to vector<16xi32>
      %add3A_226 = arith.addi %add3A_225, %iota3A : vector<16xi32>
      %sub3A_227 = arith.constant 0 : i32
      %sub3A_228 = vector.broadcast %sub3A_227 : i32 to vector<16xi32>
      %sub3A_229 = arith.subi %get3A_222, %sub3A_228 : vector<16xi32>
      %lt3A_230 = arith.constant 120 : i32
      %lt3A_231 = vector.broadcast %lt3A_230 : i32 to vector<16xi32>
      %lt3A_232 = arith.cmpi ult, %sub3A_229, %lt3A_231 : vector<16xi32>
      tpu.vector_store_idx %arg6[%sub3A_229, %add3A_226], %broadcast_in_dim3A_5 masked %lt3A_232 : memref<120x512xf32, #tpu.memory_space<vmem>>[vector<16xi32>, vector<16xi32>], vector<16xf32>, vector<16xi1>
      %scan3A_233 = arith.constant 6 : i32
      %scan3A_234 = arith.addi %scan3A_141, %scan3A_233 : i32
      %mul3A_235 = arith.constant 16 : i32
      %mul3A_236 = arith.muli %scan3A_234, %mul3A_235 : i32
      %get3A_237 = arith.index_cast %mul3A_236 : i32 to index
      %get3A_238 = tpu.vector_load %arg5[%get3A_237] {strides = array<i32>} : memref<512xi32, #tpu.memory_space<vmem>>, vector<16xi32>,
      %mul3A_239 = arith.constant 16 : i32
      %mul3A_240 = arith.muli %scan3A_234, %mul3A_239 : i32
      %add3A_241 = vector.broadcast %mul3A_240 : i32 to vector<16xi32>
      %add3A_242 = arith.addi %add3A_241, %iota3A : vector<16xi32>
      %sub3A_243 = arith.constant 0 : i32
      %sub3A_244 = vector.broadcast %sub3A_243 : i32 to vector<16xi32>
      %sub3A_245 = arith.subi %get3A_238, %sub3A_244 : vector<16xi32>
      %lt3A_246 = arith.constant 120 : i32
      %lt3A_247 = vector.broadcast %lt3A_246 : i32 to vector<16xi32>
      %lt3A_248 = arith.cmpi ult, %sub3A_245, %lt3A_247 : vector<16xi32>
      tpu.vector_store_idx %arg6[%sub3A_245, %add3A_242], %broadcast_in_dim3A_5 masked %lt3A_248 : memref<120x512xf32, #tpu.memory_space<vmem>>[vector<16xi32>, vector<16xi32>], vector<16xf32>, vector<16xi1>
      %scan3A_249 = arith.constant 7 : i32
      %scan3A_250 = arith.addi %scan3A_141, %scan3A_249 : i32
      %mul3A_251 = arith.constant 16 : i32
      %mul3A_252 = arith.muli %scan3A_250, %mul3A_251 : i32
      %get3A_253 = arith.index_cast %mul3A_252 : i32 to index
      %get3A_254 = tpu.vector_load %arg5[%get3A_253] {strides = array<i32>} : memref<512xi32, #tpu.memory_space<vmem>>, vector<16xi32>,
      %mul3A_255 = arith.constant 16 : i32
      %mul3A_256 = arith.muli %scan3A_250, %mul3A_255 : i32
      %add3A_257 = vector.broadcast %mul3A_256 : i32 to vector<16xi32>
      %add3A_258 = arith.addi %add3A_257, %iota3A : vector<16xi32>
      %sub3A_259 = arith.constant 0 : i32
      %sub3A_260 = vector.broadcast %sub3A_259 : i32 to vector<16xi32>
      %sub3A_261 = arith.subi %get3A_254, %sub3A_260 : vector<16xi32>
      %lt3A_262 = arith.constant 120 : i32
      %lt3A_263 = vector.broadcast %lt3A_262 : i32 to vector<16xi32>
      %lt3A_264 = arith.cmpi ult, %sub3A_261, %lt3A_263 : vector<16xi32>
      tpu.vector_store_idx %arg6[%sub3A_261, %add3A_258], %broadcast_in_dim3A_5 masked %lt3A_264 : memref<120x512xf32, #tpu.memory_space<vmem>>[vector<16xi32>, vector<16xi32>], vector<16xf32>, vector<16xi1>
    }
    %scan3A_10 = arith.constant 32 : i32
    %dma_start3A = arith.constant 0 : i32
    %dma_start3A_11 = tpu.memref_slice %arg4[%dma_start3A, %mul3A_2] : memref<1000x16384xf32, #tpu.memory_space<hbm>> -> memref<120x512xf32, #tpu.memory_space<hbm>>
    %dma_start3A_12 = arith.constant 0 : i32
    %dma_start3A_13 = tpu.memref_slice %arg4[%dma_start3A_12, %mul3A_2] : memref<1000x16384xf32, #tpu.memory_space<hbm>> -> memref<120x512xf32, #tpu.memory_space<hbm>>
    tpu.enqueue_dma source(%arg6 : memref<120x512xf32, #tpu.memory_space<vmem>>) target(%dma_start3A_13 : memref<120x512xf32, #tpu.memory_space<hbm>>) target_semaphore(%arg8 : memref<!tpu.dma_semaphore, #tpu.memory_space<semaphore_mem>>)
    %scan3A_14 = arith.constant 0 : i32
    %scan3A_15 = arith.constant 0 : i32
    %scan3A_16 = arith.constant 32 : i32
    %scan3A_17 = arith.addi %scan3A_15, %scan3A_16 : i32
    %scan3A_18 = arith.constant 8 : i32
    scf.for %scan3A_141 = %scan3A_15 to %scan3A_17 step %scan3A_18  : i32 {
      %mul3A_142 = arith.constant 16 : i32
      %mul3A_143 = arith.muli %scan3A_141, %mul3A_142 : i32
      %get3A = arith.index_cast %mul3A_143 : i32 to index
      %get3A_144 = tpu.vector_load %arg5[%get3A] {strides = array<i32>} : memref<512xi32, #tpu.memory_space<vmem>>, vector<16xi32>,
      %mul3A_145 = arith.constant 16 : i32
      %mul3A_146 = arith.muli %scan3A_141, %mul3A_145 : i32
      %add3A_147 = vector.broadcast %mul3A_146 : i32 to vector<16xi32>
      %add3A_148 = arith.addi %add3A_147, %iota3A : vector<16xi32>
      %sub3A = arith.constant 120 : i32
      %sub3A_149 = vector.broadcast %sub3A : i32 to vector<16xi32>
      %sub3A_150 = arith.subi %get3A_144, %sub3A_149 : vector<16xi32>
      %lt3A = arith.constant 120 : i32
      %lt3A_151 = vector.broadcast %lt3A : i32 to vector<16xi32>
      %lt3A_152 = arith.cmpi ult, %sub3A_150, %lt3A_151 : vector<16xi32>
      tpu.vector_store_idx %arg7[%sub3A_150, %add3A_148], %broadcast_in_dim3A_5 masked %lt3A_152 : memref<120x512xf32, #tpu.memory_space<vmem>>[vector<16xi32>, vector<16xi32>], vector<16xf32>, vector<16xi1>
      %scan3A_153 = arith.constant 1 : i32
      %scan3A_154 = arith.addi %scan3A_141, %scan3A_153 : i32
      %mul3A_155 = arith.constant 16 : i32
      %mul3A_156 = arith.muli %scan3A_154, %mul3A_155 : i32
      %get3A_157 = arith.index_cast %mul3A_156 : i32 to index
      %get3A_158 = tpu.vector_load %arg5[%get3A_157] {strides = array<i32>} : memref<512xi32, #tpu.memory_space<vmem>>, vector<16xi32>,
      %mul3A_159 = arith.constant 16 : i32
      %mul3A_160 = arith.muli %scan3A_154, %mul3A_159 : i32
      %add3A_161 = vector.broadcast %mul3A_160 : i32 to vector<16xi32>
      %add3A_162 = arith.addi %add3A_161, %iota3A : vector<16xi32>
      %sub3A_163 = arith.constant 120 : i32
      %sub3A_164 = vector.broadcast %sub3A_163 : i32 to vector<16xi32>
      %sub3A_165 = arith.subi %get3A_158, %sub3A_164 : vector<16xi32>
      %lt3A_166 = arith.constant 120 : i32
      %lt3A_167 = vector.broadcast %lt3A_166 : i32 to vector<16xi32>
      %lt3A_168 = arith.cmpi ult, %sub3A_165, %lt3A_167 : vector<16xi32>
      tpu.vector_store_idx %arg7[%sub3A_165, %add3A_162], %broadcast_in_dim3A_5 masked %lt3A_168 : memref<120x512xf32, #tpu.memory_space<vmem>>[vector<16xi32>, vector<16xi32>], vector<16xf32>, vector<16xi1>
      %scan3A_169 = arith.constant 2 : i32
      %scan3A_170 = arith.addi %scan3A_141, %scan3A_169 : i32
      %mul3A_171 = arith.constant 16 : i32
      %mul3A_172 = arith.muli %scan3A_170, %mul3A_171 : i32
      %get3A_173 = arith.index_cast %mul3A_172 : i32 to index
      %get3A_174 = tpu.vector_load %arg5[%get3A_173] {strides = array<i32>} : memref<512xi32, #tpu.memory_space<vmem>>, vector<16xi32>,
      %mul3A_175 = arith.constant 16 : i32
      %mul3A_176 = arith.muli %scan3A_170, %mul3A_175 : i32
      %add3A_177 = vector.broadcast %mul3A_176 : i32 to vector<16xi32>
      %add3A_178 = arith.addi %add3A_177, %iota3A : vector<16xi32>
      %sub3A_179 = arith.constant 120 : i32
      %sub3A_180 = vector.broadcast %sub3A_179 : i32 to vector<16xi32>
      %sub3A_181 = arith.subi %get3A_174, %sub3A_180 : vector<16xi32>
      %lt3A_182 = arith.constant 120 : i32
      %lt3A_183 = vector.broadcast %lt3A_182 : i32 to vector<16xi32>
      %lt3A_184 = arith.cmpi ult, %sub3A_181, %lt3A_183 : vector<16xi32>
      tpu.vector_store_idx %arg7[%sub3A_181, %add3A_178], %broadcast_in_dim3A_5 masked %lt3A_184 : memref<120x512xf32, #tpu.memory_space<vmem>>[vector<16xi32>, vector<16xi32>], vector<16xf32>, vector<16xi1>
      %scan3A_185 = arith.constant 3 : i32
      %scan3A_186 = arith.addi %scan3A_141, %scan3A_185 : i32
      %mul3A_187 = arith.constant 16 : i32
      %mul3A_188 = arith.muli %scan3A_186, %mul3A_187 : i32
      %get3A_189 = arith.index_cast %mul3A_188 : i32 to index
      %get3A_190 = tpu.vector_load %arg5[%get3A_189] {strides = array<i32>} : memref<512xi32, #tpu.memory_space<vmem>>, vector<16xi32>,
      %mul3A_191 = arith.constant 16 : i32
      %mul3A_192 = arith.muli %scan3A_186, %mul3A_191 : i32
      %add3A_193 = vector.broadcast %mul3A_192 : i32 to vector<16xi32>
      %add3A_194 = arith.addi %add3A_193, %iota3A : vector<16xi32>
      %sub3A_195 = arith.constant 120 : i32
      %sub3A_196 = vector.broadcast %sub3A_195 : i32 to vector<16xi32>
      %sub3A_197 = arith.subi %get3A_190, %sub3A_196 : vector<16xi32>
      %lt3A_198 = arith.constant 120 : i32
      %lt3A_199 = vector.broadcast %lt3A_198 : i32 to vector<16xi32>
      %lt3A_200 = arith.cmpi ult, %sub3A_197, %lt3A_199 : vector<16xi32>
      tpu.vector_store_idx %arg7[%sub3A_197, %add3A_194], %broadcast_in_dim3A_5 masked %lt3A_200 : memref<120x512xf32, #tpu.memory_space<vmem>>[vector<16xi32>, vector<16xi32>], vector<16xf32>, vector<16xi1>
      %scan3A_201 = arith.constant 4 : i32
      %scan3A_202 = arith.addi %scan3A_141, %scan3A_201 : i32
      %mul3A_203 = arith.constant 16 : i32
      %mul3A_204 = arith.muli %scan3A_202, %mul3A_203 : i32
      %get3A_205 = arith.index_cast %mul3A_204 : i32 to index
      %get3A_206 = tpu.vector_load %arg5[%get3A_205] {strides = array<i32>} : memref<512xi32, #tpu.memory_space<vmem>>, vector<16xi32>,
      %mul3A_207 = arith.constant 16 : i32
      %mul3A_208 = arith.muli %scan3A_202, %mul3A_207 : i32
      %add3A_209 = vector.broadcast %mul3A_208 : i32 to vector<16xi32>
      %add3A_210 = arith.addi %add3A_209, %iota3A : vector<16xi32>
      %sub3A_211 = arith.constant 120 : i32
      %sub3A_212 = vector.broadcast %sub3A_211 : i32 to vector<16xi32>
      %sub3A_213 = arith.subi %get3A_206, %sub3A_212 : vector<16xi32>
      %lt3A_214 = arith.constant 120 : i32
      %lt3A_215 = vector.broadcast %lt3A_214 : i32 to vector<16xi32>
      %lt3A_216 = arith.cmpi ult, %sub3A_213, %lt3A_215 : vector<16xi32>
      tpu.vector_store_idx %arg7[%sub3A_213, %add3A_210], %broadcast_in_dim3A_5 masked %lt3A_216 : memref<120x512xf32, #tpu.memory_space<vmem>>[vector<16xi32>, vector<16xi32>], vector<16xf32>, vector<16xi1>
      %scan3A_217 = arith.constant 5 : i32
      %scan3A_218 = arith.addi %scan3A_141, %scan3A_217 : i32
      %mul3A_219 = arith.constant 16 : i32
      %mul3A_220 = arith.muli %scan3A_218, %mul3A_219 : i32
      %get3A_221 = arith.index_cast %mul3A_220 : i32 to index
      %get3A_222 = tpu.vector_load %arg5[%get3A_221] {strides = array<i32>} : memref<512xi32, #tpu.memory_space<vmem>>, vector<16xi32>,
      %mul3A_223 = arith.constant 16 : i32
      %mul3A_224 = arith.muli %scan3A_218, %mul3A_223 : i32
      %add3A_225 = vector.broadcast %mul3A_224 : i32 to vector<16xi32>
      %add3A_226 = arith.addi %add3A_225, %iota3A : vector<16xi32>
      %sub3A_227 = arith.constant 120 : i32
      %sub3A_228 = vector.broadcast %sub3A_227 : i32 to vector<16xi32>
      %sub3A_229 = arith.subi %get3A_222, %sub3A_228 : vector<16xi32>
      %lt3A_230 = arith.constant 120 : i32
      %lt3A_231 = vector.broadcast %lt3A_230 : i32 to vector<16xi32>
      %lt3A_232 = arith.cmpi ult, %sub3A_229, %lt3A_231 : vector<16xi32>
      tpu.vector_store_idx %arg7[%sub3A_229, %add3A_226], %broadcast_in_dim3A_5 masked %lt3A_232 : memref<120x512xf32, #tpu.memory_space<vmem>>[vector<16xi32>, vector<16xi32>], vector<16xf32>, vector<16xi1>
      %scan3A_233 = arith.constant 6 : i32
      %scan3A_234 = arith.addi %scan3A_141, %scan3A_233 : i32
      %mul3A_235 = arith.constant 16 : i32
      %mul3A_236 = arith.muli %scan3A_234, %mul3A_235 : i32
      %get3A_237 = arith.index_cast %mul3A_236 : i32 to index
      %get3A_238 = tpu.vector_load %arg5[%get3A_237] {strides = array<i32>} : memref<512xi32, #tpu.memory_space<vmem>>, vector<16xi32>,
      %mul3A_239 = arith.constant 16 : i32
      %mul3A_240 = arith.muli %scan3A_234, %mul3A_239 : i32
      %add3A_241 = vector.broadcast %mul3A_240 : i32 to vector<16xi32>
      %add3A_242 = arith.addi %add3A_241, %iota3A : vector<16xi32>
      %sub3A_243 = arith.constant 120 : i32
      %sub3A_244 = vector.broadcast %sub3A_243 : i32 to vector<16xi32>
      %sub3A_245 = arith.subi %get3A_238, %sub3A_244 : vector<16xi32>
      %lt3A_246 = arith.constant 120 : i32
      %lt3A_247 = vector.broadcast %lt3A_246 : i32 to vector<16xi32>
      %lt3A_248 = arith.cmpi ult, %sub3A_245, %lt3A_247 : vector<16xi32>
      tpu.vector_store_idx %arg7[%sub3A_245, %add3A_242], %broadcast_in_dim3A_5 masked %lt3A_248 : memref<120x512xf32, #tpu.memory_space<vmem>>[vector<16xi32>, vector<16xi32>], vector<16xf32>, vector<16xi1>
      %scan3A_249 = arith.constant 7 : i32
      %scan3A_250 = arith.addi %scan3A_141, %scan3A_249 : i32
      %mul3A_251 = arith.constant 16 : i32
      %mul3A_252 = arith.muli %scan3A_250, %mul3A_251 : i32
      %get3A_253 = arith.index_cast %mul3A_252 : i32 to index
      %get3A_254 = tpu.vector_load %arg5[%get3A_253] {strides = array<i32>} : memref<512xi32, #tpu.memory_space<vmem>>, vector<16xi32>,
      %mul3A_255 = arith.constant 16 : i32
      %mul3A_256 = arith.muli %scan3A_250, %mul3A_255 : i32
      %add3A_257 = vector.broadcast %mul3A_256 : i32 to vector<16xi32>
      %add3A_258 = arith.addi %add3A_257, %iota3A : vector<16xi32>
      %sub3A_259 = arith.constant 120 : i32
      %sub3A_260 = vector.broadcast %sub3A_259 : i32 to vector<16xi32>
      %sub3A_261 = arith.subi %get3A_254, %sub3A_260 : vector<16xi32>
      %lt3A_262 = arith.constant 120 : i32
      %lt3A_263 = vector.broadcast %lt3A_262 : i32 to vector<16xi32>
      %lt3A_264 = arith.cmpi ult, %sub3A_261, %lt3A_263 : vector<16xi32>
      tpu.vector_store_idx %arg7[%sub3A_261, %add3A_258], %broadcast_in_dim3A_5 masked %lt3A_264 : memref<120x512xf32, #tpu.memory_space<vmem>>[vector<16xi32>, vector<16xi32>], vector<16xf32>, vector<16xi1>
    }
    %scan3A_19 = arith.constant 32 : i32
    %dma_start3A_20 = arith.constant 120 : i32
    %dma_start3A_21 = tpu.memref_slice %arg4[%dma_start3A_20, %mul3A_2] : memref<1000x16384xf32, #tpu.memory_space<hbm>> -> memref<120x512xf32, #tpu.memory_space<hbm>>
    %dma_start3A_22 = arith.constant 120 : i32
    %dma_start3A_23 = tpu.memref_slice %arg4[%dma_start3A_22, %mul3A_2] : memref<1000x16384xf32, #tpu.memory_space<hbm>> -> memref<120x512xf32, #tpu.memory_space<hbm>>
    tpu.enqueue_dma source(%arg7 : memref<120x512xf32, #tpu.memory_space<vmem>>) target(%dma_start3A_23 : memref<120x512xf32, #tpu.memory_space<hbm>>) target_semaphore(%arg9 : memref<!tpu.dma_semaphore, #tpu.memory_space<semaphore_mem>>)
    %dma_wait3A = arith.constant 0 : i32
    %dma_wait3A_24 = tpu.memref_slice %arg4[%dma_wait3A, %mul3A_2] : memref<1000x16384xf32, #tpu.memory_space<hbm>> -> memref<120x512xf32, #tpu.memory_space<hbm>>
    %dma_wait3A_25 = arith.constant 0 : i32
    %dma_wait3A_26 = tpu.memref_slice %arg4[%dma_wait3A_25, %mul3A_2] : memref<1000x16384xf32, #tpu.memory_space<hbm>> -> memref<120x512xf32, #tpu.memory_space<hbm>>
    tpu.wait_dma2 semaphore(%arg8 : memref<!tpu.dma_semaphore, #tpu.memory_space<semaphore_mem>>) src(%arg6 : memref<120x512xf32, #tpu.memory_space<vmem>>) dst(%dma_wait3A_26 : memref<120x512xf32, #tpu.memory_space<hbm>>)
    %scan3A_27 = arith.constant 0 : i32
    %scan3A_28 = arith.constant 0 : i32
    %scan3A_29 = arith.constant 32 : i32
    %scan3A_30 = arith.addi %scan3A_28, %scan3A_29 : i32
    %scan3A_31 = arith.constant 8 : i32
    scf.for %scan3A_141 = %scan3A_28 to %scan3A_30 step %scan3A_31  : i32 {
      %mul3A_142 = arith.constant 16 : i32
      %mul3A_143 = arith.muli %scan3A_141, %mul3A_142 : i32
      %get3A = arith.index_cast %mul3A_143 : i32 to index
      %get3A_144 = tpu.vector_load %arg5[%get3A] {strides = array<i32>} : memref<512xi32, #tpu.memory_space<vmem>>, vector<16xi32>,
      %mul3A_145 = arith.constant 16 : i32
      %mul3A_146 = arith.muli %scan3A_141, %mul3A_145 : i32
      %add3A_147 = vector.broadcast %mul3A_146 : i32 to vector<16xi32>
      %add3A_148 = arith.addi %add3A_147, %iota3A : vector<16xi32>
      %sub3A = arith.constant 0 : i32
      %sub3A_149 = vector.broadcast %sub3A : i32 to vector<16xi32>
      %sub3A_150 = arith.subi %get3A_144, %sub3A_149 : vector<16xi32>
      %lt3A = arith.constant 120 : i32
      %lt3A_151 = vector.broadcast %lt3A : i32 to vector<16xi32>
      %lt3A_152 = arith.cmpi ult, %sub3A_150, %lt3A_151 : vector<16xi32>
      tpu.vector_store_idx %arg6[%sub3A_150, %add3A_148], %broadcast_in_dim3A_3 masked %lt3A_152 : memref<120x512xf32, #tpu.memory_space<vmem>>[vector<16xi32>, vector<16xi32>], vector<16xf32>, vector<16xi1>
      %sub3A_153 = arith.constant 240 : i32
      %sub3A_154 = vector.broadcast %sub3A_153 : i32 to vector<16xi32>
      %sub3A_155 = arith.subi %get3A_144, %sub3A_154 : vector<16xi32>
      %lt3A_156 = arith.constant 120 : i32
      %lt3A_157 = vector.broadcast %lt3A_156 : i32 to vector<16xi32>
      %lt3A_158 = arith.cmpi ult, %sub3A_155, %lt3A_157 : vector<16xi32>
      tpu.vector_store_idx %arg6[%sub3A_155, %add3A_148], %broadcast_in_dim3A_5 masked %lt3A_158 : memref<120x512xf32, #tpu.memory_space<vmem>>[vector<16xi32>, vector<16xi32>], vector<16xf32>, vector<16xi1>
      %scan3A_159 = arith.constant 1 : i32
      %scan3A_160 = arith.addi %scan3A_141, %scan3A_159 : i32
      %mul3A_161 = arith.constant 16 : i32
      %mul3A_162 = arith.muli %scan3A_160, %mul3A_161 : i32
      %get3A_163 = arith.index_cast %mul3A_162 : i32 to index
      %get3A_164 = tpu.vector_load %arg5[%get3A_163] {strides = array<i32>} : memref<512xi32, #tpu.memory_space<vmem>>, vector<16xi32>,
      %mul3A_165 = arith.constant 16 : i32
      %mul3A_166 = arith.muli %scan3A_160, %mul3A_165 : i32
      %add3A_167 = vector.broadcast %mul3A_166 : i32 to vector<16xi32>
      %add3A_168 = arith.addi %add3A_167, %iota3A : vector<16xi32>
      %sub3A_169 = arith.constant 0 : i32
      %sub3A_170 = vector.broadcast %sub3A_169 : i32 to vector<16xi32>
      %sub3A_171 = arith.subi %get3A_164, %sub3A_170 : vector<16xi32>
      %lt3A_172 = arith.constant 120 : i32
      %lt3A_173 = vector.broadcast %lt3A_172 : i32 to vector<16xi32>
      %lt3A_174 = arith.cmpi ult, %sub3A_171, %lt3A_173 : vector<16xi32>
      tpu.vector_store_idx %arg6[%sub3A_171, %add3A_168], %broadcast_in_dim3A_3 masked %lt3A_174 : memref<120x512xf32, #tpu.memory_space<vmem>>[vector<16xi32>, vector<16xi32>], vector<16xf32>, vector<16xi1>
      %sub3A_175 = arith.constant 240 : i32
      %sub3A_176 = vector.broadcast %sub3A_175 : i32 to vector<16xi32>
      %sub3A_177 = arith.subi %get3A_164, %sub3A_176 : vector<16xi32>
      %lt3A_178 = arith.constant 120 : i32
      %lt3A_179 = vector.broadcast %lt3A_178 : i32 to vector<16xi32>
      %lt3A_180 = arith.cmpi ult, %sub3A_177, %lt3A_179 : vector<16xi32>
      tpu.vector_store_idx %arg6[%sub3A_177, %add3A_168], %broadcast_in_dim3A_5 masked %lt3A_180 : memref<120x512xf32, #tpu.memory_space<vmem>>[vector<16xi32>, vector<16xi32>], vector<16xf32>, vector<16xi1>
      %scan3A_181 = arith.constant 2 : i32
      %scan3A_182 = arith.addi %scan3A_141, %scan3A_181 : i32
      %mul3A_183 = arith.constant 16 : i32
      %mul3A_184 = arith.muli %scan3A_182, %mul3A_183 : i32
      %get3A_185 = arith.index_cast %mul3A_184 : i32 to index
      %get3A_186 = tpu.vector_load %arg5[%get3A_185] {strides = array<i32>} : memref<512xi32, #tpu.memory_space<vmem>>, vector<16xi32>,
      %mul3A_187 = arith.constant 16 : i32
      %mul3A_188 = arith.muli %scan3A_182, %mul3A_187 : i32
      %add3A_189 = vector.broadcast %mul3A_188 : i32 to vector<16xi32>
      %add3A_190 = arith.addi %add3A_189, %iota3A : vector<16xi32>
      %sub3A_191 = arith.constant 0 : i32
      %sub3A_192 = vector.broadcast %sub3A_191 : i32 to vector<16xi32>
      %sub3A_193 = arith.subi %get3A_186, %sub3A_192 : vector<16xi32>
      %lt3A_194 = arith.constant 120 : i32
      %lt3A_195 = vector.broadcast %lt3A_194 : i32 to vector<16xi32>
      %lt3A_196 = arith.cmpi ult, %sub3A_193, %lt3A_195 : vector<16xi32>
      tpu.vector_store_idx %arg6[%sub3A_193, %add3A_190], %broadcast_in_dim3A_3 masked %lt3A_196 : memref<120x512xf32, #tpu.memory_space<vmem>>[vector<16xi32>, vector<16xi32>], vector<16xf32>, vector<16xi1>
      %sub3A_197 = arith.constant 240 : i32
      %sub3A_198 = vector.broadcast %sub3A_197 : i32 to vector<16xi32>
      %sub3A_199 = arith.subi %get3A_186, %sub3A_198 : vector<16xi32>
      %lt3A_200 = arith.constant 120 : i32
      %lt3A_201 = vector.broadcast %lt3A_200 : i32 to vector<16xi32>
      %lt3A_202 = arith.cmpi ult, %sub3A_199, %lt3A_201 : vector<16xi32>
      tpu.vector_store_idx %arg6[%sub3A_199, %add3A_190], %broadcast_in_dim3A_5 masked %lt3A_202 : memref<120x512xf32, #tpu.memory_space<vmem>>[vector<16xi32>, vector<16xi32>], vector<16xf32>, vector<16xi1>
      %scan3A_203 = arith.constant 3 : i32
      %scan3A_204 = arith.addi %scan3A_141, %scan3A_203 : i32
      %mul3A_205 = arith.constant 16 : i32
      %mul3A_206 = arith.muli %scan3A_204, %mul3A_205 : i32
      %get3A_207 = arith.index_cast %mul3A_206 : i32 to index
      %get3A_208 = tpu.vector_load %arg5[%get3A_207] {strides = array<i32>} : memref<512xi32, #tpu.memory_space<vmem>>, vector<16xi32>,
      %mul3A_209 = arith.constant 16 : i32
      %mul3A_210 = arith.muli %scan3A_204, %mul3A_209 : i32
      %add3A_211 = vector.broadcast %mul3A_210 : i32 to vector<16xi32>
      %add3A_212 = arith.addi %add3A_211, %iota3A : vector<16xi32>
      %sub3A_213 = arith.constant 0 : i32
      %sub3A_214 = vector.broadcast %sub3A_213 : i32 to vector<16xi32>
      %sub3A_215 = arith.subi %get3A_208, %sub3A_214 : vector<16xi32>
      %lt3A_216 = arith.constant 120 : i32
      %lt3A_217 = vector.broadcast %lt3A_216 : i32 to vector<16xi32>
      %lt3A_218 = arith.cmpi ult, %sub3A_215, %lt3A_217 : vector<16xi32>
      tpu.vector_store_idx %arg6[%sub3A_215, %add3A_212], %broadcast_in_dim3A_3 masked %lt3A_218 : memref<120x512xf32, #tpu.memory_space<vmem>>[vector<16xi32>, vector<16xi32>], vector<16xf32>, vector<16xi1>
      %sub3A_219 = arith.constant 240 : i32
      %sub3A_220 = vector.broadcast %sub3A_219 : i32 to vector<16xi32>
      %sub3A_221 = arith.subi %get3A_208, %sub3A_220 : vector<16xi32>
      %lt3A_222 = arith.constant 120 : i32
      %lt3A_223 = vector.broadcast %lt3A_222 : i32 to vector<16xi32>
      %lt3A_224 = arith.cmpi ult, %sub3A_221, %lt3A_223 : vector<16xi32>
      tpu.vector_store_idx %arg6[%sub3A_221, %add3A_212], %broadcast_in_dim3A_5 masked %lt3A_224 : memref<120x512xf32, #tpu.memory_space<vmem>>[vector<16xi32>, vector<16xi32>], vector<16xf32>, vector<16xi1>
      %scan3A_225 = arith.constant 4 : i32
      %scan3A_226 = arith.addi %scan3A_141, %scan3A_225 : i32
      %mul3A_227 = arith.constant 16 : i32
      %mul3A_228 = arith.muli %scan3A_226, %mul3A_227 : i32
      %get3A_229 = arith.index_cast %mul3A_228 : i32 to index
      %get3A_230 = tpu.vector_load %arg5[%get3A_229] {strides = array<i32>} : memref<512xi32, #tpu.memory_space<vmem>>, vector<16xi32>,
      %mul3A_231 = arith.constant 16 : i32
      %mul3A_232 = arith.muli %scan3A_226, %mul3A_231 : i32
      %add3A_233 = vector.broadcast %mul3A_232 : i32 to vector<16xi32>
      %add3A_234 = arith.addi %add3A_233, %iota3A : vector<16xi32>
      %sub3A_235 = arith.constant 0 : i32
      %sub3A_236 = vector.broadcast %sub3A_235 : i32 to vector<16xi32>
      %sub3A_237 = arith.subi %get3A_230, %sub3A_236 : vector<16xi32>
      %lt3A_238 = arith.constant 120 : i32
      %lt3A_239 = vector.broadcast %lt3A_238 : i32 to vector<16xi32>
      %lt3A_240 = arith.cmpi ult, %sub3A_237, %lt3A_239 : vector<16xi32>
      tpu.vector_store_idx %arg6[%sub3A_237, %add3A_234], %broadcast_in_dim3A_3 masked %lt3A_240 : memref<120x512xf32, #tpu.memory_space<vmem>>[vector<16xi32>, vector<16xi32>], vector<16xf32>, vector<16xi1>
      %sub3A_241 = arith.constant 240 : i32
      %sub3A_242 = vector.broadcast %sub3A_241 : i32 to vector<16xi32>
      %sub3A_243 = arith.subi %get3A_230, %sub3A_242 : vector<16xi32>
      %lt3A_244 = arith.constant 120 : i32
      %lt3A_245 = vector.broadcast %lt3A_244 : i32 to vector<16xi32>
      %lt3A_246 = arith.cmpi ult, %sub3A_243, %lt3A_245 : vector<16xi32>
      tpu.vector_store_idx %arg6[%sub3A_243, %add3A_234], %broadcast_in_dim3A_5 masked %lt3A_246 : memref<120x512xf32, #tpu.memory_space<vmem>>[vector<16xi32>, vector<16xi32>], vector<16xf32>, vector<16xi1>
      %scan3A_247 = arith.constant 5 : i32
      %scan3A_248 = arith.addi %scan3A_141, %scan3A_247 : i32
      %mul3A_249 = arith.constant 16 : i32
      %mul3A_250 = arith.muli %scan3A_248, %mul3A_249 : i32
      %get3A_251 = arith.index_cast %mul3A_250 : i32 to index
      %get3A_252 = tpu.vector_load %arg5[%get3A_251] {strides = array<i32>} : memref<512xi32, #tpu.memory_space<vmem>>, vector<16xi32>,
      %mul3A_253 = arith.constant 16 : i32
      %mul3A_254 = arith.muli %scan3A_248, %mul3A_253 : i32
      %add3A_255 = vector.broadcast %mul3A_254 : i32 to vector<16xi32>
      %add3A_256 = arith.addi %add3A_255, %iota3A : vector<16xi32>
      %sub3A_257 = arith.constant 0 : i32
      %sub3A_258 = vector.broadcast %sub3A_257 : i32 to vector<16xi32>
      %sub3A_259 = arith.subi %get3A_252, %sub3A_258 : vector<16xi32>
      %lt3A_260 = arith.constant 120 : i32
      %lt3A_261 = vector.broadcast %lt3A_260 : i32 to vector<16xi32>
      %lt3A_262 = arith.cmpi ult, %sub3A_259, %lt3A_261 : vector<16xi32>
      tpu.vector_store_idx %arg6[%sub3A_259, %add3A_256], %broadcast_in_dim3A_3 masked %lt3A_262 : memref<120x512xf32, #tpu.memory_space<vmem>>[vector<16xi32>, vector<16xi32>], vector<16xf32>, vector<16xi1>
      %sub3A_263 = arith.constant 240 : i32
      %sub3A_264 = vector.broadcast %sub3A_263 : i32 to vector<16xi32>
      %sub3A_265 = arith.subi %get3A_252, %sub3A_264 : vector<16xi32>
      %lt3A_266 = arith.constant 120 : i32
      %lt3A_267 = vector.broadcast %lt3A_266 : i32 to vector<16xi32>
      %lt3A_268 = arith.cmpi ult, %sub3A_265, %lt3A_267 : vector<16xi32>
      tpu.vector_store_idx %arg6[%sub3A_265, %add3A_256], %broadcast_in_dim3A_5 masked %lt3A_268 : memref<120x512xf32, #tpu.memory_space<vmem>>[vector<16xi32>, vector<16xi32>], vector<16xf32>, vector<16xi1>
      %scan3A_269 = arith.constant 6 : i32
      %scan3A_270 = arith.addi %scan3A_141, %scan3A_269 : i32
      %mul3A_271 = arith.constant 16 : i32
      %mul3A_272 = arith.muli %scan3A_270, %mul3A_271 : i32
      %get3A_273 = arith.index_cast %mul3A_272 : i32 to index
      %get3A_274 = tpu.vector_load %arg5[%get3A_273] {strides = array<i32>} : memref<512xi32, #tpu.memory_space<vmem>>, vector<16xi32>,
      %mul3A_275 = arith.constant 16 : i32
      %mul3A_276 = arith.muli %scan3A_270, %mul3A_275 : i32
      %add3A_277 = vector.broadcast %mul3A_276 : i32 to vector<16xi32>
      %add3A_278 = arith.addi %add3A_277, %iota3A : vector<16xi32>
      %sub3A_279 = arith.constant 0 : i32
      %sub3A_280 = vector.broadcast %sub3A_279 : i32 to vector<16xi32>
      %sub3A_281 = arith.subi %get3A_274, %sub3A_280 : vector<16xi32>
      %lt3A_282 = arith.constant 120 : i32
      %lt3A_283 = vector.broadcast %lt3A_282 : i32 to vector<16xi32>
      %lt3A_284 = arith.cmpi ult, %sub3A_281, %lt3A_283 : vector<16xi32>
      tpu.vector_store_idx %arg6[%sub3A_281, %add3A_278], %broadcast_in_dim3A_3 masked %lt3A_284 : memref<120x512xf32, #tpu.memory_space<vmem>>[vector<16xi32>, vector<16xi32>], vector<16xf32>, vector<16xi1>
      %sub3A_285 = arith.constant 240 : i32
      %sub3A_286 = vector.broadcast %sub3A_285 : i32 to vector<16xi32>
      %sub3A_287 = arith.subi %get3A_274, %sub3A_286 : vector<16xi32>
      %lt3A_288 = arith.constant 120 : i32
      %lt3A_289 = vector.broadcast %lt3A_288 : i32 to vector<16xi32>
      %lt3A_290 = arith.cmpi ult, %sub3A_287, %lt3A_289 : vector<16xi32>
      tpu.vector_store_idx %arg6[%sub3A_287, %add3A_278], %broadcast_in_dim3A_5 masked %lt3A_290 : memref<120x512xf32, #tpu.memory_space<vmem>>[vector<16xi32>, vector<16xi32>], vector<16xf32>, vector<16xi1>
      %scan3A_291 = arith.constant 7 : i32
      %scan3A_292 = arith.addi %scan3A_141, %scan3A_291 : i32
      %mul3A_293 = arith.constant 16 : i32
      %mul3A_294 = arith.muli %scan3A_292, %mul3A_293 : i32
      %get3A_295 = arith.index_cast %mul3A_294 : i32 to index
      %get3A_296 = tpu.vector_load %arg5[%get3A_295] {strides = array<i32>} : memref<512xi32, #tpu.memory_space<vmem>>, vector<16xi32>,
      %mul3A_297 = arith.constant 16 : i32
      %mul3A_298 = arith.muli %scan3A_292, %mul3A_297 : i32
      %add3A_299 = vector.broadcast %mul3A_298 : i32 to vector<16xi32>
      %add3A_300 = arith.addi %add3A_299, %iota3A : vector<16xi32>
      %sub3A_301 = arith.constant 0 : i32
      %sub3A_302 = vector.broadcast %sub3A_301 : i32 to vector<16xi32>
      %sub3A_303 = arith.subi %get3A_296, %sub3A_302 : vector<16xi32>
      %lt3A_304 = arith.constant 120 : i32
      %lt3A_305 = vector.broadcast %lt3A_304 : i32 to vector<16xi32>
      %lt3A_306 = arith.cmpi ult, %sub3A_303, %lt3A_305 : vector<16xi32>
      tpu.vector_store_idx %arg6[%sub3A_303, %add3A_300], %broadcast_in_dim3A_3 masked %lt3A_306 : memref<120x512xf32, #tpu.memory_space<vmem>>[vector<16xi32>, vector<16xi32>], vector<16xf32>, vector<16xi1>
      %sub3A_307 = arith.constant 240 : i32
      %sub3A_308 = vector.broadcast %sub3A_307 : i32 to vector<16xi32>
      %sub3A_309 = arith.subi %get3A_296, %sub3A_308 : vector<16xi32>
      %lt3A_310 = arith.constant 120 : i32
      %lt3A_311 = vector.broadcast %lt3A_310 : i32 to vector<16xi32>
      %lt3A_312 = arith.cmpi ult, %sub3A_309, %lt3A_311 : vector<16xi32>
      tpu.vector_store_idx %arg6[%sub3A_309, %add3A_300], %broadcast_in_dim3A_5 masked %lt3A_312 : memref<120x512xf32, #tpu.memory_space<vmem>>[vector<16xi32>, vector<16xi32>], vector<16xf32>, vector<16xi1>
    }
    %scan3A_32 = arith.constant 32 : i32
    %dma_start3A_33 = arith.constant 240 : i32
    %dma_start3A_34 = tpu.memref_slice %arg4[%dma_start3A_33, %mul3A_2] : memref<1000x16384xf32, #tpu.memory_space<hbm>> -> memref<120x512xf32, #tpu.memory_space<hbm>>
    %dma_start3A_35 = arith.constant 240 : i32
    %dma_start3A_36 = tpu.memref_slice %arg4[%dma_start3A_35, %mul3A_2] : memref<1000x16384xf32, #tpu.memory_space<hbm>> -> memref<120x512xf32, #tpu.memory_space<hbm>>
    tpu.enqueue_dma source(%arg6 : memref<120x512xf32, #tpu.memory_space<vmem>>) target(%dma_start3A_36 : memref<120x512xf32, #tpu.memory_space<hbm>>) target_semaphore(%arg8 : memref<!tpu.dma_semaphore, #tpu.memory_space<semaphore_mem>>)
    %dma_wait3A_37 = arith.constant 120 : i32
    %dma_wait3A_38 = tpu.memref_slice %arg4[%dma_wait3A_37, %mul3A_2] : memref<1000x16384xf32, #tpu.memory_space<hbm>> -> memref<120x512xf32, #tpu.memory_space<hbm>>
    %dma_wait3A_39 = arith.constant 120 : i32
    %dma_wait3A_40 = tpu.memref_slice %arg4[%dma_wait3A_39, %mul3A_2] : memref<1000x16384xf32, #tpu.memory_space<hbm>> -> memref<120x512xf32, #tpu.memory_space<hbm>>
    tpu.wait_dma2 semaphore(%arg9 : memref<!tpu.dma_semaphore, #tpu.memory_space<semaphore_mem>>) src(%arg7 : memref<120x512xf32, #tpu.memory_space<vmem>>) dst(%dma_wait3A_40 : memref<120x512xf32, #tpu.memory_space<hbm>>)
    %scan3A_41 = arith.constant 0 : i32
    %scan3A_42 = arith.constant 0 : i32
    %scan3A_43 = arith.constant 32 : i32
    %scan3A_44 = arith.addi %scan3A_42, %scan3A_43 : i32
    %scan3A_45 = arith.constant 8 : i32
    scf.for %scan3A_141 = %scan3A_42 to %scan3A_44 step %scan3A_45  : i32 {
      %mul3A_142 = arith.constant 16 : i32
      %mul3A_143 = arith.muli %scan3A_141, %mul3A_142 : i32
      %get3A = arith.index_cast %mul3A_143 : i32 to index
      %get3A_144 = tpu.vector_load %arg5[%get3A] {strides = array<i32>} : memref<512xi32, #tpu.memory_space<vmem>>, vector<16xi32>,
      %mul3A_145 = arith.constant 16 : i32
      %mul3A_146 = arith.muli %scan3A_141, %mul3A_145 : i32
      %add3A_147 = vector.broadcast %mul3A_146 : i32 to vector<16xi32>
      %add3A_148 = arith.addi %add3A_147, %iota3A : vector<16xi32>
      %sub3A = arith.constant 120 : i32
      %sub3A_149 = vector.broadcast %sub3A : i32 to vector<16xi32>
      %sub3A_150 = arith.subi %get3A_144, %sub3A_149 : vector<16xi32>
      %lt3A = arith.constant 120 : i32
      %lt3A_151 = vector.broadcast %lt3A : i32 to vector<16xi32>
      %lt3A_152 = arith.cmpi ult, %sub3A_150, %lt3A_151 : vector<16xi32>
      tpu.vector_store_idx %arg7[%sub3A_150, %add3A_148], %broadcast_in_dim3A_3 masked %lt3A_152 : memref<120x512xf32, #tpu.memory_space<vmem>>[vector<16xi32>, vector<16xi32>], vector<16xf32>, vector<16xi1>
      %sub3A_153 = arith.constant 360 : i32
      %sub3A_154 = vector.broadcast %sub3A_153 : i32 to vector<16xi32>
      %sub3A_155 = arith.subi %get3A_144, %sub3A_154 : vector<16xi32>
      %lt3A_156 = arith.constant 120 : i32
      %lt3A_157 = vector.broadcast %lt3A_156 : i32 to vector<16xi32>
      %lt3A_158 = arith.cmpi ult, %sub3A_155, %lt3A_157 : vector<16xi32>
      tpu.vector_store_idx %arg7[%sub3A_155, %add3A_148], %broadcast_in_dim3A_5 masked %lt3A_158 : memref<120x512xf32, #tpu.memory_space<vmem>>[vector<16xi32>, vector<16xi32>], vector<16xf32>, vector<16xi1>
      %scan3A_159 = arith.constant 1 : i32
      %scan3A_160 = arith.addi %scan3A_141, %scan3A_159 : i32
      %mul3A_161 = arith.constant 16 : i32
      %mul3A_162 = arith.muli %scan3A_160, %mul3A_161 : i32
      %get3A_163 = arith.index_cast %mul3A_162 : i32 to index
      %get3A_164 = tpu.vector_load %arg5[%get3A_163] {strides = array<i32>} : memref<512xi32, #tpu.memory_space<vmem>>, vector<16xi32>,
      %mul3A_165 = arith.constant 16 : i32
      %mul3A_166 = arith.muli %scan3A_160, %mul3A_165 : i32
      %add3A_167 = vector.broadcast %mul3A_166 : i32 to vector<16xi32>
      %add3A_168 = arith.addi %add3A_167, %iota3A : vector<16xi32>
      %sub3A_169 = arith.constant 120 : i32
      %sub3A_170 = vector.broadcast %sub3A_169 : i32 to vector<16xi32>
      %sub3A_171 = arith.subi %get3A_164, %sub3A_170 : vector<16xi32>
      %lt3A_172 = arith.constant 120 : i32
      %lt3A_173 = vector.broadcast %lt3A_172 : i32 to vector<16xi32>
      %lt3A_174 = arith.cmpi ult, %sub3A_171, %lt3A_173 : vector<16xi32>
      tpu.vector_store_idx %arg7[%sub3A_171, %add3A_168], %broadcast_in_dim3A_3 masked %lt3A_174 : memref<120x512xf32, #tpu.memory_space<vmem>>[vector<16xi32>, vector<16xi32>], vector<16xf32>, vector<16xi1>
      %sub3A_175 = arith.constant 360 : i32
      %sub3A_176 = vector.broadcast %sub3A_175 : i32 to vector<16xi32>
      %sub3A_177 = arith.subi %get3A_164, %sub3A_176 : vector<16xi32>
      %lt3A_178 = arith.constant 120 : i32
      %lt3A_179 = vector.broadcast %lt3A_178 : i32 to vector<16xi32>
      %lt3A_180 = arith.cmpi ult, %sub3A_177, %lt3A_179 : vector<16xi32>
      tpu.vector_store_idx %arg7[%sub3A_177, %add3A_168], %broadcast_in_dim3A_5 masked %lt3A_180 : memref<120x512xf32, #tpu.memory_space<vmem>>[vector<16xi32>, vector<16xi32>], vector<16xf32>, vector<16xi1>
      %scan3A_181 = arith.constant 2 : i32
      %scan3A_182 = arith.addi %scan3A_141, %scan3A_181 : i32
      %mul3A_183 = arith.constant 16 : i32
      %mul3A_184 = arith.muli %scan3A_182, %mul3A_183 : i32
      %get3A_185 = arith.index_cast %mul3A_184 : i32 to index
      %get3A_186 = tpu.vector_load %arg5[%get3A_185] {strides = array<i32>} : memref<512xi32, #tpu.memory_space<vmem>>, vector<16xi32>,
      %mul3A_187 = arith.constant 16 : i32
      %mul3A_188 = arith.muli %scan3A_182, %mul3A_187 : i32
      %add3A_189 = vector.broadcast %mul3A_188 : i32 to vector<16xi32>
      %add3A_190 = arith.addi %add3A_189, %iota3A : vector<16xi32>
      %sub3A_191 = arith.constant 120 : i32
      %sub3A_192 = vector.broadcast %sub3A_191 : i32 to vector<16xi32>
      %sub3A_193 = arith.subi %get3A_186, %sub3A_192 : vector<16xi32>
      %lt3A_194 = arith.constant 120 : i32
      %lt3A_195 = vector.broadcast %lt3A_194 : i32 to vector<16xi32>
      %lt3A_196 = arith.cmpi ult, %sub3A_193, %lt3A_195 : vector<16xi32>
      tpu.vector_store_idx %arg7[%sub3A_193, %add3A_190], %broadcast_in_dim3A_3 masked %lt3A_196 : memref<120x512xf32, #tpu.memory_space<vmem>>[vector<16xi32>, vector<16xi32>], vector<16xf32>, vector<16xi1>
      %sub3A_197 = arith.constant 360 : i32
      %sub3A_198 = vector.broadcast %sub3A_197 : i32 to vector<16xi32>
      %sub3A_199 = arith.subi %get3A_186, %sub3A_198 : vector<16xi32>
      %lt3A_200 = arith.constant 120 : i32
      %lt3A_201 = vector.broadcast %lt3A_200 : i32 to vector<16xi32>
      %lt3A_202 = arith.cmpi ult, %sub3A_199, %lt3A_201 : vector<16xi32>
      tpu.vector_store_idx %arg7[%sub3A_199, %add3A_190], %broadcast_in_dim3A_5 masked %lt3A_202 : memref<120x512xf32, #tpu.memory_space<vmem>>[vector<16xi32>, vector<16xi32>], vector<16xf32>, vector<16xi1>
      %scan3A_203 = arith.constant 3 : i32
      %scan3A_204 = arith.addi %scan3A_141, %scan3A_203 : i32
      %mul3A_205 = arith.constant 16 : i32
      %mul3A_206 = arith.muli %scan3A_204, %mul3A_205 : i32
      %get3A_207 = arith.index_cast %mul3A_206 : i32 to index
      %get3A_208 = tpu.vector_load %arg5[%get3A_207] {strides = array<i32>} : memref<512xi32, #tpu.memory_space<vmem>>, vector<16xi32>,
      %mul3A_209 = arith.constant 16 : i32
      %mul3A_210 = arith.muli %scan3A_204, %mul3A_209 : i32
      %add3A_211 = vector.broadcast %mul3A_210 : i32 to vector<16xi32>
      %add3A_212 = arith.addi %add3A_211, %iota3A : vector<16xi32>
      %sub3A_213 = arith.constant 120 : i32
      %sub3A_214 = vector.broadcast %sub3A_213 : i32 to vector<16xi32>
      %sub3A_215 = arith.subi %get3A_208, %sub3A_214 : vector<16xi32>
      %lt3A_216 = arith.constant 120 : i32
      %lt3A_217 = vector.broadcast %lt3A_216 : i32 to vector<16xi32>
      %lt3A_218 = arith.cmpi ult, %sub3A_215, %lt3A_217 : vector<16xi32>
      tpu.vector_store_idx %arg7[%sub3A_215, %add3A_212], %broadcast_in_dim3A_3 masked %lt3A_218 : memref<120x512xf32, #tpu.memory_space<vmem>>[vector<16xi32>, vector<16xi32>], vector<16xf32>, vector<16xi1>
      %sub3A_219 = arith.constant 360 : i32
      %sub3A_220 = vector.broadcast %sub3A_219 : i32 to vector<16xi32>
      %sub3A_221 = arith.subi %get3A_208, %sub3A_220 : vector<16xi32>
      %lt3A_222 = arith.constant 120 : i32
      %lt3A_223 = vector.broadcast %lt3A_222 : i32 to vector<16xi32>
      %lt3A_224 = arith.cmpi ult, %sub3A_221, %lt3A_223 : vector<16xi32>
      tpu.vector_store_idx %arg7[%sub3A_221, %add3A_212], %broadcast_in_dim3A_5 masked %lt3A_224 : memref<120x512xf32, #tpu.memory_space<vmem>>[vector<16xi32>, vector<16xi32>], vector<16xf32>, vector<16xi1>
      %scan3A_225 = arith.constant 4 : i32
      %scan3A_226 = arith.addi %scan3A_141, %scan3A_225 : i32
      %mul3A_227 = arith.constant 16 : i32
      %mul3A_228 = arith.muli %scan3A_226, %mul3A_227 : i32
      %get3A_229 = arith.index_cast %mul3A_228 : i32 to index
      %get3A_230 = tpu.vector_load %arg5[%get3A_229] {strides = array<i32>} : memref<512xi32, #tpu.memory_space<vmem>>, vector<16xi32>,
      %mul3A_231 = arith.constant 16 : i32
      %mul3A_232 = arith.muli %scan3A_226, %mul3A_231 : i32
      %add3A_233 = vector.broadcast %mul3A_232 : i32 to vector<16xi32>
      %add3A_234 = arith.addi %add3A_233, %iota3A : vector<16xi32>
      %sub3A_235 = arith.constant 120 : i32
      %sub3A_236 = vector.broadcast %sub3A_235 : i32 to vector<16xi32>
      %sub3A_237 = arith.subi %get3A_230, %sub3A_236 : vector<16xi32>
      %lt3A_238 = arith.constant 120 : i32
      %lt3A_239 = vector.broadcast %lt3A_238 : i32 to vector<16xi32>
      %lt3A_240 = arith.cmpi ult, %sub3A_237, %lt3A_239 : vector<16xi32>
      tpu.vector_store_idx %arg7[%sub3A_237, %add3A_234], %broadcast_in_dim3A_3 masked %lt3A_240 : memref<120x512xf32, #tpu.memory_space<vmem>>[vector<16xi32>, vector<16xi32>], vector<16xf32>, vector<16xi1>
      %sub3A_241 = arith.constant 360 : i32
      %sub3A_242 = vector.broadcast %sub3A_241 : i32 to vector<16xi32>
      %sub3A_243 = arith.subi %get3A_230, %sub3A_242 : vector<16xi32>
      %lt3A_244 = arith.constant 120 : i32
      %lt3A_245 = vector.broadcast %lt3A_244 : i32 to vector<16xi32>
      %lt3A_246 = arith.cmpi ult, %sub3A_243, %lt3A_245 : vector<16xi32>
      tpu.vector_store_idx %arg7[%sub3A_243, %add3A_234], %broadcast_in_dim3A_5 masked %lt3A_246 : memref<120x512xf32, #tpu.memory_space<vmem>>[vector<16xi32>, vector<16xi32>], vector<16xf32>, vector<16xi1>
      %scan3A_247 = arith.constant 5 : i32
      %scan3A_248 = arith.addi %scan3A_141, %scan3A_247 : i32
      %mul3A_249 = arith.constant 16 : i32
      %mul3A_250 = arith.muli %scan3A_248, %mul3A_249 : i32
      %get3A_251 = arith.index_cast %mul3A_250 : i32 to index
      %get3A_252 = tpu.vector_load %arg5[%get3A_251] {strides = array<i32>} : memref<512xi32, #tpu.memory_space<vmem>>, vector<16xi32>,
      %mul3A_253 = arith.constant 16 : i32
      %mul3A_254 = arith.muli %scan3A_248, %mul3A_253 : i32
      %add3A_255 = vector.broadcast %mul3A_254 : i32 to vector<16xi32>
      %add3A_256 = arith.addi %add3A_255, %iota3A : vector<16xi32>
      %sub3A_257 = arith.constant 120 : i32
      %sub3A_258 = vector.broadcast %sub3A_257 : i32 to vector<16xi32>
      %sub3A_259 = arith.subi %get3A_252, %sub3A_258 : vector<16xi32>
      %lt3A_260 = arith.constant 120 : i32
      %lt3A_261 = vector.broadcast %lt3A_260 : i32 to vector<16xi32>
      %lt3A_262 = arith.cmpi ult, %sub3A_259, %lt3A_261 : vector<16xi32>
      tpu.vector_store_idx %arg7[%sub3A_259, %add3A_256], %broadcast_in_dim3A_3 masked %lt3A_262 : memref<120x512xf32, #tpu.memory_space<vmem>>[vector<16xi32>, vector<16xi32>], vector<16xf32>, vector<16xi1>
      %sub3A_263 = arith.constant 360 : i32
      %sub3A_264 = vector.broadcast %sub3A_263 : i32 to vector<16xi32>
      %sub3A_265 = arith.subi %get3A_252, %sub3A_264 : vector<16xi32>
      %lt3A_266 = arith.constant 120 : i32
      %lt3A_267 = vector.broadcast %lt3A_266 : i32 to vector<16xi32>
      %lt3A_268 = arith.cmpi ult, %sub3A_265, %lt3A_267 : vector<16xi32>
      tpu.vector_store_idx %arg7[%sub3A_265, %add3A_256], %broadcast_in_dim3A_5 masked %lt3A_268 : memref<120x512xf32, #tpu.memory_space<vmem>>[vector<16xi32>, vector<16xi32>], vector<16xf32>, vector<16xi1>
      %scan3A_269 = arith.constant 6 : i32
      %scan3A_270 = arith.addi %scan3A_141, %scan3A_269 : i32
      %mul3A_271 = arith.constant 16 : i32
      %mul3A_272 = arith.muli %scan3A_270, %mul3A_271 : i32
      %get3A_273 = arith.index_cast %mul3A_272 : i32 to index
      %get3A_274 = tpu.vector_load %arg5[%get3A_273] {strides = array<i32>} : memref<512xi32, #tpu.memory_space<vmem>>, vector<16xi32>,
      %mul3A_275 = arith.constant 16 : i32
      %mul3A_276 = arith.muli %scan3A_270, %mul3A_275 : i32
      %add3A_277 = vector.broadcast %mul3A_276 : i32 to vector<16xi32>
      %add3A_278 = arith.addi %add3A_277, %iota3A : vector<16xi32>
      %sub3A_279 = arith.constant 120 : i32
      %sub3A_280 = vector.broadcast %sub3A_279 : i32 to vector<16xi32>
      %sub3A_281 = arith.subi %get3A_274, %sub3A_280 : vector<16xi32>
      %lt3A_282 = arith.constant 120 : i32
      %lt3A_283 = vector.broadcast %lt3A_282 : i32 to vector<16xi32>
      %lt3A_284 = arith.cmpi ult, %sub3A_281, %lt3A_283 : vector<16xi32>
      tpu.vector_store_idx %arg7[%sub3A_281, %add3A_278], %broadcast_in_dim3A_3 masked %lt3A_284 : memref<120x512xf32, #tpu.memory_space<vmem>>[vector<16xi32>, vector<16xi32>], vector<16xf32>, vector<16xi1>
      %sub3A_285 = arith.constant 360 : i32
      %sub3A_286 = vector.broadcast %sub3A_285 : i32 to vector<16xi32>
      %sub3A_287 = arith.subi %get3A_274, %sub3A_286 : vector<16xi32>
      %lt3A_288 = arith.constant 120 : i32
      %lt3A_289 = vector.broadcast %lt3A_288 : i32 to vector<16xi32>
      %lt3A_290 = arith.cmpi ult, %sub3A_287, %lt3A_289 : vector<16xi32>
      tpu.vector_store_idx %arg7[%sub3A_287, %add3A_278], %broadcast_in_dim3A_5 masked %lt3A_290 : memref<120x512xf32, #tpu.memory_space<vmem>>[vector<16xi32>, vector<16xi32>], vector<16xf32>, vector<16xi1>
      %scan3A_291 = arith.constant 7 : i32
      %scan3A_292 = arith.addi %scan3A_141, %scan3A_291 : i32
      %mul3A_293 = arith.constant 16 : i32
      %mul3A_294 = arith.muli %scan3A_292, %mul3A_293 : i32
      %get3A_295 = arith.index_cast %mul3A_294 : i32 to index
      %get3A_296 = tpu.vector_load %arg5[%get3A_295] {strides = array<i32>} : memref<512xi32, #tpu.memory_space<vmem>>, vector<16xi32>,
      %mul3A_297 = arith.constant 16 : i32
      %mul3A_298 = arith.muli %scan3A_292, %mul3A_297 : i32
      %add3A_299 = vector.broadcast %mul3A_298 : i32 to vector<16xi32>
      %add3A_300 = arith.addi %add3A_299, %iota3A : vector<16xi32>
      %sub3A_301 = arith.constant 120 : i32
      %sub3A_302 = vector.broadcast %sub3A_301 : i32 to vector<16xi32>
      %sub3A_303 = arith.subi %get3A_296, %sub3A_302 : vector<16xi32>
      %lt3A_304 = arith.constant 120 : i32
      %lt3A_305 = vector.broadcast %lt3A_304 : i32 to vector<16xi32>
      %lt3A_306 = arith.cmpi ult, %sub3A_303, %lt3A_305 : vector<16xi32>
      tpu.vector_store_idx %arg7[%sub3A_303, %add3A_300], %broadcast_in_dim3A_3 masked %lt3A_306 : memref<120x512xf32, #tpu.memory_space<vmem>>[vector<16xi32>, vector<16xi32>], vector<16xf32>, vector<16xi1>
      %sub3A_307 = arith.constant 360 : i32
      %sub3A_308 = vector.broadcast %sub3A_307 : i32 to vector<16xi32>
      %sub3A_309 = arith.subi %get3A_296, %sub3A_308 : vector<16xi32>
      %lt3A_310 = arith.constant 120 : i32
      %lt3A_311 = vector.broadcast %lt3A_310 : i32 to vector<16xi32>
      %lt3A_312 = arith.cmpi ult, %sub3A_309, %lt3A_311 : vector<16xi32>
      tpu.vector_store_idx %arg7[%sub3A_309, %add3A_300], %broadcast_in_dim3A_5 masked %lt3A_312 : memref<120x512xf32, #tpu.memory_space<vmem>>[vector<16xi32>, vector<16xi32>], vector<16xf32>, vector<16xi1>
    }
    %scan3A_46 = arith.constant 32 : i32
    %dma_start3A_47 = arith.constant 360 : i32
    %dma_start3A_48 = tpu.memref_slice %arg4[%dma_start3A_47, %mul3A_2] : memref<1000x16384xf32, #tpu.memory_space<hbm>> -> memref<120x512xf32, #tpu.memory_space<hbm>>
    %dma_start3A_49 = arith.constant 360 : i32
    %dma_start3A_50 = tpu.memref_slice %arg4[%dma_start3A_49, %mul3A_2] : memref<1000x16384xf32, #tpu.memory_space<hbm>> -> memref<120x512xf32, #tpu.memory_space<hbm>>
    tpu.enqueue_dma source(%arg7 : memref<120x512xf32, #tpu.memory_space<vmem>>) target(%dma_start3A_50 : memref<120x512xf32, #tpu.memory_space<hbm>>) target_semaphore(%arg9 : memref<!tpu.dma_semaphore, #tpu.memory_space<semaphore_mem>>)
    %dma_wait3A_51 = arith.constant 240 : i32
    %dma_wait3A_52 = tpu.memref_slice %arg4[%dma_wait3A_51, %mul3A_2] : memref<1000x16384xf32, #tpu.memory_space<hbm>> -> memref<120x512xf32, #tpu.memory_space<hbm>>
    %dma_wait3A_53 = arith.constant 240 : i32
    %dma_wait3A_54 = tpu.memref_slice %arg4[%dma_wait3A_53, %mul3A_2] : memref<1000x16384xf32, #tpu.memory_space<hbm>> -> memref<120x512xf32, #tpu.memory_space<hbm>>
    tpu.wait_dma2 semaphore(%arg8 : memref<!tpu.dma_semaphore, #tpu.memory_space<semaphore_mem>>) src(%arg6 : memref<120x512xf32, #tpu.memory_space<vmem>>) dst(%dma_wait3A_54 : memref<120x512xf32, #tpu.memory_space<hbm>>)
    %scan3A_55 = arith.constant 0 : i32
    %scan3A_56 = arith.constant 0 : i32
    %scan3A_57 = arith.constant 32 : i32
    %scan3A_58 = arith.addi %scan3A_56, %scan3A_57 : i32
    %scan3A_59 = arith.constant 8 : i32
    scf.for %scan3A_141 = %scan3A_56 to %scan3A_58 step %scan3A_59  : i32 {
      %mul3A_142 = arith.constant 16 : i32
      %mul3A_143 = arith.muli %scan3A_141, %mul3A_142 : i32
      %get3A = arith.index_cast %mul3A_143 : i32 to index
      %get3A_144 = tpu.vector_load %arg5[%get3A] {strides = array<i32>} : memref<512xi32, #tpu.memory_space<vmem>>, vector<16xi32>,
      %mul3A_145 = arith.constant 16 : i32
      %mul3A_146 = arith.muli %scan3A_141, %mul3A_145 : i32
      %add3A_147 = vector.broadcast %mul3A_146 : i32 to vector<16xi32>
      %add3A_148 = arith.addi %add3A_147, %iota3A : vector<16xi32>
      %sub3A = arith.constant 240 : i32
      %sub3A_149 = vector.broadcast %sub3A : i32 to vector<16xi32>
      %sub3A_150 = arith.subi %get3A_144, %sub3A_149 : vector<16xi32>
      %lt3A = arith.constant 120 : i32
      %lt3A_151 = vector.broadcast %lt3A : i32 to vector<16xi32>
      %lt3A_152 = arith.cmpi ult, %sub3A_150, %lt3A_151 : vector<16xi32>
      tpu.vector_store_idx %arg6[%sub3A_150, %add3A_148], %broadcast_in_dim3A_3 masked %lt3A_152 : memref<120x512xf32, #tpu.memory_space<vmem>>[vector<16xi32>, vector<16xi32>], vector<16xf32>, vector<16xi1>
      %sub3A_153 = arith.constant 480 : i32
      %sub3A_154 = vector.broadcast %sub3A_153 : i32 to vector<16xi32>
      %sub3A_155 = arith.subi %get3A_144, %sub3A_154 : vector<16xi32>
      %lt3A_156 = arith.constant 120 : i32
      %lt3A_157 = vector.broadcast %lt3A_156 : i32 to vector<16xi32>
      %lt3A_158 = arith.cmpi ult, %sub3A_155, %lt3A_157 : vector<16xi32>
      tpu.vector_store_idx %arg6[%sub3A_155, %add3A_148], %broadcast_in_dim3A_5 masked %lt3A_158 : memref<120x512xf32, #tpu.memory_space<vmem>>[vector<16xi32>, vector<16xi32>], vector<16xf32>, vector<16xi1>
      %scan3A_159 = arith.constant 1 : i32
      %scan3A_160 = arith.addi %scan3A_141, %scan3A_159 : i32
      %mul3A_161 = arith.constant 16 : i32
      %mul3A_162 = arith.muli %scan3A_160, %mul3A_161 : i32
      %get3A_163 = arith.index_cast %mul3A_162 : i32 to index
      %get3A_164 = tpu.vector_load %arg5[%get3A_163] {strides = array<i32>} : memref<512xi32, #tpu.memory_space<vmem>>, vector<16xi32>,
      %mul3A_165 = arith.constant 16 : i32
      %mul3A_166 = arith.muli %scan3A_160, %mul3A_165 : i32
      %add3A_167 = vector.broadcast %mul3A_166 : i32 to vector<16xi32>
      %add3A_168 = arith.addi %add3A_167, %iota3A : vector<16xi32>
      %sub3A_169 = arith.constant 240 : i32
      %sub3A_170 = vector.broadcast %sub3A_169 : i32 to vector<16xi32>
      %sub3A_171 = arith.subi %get3A_164, %sub3A_170 : vector<16xi32>
      %lt3A_172 = arith.constant 120 : i32
      %lt3A_173 = vector.broadcast %lt3A_172 : i32 to vector<16xi32>
      %lt3A_174 = arith.cmpi ult, %sub3A_171, %lt3A_173 : vector<16xi32>
      tpu.vector_store_idx %arg6[%sub3A_171, %add3A_168], %broadcast_in_dim3A_3 masked %lt3A_174 : memref<120x512xf32, #tpu.memory_space<vmem>>[vector<16xi32>, vector<16xi32>], vector<16xf32>, vector<16xi1>
      %sub3A_175 = arith.constant 480 : i32
      %sub3A_176 = vector.broadcast %sub3A_175 : i32 to vector<16xi32>
      %sub3A_177 = arith.subi %get3A_164, %sub3A_176 : vector<16xi32>
      %lt3A_178 = arith.constant 120 : i32
      %lt3A_179 = vector.broadcast %lt3A_178 : i32 to vector<16xi32>
      %lt3A_180 = arith.cmpi ult, %sub3A_177, %lt3A_179 : vector<16xi32>
      tpu.vector_store_idx %arg6[%sub3A_177, %add3A_168], %broadcast_in_dim3A_5 masked %lt3A_180 : memref<120x512xf32, #tpu.memory_space<vmem>>[vector<16xi32>, vector<16xi32>], vector<16xf32>, vector<16xi1>
      %scan3A_181 = arith.constant 2 : i32
      %scan3A_182 = arith.addi %scan3A_141, %scan3A_181 : i32
      %mul3A_183 = arith.constant 16 : i32
      %mul3A_184 = arith.muli %scan3A_182, %mul3A_183 : i32
      %get3A_185 = arith.index_cast %mul3A_184 : i32 to index
      %get3A_186 = tpu.vector_load %arg5[%get3A_185] {strides = array<i32>} : memref<512xi32, #tpu.memory_space<vmem>>, vector<16xi32>,
      %mul3A_187 = arith.constant 16 : i32
      %mul3A_188 = arith.muli %scan3A_182, %mul3A_187 : i32
      %add3A_189 = vector.broadcast %mul3A_188 : i32 to vector<16xi32>
      %add3A_190 = arith.addi %add3A_189, %iota3A : vector<16xi32>
      %sub3A_191 = arith.constant 240 : i32
      %sub3A_192 = vector.broadcast %sub3A_191 : i32 to vector<16xi32>
      %sub3A_193 = arith.subi %get3A_186, %sub3A_192 : vector<16xi32>
      %lt3A_194 = arith.constant 120 : i32
      %lt3A_195 = vector.broadcast %lt3A_194 : i32 to vector<16xi32>
      %lt3A_196 = arith.cmpi ult, %sub3A_193, %lt3A_195 : vector<16xi32>
      tpu.vector_store_idx %arg6[%sub3A_193, %add3A_190], %broadcast_in_dim3A_3 masked %lt3A_196 : memref<120x512xf32, #tpu.memory_space<vmem>>[vector<16xi32>, vector<16xi32>], vector<16xf32>, vector<16xi1>
      %sub3A_197 = arith.constant 480 : i32
      %sub3A_198 = vector.broadcast %sub3A_197 : i32 to vector<16xi32>
      %sub3A_199 = arith.subi %get3A_186, %sub3A_198 : vector<16xi32>
      %lt3A_200 = arith.constant 120 : i32
      %lt3A_201 = vector.broadcast %lt3A_200 : i32 to vector<16xi32>
      %lt3A_202 = arith.cmpi ult, %sub3A_199, %lt3A_201 : vector<16xi32>
      tpu.vector_store_idx %arg6[%sub3A_199, %add3A_190], %broadcast_in_dim3A_5 masked %lt3A_202 : memref<120x512xf32, #tpu.memory_space<vmem>>[vector<16xi32>, vector<16xi32>], vector<16xf32>, vector<16xi1>
      %scan3A_203 = arith.constant 3 : i32
      %scan3A_204 = arith.addi %scan3A_141, %scan3A_203 : i32
      %mul3A_205 = arith.constant 16 : i32
      %mul3A_206 = arith.muli %scan3A_204, %mul3A_205 : i32
      %get3A_207 = arith.index_cast %mul3A_206 : i32 to index
      %get3A_208 = tpu.vector_load %arg5[%get3A_207] {strides = array<i32>} : memref<512xi32, #tpu.memory_space<vmem>>, vector<16xi32>,
      %mul3A_209 = arith.constant 16 : i32
      %mul3A_210 = arith.muli %scan3A_204, %mul3A_209 : i32
      %add3A_211 = vector.broadcast %mul3A_210 : i32 to vector<16xi32>
      %add3A_212 = arith.addi %add3A_211, %iota3A : vector<16xi32>
      %sub3A_213 = arith.constant 240 : i32
      %sub3A_214 = vector.broadcast %sub3A_213 : i32 to vector<16xi32>
      %sub3A_215 = arith.subi %get3A_208, %sub3A_214 : vector<16xi32>
      %lt3A_216 = arith.constant 120 : i32
      %lt3A_217 = vector.broadcast %lt3A_216 : i32 to vector<16xi32>
      %lt3A_218 = arith.cmpi ult, %sub3A_215, %lt3A_217 : vector<16xi32>
      tpu.vector_store_idx %arg6[%sub3A_215, %add3A_212], %broadcast_in_dim3A_3 masked %lt3A_218 : memref<120x512xf32, #tpu.memory_space<vmem>>[vector<16xi32>, vector<16xi32>], vector<16xf32>, vector<16xi1>
      %sub3A_219 = arith.constant 480 : i32
      %sub3A_220 = vector.broadcast %sub3A_219 : i32 to vector<16xi32>
      %sub3A_221 = arith.subi %get3A_208, %sub3A_220 : vector<16xi32>
      %lt3A_222 = arith.constant 120 : i32
      %lt3A_223 = vector.broadcast %lt3A_222 : i32 to vector<16xi32>
      %lt3A_224 = arith.cmpi ult, %sub3A_221, %lt3A_223 : vector<16xi32>
      tpu.vector_store_idx %arg6[%sub3A_221, %add3A_212], %broadcast_in_dim3A_5 masked %lt3A_224 : memref<120x512xf32, #tpu.memory_space<vmem>>[vector<16xi32>, vector<16xi32>], vector<16xf32>, vector<16xi1>
      %scan3A_225 = arith.constant 4 : i32
      %scan3A_226 = arith.addi %scan3A_141, %scan3A_225 : i32
      %mul3A_227 = arith.constant 16 : i32
      %mul3A_228 = arith.muli %scan3A_226, %mul3A_227 : i32
      %get3A_229 = arith.index_cast %mul3A_228 : i32 to index
      %get3A_230 = tpu.vector_load %arg5[%get3A_229] {strides = array<i32>} : memref<512xi32, #tpu.memory_space<vmem>>, vector<16xi32>,
      %mul3A_231 = arith.constant 16 : i32
      %mul3A_232 = arith.muli %scan3A_226, %mul3A_231 : i32
      %add3A_233 = vector.broadcast %mul3A_232 : i32 to vector<16xi32>
      %add3A_234 = arith.addi %add3A_233, %iota3A : vector<16xi32>
      %sub3A_235 = arith.constant 240 : i32
      %sub3A_236 = vector.broadcast %sub3A_235 : i32 to vector<16xi32>
      %sub3A_237 = arith.subi %get3A_230, %sub3A_236 : vector<16xi32>
      %lt3A_238 = arith.constant 120 : i32
      %lt3A_239 = vector.broadcast %lt3A_238 : i32 to vector<16xi32>
      %lt3A_240 = arith.cmpi ult, %sub3A_237, %lt3A_239 : vector<16xi32>
      tpu.vector_store_idx %arg6[%sub3A_237, %add3A_234], %broadcast_in_dim3A_3 masked %lt3A_240 : memref<120x512xf32, #tpu.memory_space<vmem>>[vector<16xi32>, vector<16xi32>], vector<16xf32>, vector<16xi1>
      %sub3A_241 = arith.constant 480 : i32
      %sub3A_242 = vector.broadcast %sub3A_241 : i32 to vector<16xi32>
      %sub3A_243 = arith.subi %get3A_230, %sub3A_242 : vector<16xi32>
      %lt3A_244 = arith.constant 120 : i32
      %lt3A_245 = vector.broadcast %lt3A_244 : i32 to vector<16xi32>
      %lt3A_246 = arith.cmpi ult, %sub3A_243, %lt3A_245 : vector<16xi32>
      tpu.vector_store_idx %arg6[%sub3A_243, %add3A_234], %broadcast_in_dim3A_5 masked %lt3A_246 : memref<120x512xf32, #tpu.memory_space<vmem>>[vector<16xi32>, vector<16xi32>], vector<16xf32>, vector<16xi1>
      %scan3A_247 = arith.constant 5 : i32
      %scan3A_248 = arith.addi %scan3A_141, %scan3A_247 : i32
      %mul3A_249 = arith.constant 16 : i32
      %mul3A_250 = arith.muli %scan3A_248, %mul3A_249 : i32
      %get3A_251 = arith.index_cast %mul3A_250 : i32 to index
      %get3A_252 = tpu.vector_load %arg5[%get3A_251] {strides = array<i32>} : memref<512xi32, #tpu.memory_space<vmem>>, vector<16xi32>,
      %mul3A_253 = arith.constant 16 : i32
      %mul3A_254 = arith.muli %scan3A_248, %mul3A_253 : i32
      %add3A_255 = vector.broadcast %mul3A_254 : i32 to vector<16xi32>
      %add3A_256 = arith.addi %add3A_255, %iota3A : vector<16xi32>
      %sub3A_257 = arith.constant 240 : i32
      %sub3A_258 = vector.broadcast %sub3A_257 : i32 to vector<16xi32>
      %sub3A_259 = arith.subi %get3A_252, %sub3A_258 : vector<16xi32>
      %lt3A_260 = arith.constant 120 : i32
      %lt3A_261 = vector.broadcast %lt3A_260 : i32 to vector<16xi32>
      %lt3A_262 = arith.cmpi ult, %sub3A_259, %lt3A_261 : vector<16xi32>
      tpu.vector_store_idx %arg6[%sub3A_259, %add3A_256], %broadcast_in_dim3A_3 masked %lt3A_262 : memref<120x512xf32, #tpu.memory_space<vmem>>[vector<16xi32>, vector<16xi32>], vector<16xf32>, vector<16xi1>
      %sub3A_263 = arith.constant 480 : i32
      %sub3A_264 = vector.broadcast %sub3A_263 : i32 to vector<16xi32>
      %sub3A_265 = arith.subi %get3A_252, %sub3A_264 : vector<16xi32>
      %lt3A_266 = arith.constant 120 : i32
      %lt3A_267 = vector.broadcast %lt3A_266 : i32 to vector<16xi32>
      %lt3A_268 = arith.cmpi ult, %sub3A_265, %lt3A_267 : vector<16xi32>
      tpu.vector_store_idx %arg6[%sub3A_265, %add3A_256], %broadcast_in_dim3A_5 masked %lt3A_268 : memref<120x512xf32, #tpu.memory_space<vmem>>[vector<16xi32>, vector<16xi32>], vector<16xf32>, vector<16xi1>
      %scan3A_269 = arith.constant 6 : i32
      %scan3A_270 = arith.addi %scan3A_141, %scan3A_269 : i32
      %mul3A_271 = arith.constant 16 : i32
      %mul3A_272 = arith.muli %scan3A_270, %mul3A_271 : i32
      %get3A_273 = arith.index_cast %mul3A_272 : i32 to index
      %get3A_274 = tpu.vector_load %arg5[%get3A_273] {strides = array<i32>} : memref<512xi32, #tpu.memory_space<vmem>>, vector<16xi32>,
      %mul3A_275 = arith.constant 16 : i32
      %mul3A_276 = arith.muli %scan3A_270, %mul3A_275 : i32
      %add3A_277 = vector.broadcast %mul3A_276 : i32 to vector<16xi32>
      %add3A_278 = arith.addi %add3A_277, %iota3A : vector<16xi32>
      %sub3A_279 = arith.constant 240 : i32
      %sub3A_280 = vector.broadcast %sub3A_279 : i32 to vector<16xi32>
      %sub3A_281 = arith.subi %get3A_274, %sub3A_280 : vector<16xi32>
      %lt3A_282 = arith.constant 120 : i32
      %lt3A_283 = vector.broadcast %lt3A_282 : i32 to vector<16xi32>
      %lt3A_284 = arith.cmpi ult, %sub3A_281, %lt3A_283 : vector<16xi32>
      tpu.vector_store_idx %arg6[%sub3A_281, %add3A_278], %broadcast_in_dim3A_3 masked %lt3A_284 : memref<120x512xf32, #tpu.memory_space<vmem>>[vector<16xi32>, vector<16xi32>], vector<16xf32>, vector<16xi1>
      %sub3A_285 = arith.constant 480 : i32
      %sub3A_286 = vector.broadcast %sub3A_285 : i32 to vector<16xi32>
      %sub3A_287 = arith.subi %get3A_274, %sub3A_286 : vector<16xi32>
      %lt3A_288 = arith.constant 120 : i32
      %lt3A_289 = vector.broadcast %lt3A_288 : i32 to vector<16xi32>
      %lt3A_290 = arith.cmpi ult, %sub3A_287, %lt3A_289 : vector<16xi32>
      tpu.vector_store_idx %arg6[%sub3A_287, %add3A_278], %broadcast_in_dim3A_5 masked %lt3A_290 : memref<120x512xf32, #tpu.memory_space<vmem>>[vector<16xi32>, vector<16xi32>], vector<16xf32>, vector<16xi1>
      %scan3A_291 = arith.constant 7 : i32
      %scan3A_292 = arith.addi %scan3A_141, %scan3A_291 : i32
      %mul3A_293 = arith.constant 16 : i32
      %mul3A_294 = arith.muli %scan3A_292, %mul3A_293 : i32
      %get3A_295 = arith.index_cast %mul3A_294 : i32 to index
      %get3A_296 = tpu.vector_load %arg5[%get3A_295] {strides = array<i32>} : memref<512xi32, #tpu.memory_space<vmem>>, vector<16xi32>,
      %mul3A_297 = arith.constant 16 : i32
      %mul3A_298 = arith.muli %scan3A_292, %mul3A_297 : i32
      %add3A_299 = vector.broadcast %mul3A_298 : i32 to vector<16xi32>
      %add3A_300 = arith.addi %add3A_299, %iota3A : vector<16xi32>
      %sub3A_301 = arith.constant 240 : i32
      %sub3A_302 = vector.broadcast %sub3A_301 : i32 to vector<16xi32>
      %sub3A_303 = arith.subi %get3A_296, %sub3A_302 : vector<16xi32>
      %lt3A_304 = arith.constant 120 : i32
      %lt3A_305 = vector.broadcast %lt3A_304 : i32 to vector<16xi32>
      %lt3A_306 = arith.cmpi ult, %sub3A_303, %lt3A_305 : vector<16xi32>
      tpu.vector_store_idx %arg6[%sub3A_303, %add3A_300], %broadcast_in_dim3A_3 masked %lt3A_306 : memref<120x512xf32, #tpu.memory_space<vmem>>[vector<16xi32>, vector<16xi32>], vector<16xf32>, vector<16xi1>
      %sub3A_307 = arith.constant 480 : i32
      %sub3A_308 = vector.broadcast %sub3A_307 : i32 to vector<16xi32>
      %sub3A_309 = arith.subi %get3A_296, %sub3A_308 : vector<16xi32>
      %lt3A_310 = arith.constant 120 : i32
      %lt3A_311 = vector.broadcast %lt3A_310 : i32 to vector<16xi32>
      %lt3A_312 = arith.cmpi ult, %sub3A_309, %lt3A_311 : vector<16xi32>
      tpu.vector_store_idx %arg6[%sub3A_309, %add3A_300], %broadcast_in_dim3A_5 masked %lt3A_312 : memref<120x512xf32, #tpu.memory_space<vmem>>[vector<16xi32>, vector<16xi32>], vector<16xf32>, vector<16xi1>
    }
    %scan3A_60 = arith.constant 32 : i32
    %dma_start3A_61 = arith.constant 480 : i32
    %dma_start3A_62 = tpu.memref_slice %arg4[%dma_start3A_61, %mul3A_2] : memref<1000x16384xf32, #tpu.memory_space<hbm>> -> memref<120x512xf32, #tpu.memory_space<hbm>>
    %dma_start3A_63 = arith.constant 480 : i32
    %dma_start3A_64 = tpu.memref_slice %arg4[%dma_start3A_63, %mul3A_2] : memref<1000x16384xf32, #tpu.memory_space<hbm>> -> memref<120x512xf32, #tpu.memory_space<hbm>>
    tpu.enqueue_dma source(%arg6 : memref<120x512xf32, #tpu.memory_space<vmem>>) target(%dma_start3A_64 : memref<120x512xf32, #tpu.memory_space<hbm>>) target_semaphore(%arg8 : memref<!tpu.dma_semaphore, #tpu.memory_space<semaphore_mem>>)
    %dma_wait3A_65 = arith.constant 360 : i32
    %dma_wait3A_66 = tpu.memref_slice %arg4[%dma_wait3A_65, %mul3A_2] : memref<1000x16384xf32, #tpu.memory_space<hbm>> -> memref<120x512xf32, #tpu.memory_space<hbm>>
    %dma_wait3A_67 = arith.constant 360 : i32
    %dma_wait3A_68 = tpu.memref_slice %arg4[%dma_wait3A_67, %mul3A_2] : memref<1000x16384xf32, #tpu.memory_space<hbm>> -> memref<120x512xf32, #tpu.memory_space<hbm>>
    tpu.wait_dma2 semaphore(%arg9 : memref<!tpu.dma_semaphore, #tpu.memory_space<semaphore_mem>>) src(%arg7 : memref<120x512xf32, #tpu.memory_space<vmem>>) dst(%dma_wait3A_68 : memref<120x512xf32, #tpu.memory_space<hbm>>)
    %scan3A_69 = arith.constant 0 : i32
    %scan3A_70 = arith.constant 0 : i32
    %scan3A_71 = arith.constant 32 : i32
    %scan3A_72 = arith.addi %scan3A_70, %scan3A_71 : i32
    %scan3A_73 = arith.constant 8 : i32
    scf.for %scan3A_141 = %scan3A_70 to %scan3A_72 step %scan3A_73  : i32 {
      %mul3A_142 = arith.constant 16 : i32
      %mul3A_143 = arith.muli %scan3A_141, %mul3A_142 : i32
      %get3A = arith.index_cast %mul3A_143 : i32 to index
      %get3A_144 = tpu.vector_load %arg5[%get3A] {strides = array<i32>} : memref<512xi32, #tpu.memory_space<vmem>>, vector<16xi32>,
      %mul3A_145 = arith.constant 16 : i32
      %mul3A_146 = arith.muli %scan3A_141, %mul3A_145 : i32
      %add3A_147 = vector.broadcast %mul3A_146 : i32 to vector<16xi32>
      %add3A_148 = arith.addi %add3A_147, %iota3A : vector<16xi32>
      %sub3A = arith.constant 360 : i32
      %sub3A_149 = vector.broadcast %sub3A : i32 to vector<16xi32>
      %sub3A_150 = arith.subi %get3A_144, %sub3A_149 : vector<16xi32>
      %lt3A = arith.constant 120 : i32
      %lt3A_151 = vector.broadcast %lt3A : i32 to vector<16xi32>
      %lt3A_152 = arith.cmpi ult, %sub3A_150, %lt3A_151 : vector<16xi32>
      tpu.vector_store_idx %arg7[%sub3A_150, %add3A_148], %broadcast_in_dim3A_3 masked %lt3A_152 : memref<120x512xf32, #tpu.memory_space<vmem>>[vector<16xi32>, vector<16xi32>], vector<16xf32>, vector<16xi1>
      %sub3A_153 = arith.constant 600 : i32
      %sub3A_154 = vector.broadcast %sub3A_153 : i32 to vector<16xi32>
      %sub3A_155 = arith.subi %get3A_144, %sub3A_154 : vector<16xi32>
      %lt3A_156 = arith.constant 120 : i32
      %lt3A_157 = vector.broadcast %lt3A_156 : i32 to vector<16xi32>
      %lt3A_158 = arith.cmpi ult, %sub3A_155, %lt3A_157 : vector<16xi32>
      tpu.vector_store_idx %arg7[%sub3A_155, %add3A_148], %broadcast_in_dim3A_5 masked %lt3A_158 : memref<120x512xf32, #tpu.memory_space<vmem>>[vector<16xi32>, vector<16xi32>], vector<16xf32>, vector<16xi1>
      %scan3A_159 = arith.constant 1 : i32
      %scan3A_160 = arith.addi %scan3A_141, %scan3A_159 : i32
      %mul3A_161 = arith.constant 16 : i32
      %mul3A_162 = arith.muli %scan3A_160, %mul3A_161 : i32
      %get3A_163 = arith.index_cast %mul3A_162 : i32 to index
      %get3A_164 = tpu.vector_load %arg5[%get3A_163] {strides = array<i32>} : memref<512xi32, #tpu.memory_space<vmem>>, vector<16xi32>,
      %mul3A_165 = arith.constant 16 : i32
      %mul3A_166 = arith.muli %scan3A_160, %mul3A_165 : i32
      %add3A_167 = vector.broadcast %mul3A_166 : i32 to vector<16xi32>
      %add3A_168 = arith.addi %add3A_167, %iota3A : vector<16xi32>
      %sub3A_169 = arith.constant 360 : i32
      %sub3A_170 = vector.broadcast %sub3A_169 : i32 to vector<16xi32>
      %sub3A_171 = arith.subi %get3A_164, %sub3A_170 : vector<16xi32>
      %lt3A_172 = arith.constant 120 : i32
      %lt3A_173 = vector.broadcast %lt3A_172 : i32 to vector<16xi32>
      %lt3A_174 = arith.cmpi ult, %sub3A_171, %lt3A_173 : vector<16xi32>
      tpu.vector_store_idx %arg7[%sub3A_171, %add3A_168], %broadcast_in_dim3A_3 masked %lt3A_174 : memref<120x512xf32, #tpu.memory_space<vmem>>[vector<16xi32>, vector<16xi32>], vector<16xf32>, vector<16xi1>
      %sub3A_175 = arith.constant 600 : i32
      %sub3A_176 = vector.broadcast %sub3A_175 : i32 to vector<16xi32>
      %sub3A_177 = arith.subi %get3A_164, %sub3A_176 : vector<16xi32>
      %lt3A_178 = arith.constant 120 : i32
      %lt3A_179 = vector.broadcast %lt3A_178 : i32 to vector<16xi32>
      %lt3A_180 = arith.cmpi ult, %sub3A_177, %lt3A_179 : vector<16xi32>
      tpu.vector_store_idx %arg7[%sub3A_177, %add3A_168], %broadcast_in_dim3A_5 masked %lt3A_180 : memref<120x512xf32, #tpu.memory_space<vmem>>[vector<16xi32>, vector<16xi32>], vector<16xf32>, vector<16xi1>
      %scan3A_181 = arith.constant 2 : i32
      %scan3A_182 = arith.addi %scan3A_141, %scan3A_181 : i32
      %mul3A_183 = arith.constant 16 : i32
      %mul3A_184 = arith.muli %scan3A_182, %mul3A_183 : i32
      %get3A_185 = arith.index_cast %mul3A_184 : i32 to index
      %get3A_186 = tpu.vector_load %arg5[%get3A_185] {strides = array<i32>} : memref<512xi32, #tpu.memory_space<vmem>>, vector<16xi32>,
      %mul3A_187 = arith.constant 16 : i32
      %mul3A_188 = arith.muli %scan3A_182, %mul3A_187 : i32
      %add3A_189 = vector.broadcast %mul3A_188 : i32 to vector<16xi32>
      %add3A_190 = arith.addi %add3A_189, %iota3A : vector<16xi32>
      %sub3A_191 = arith.constant 360 : i32
      %sub3A_192 = vector.broadcast %sub3A_191 : i32 to vector<16xi32>
      %sub3A_193 = arith.subi %get3A_186, %sub3A_192 : vector<16xi32>
      %lt3A_194 = arith.constant 120 : i32
      %lt3A_195 = vector.broadcast %lt3A_194 : i32 to vector<16xi32>
      %lt3A_196 = arith.cmpi ult, %sub3A_193, %lt3A_195 : vector<16xi32>
      tpu.vector_store_idx %arg7[%sub3A_193, %add3A_190], %broadcast_in_dim3A_3 masked %lt3A_196 : memref<120x512xf32, #tpu.memory_space<vmem>>[vector<16xi32>, vector<16xi32>], vector<16xf32>, vector<16xi1>
      %sub3A_197 = arith.constant 600 : i32
      %sub3A_198 = vector.broadcast %sub3A_197 : i32 to vector<16xi32>
      %sub3A_199 = arith.subi %get3A_186, %sub3A_198 : vector<16xi32>
      %lt3A_200 = arith.constant 120 : i32
      %lt3A_201 = vector.broadcast %lt3A_200 : i32 to vector<16xi32>
      %lt3A_202 = arith.cmpi ult, %sub3A_199, %lt3A_201 : vector<16xi32>
      tpu.vector_store_idx %arg7[%sub3A_199, %add3A_190], %broadcast_in_dim3A_5 masked %lt3A_202 : memref<120x512xf32, #tpu.memory_space<vmem>>[vector<16xi32>, vector<16xi32>], vector<16xf32>, vector<16xi1>
      %scan3A_203 = arith.constant 3 : i32
      %scan3A_204 = arith.addi %scan3A_141, %scan3A_203 : i32
      %mul3A_205 = arith.constant 16 : i32
      %mul3A_206 = arith.muli %scan3A_204, %mul3A_205 : i32
      %get3A_207 = arith.index_cast %mul3A_206 : i32 to index
      %get3A_208 = tpu.vector_load %arg5[%get3A_207] {strides = array<i32>} : memref<512xi32, #tpu.memory_space<vmem>>, vector<16xi32>,
      %mul3A_209 = arith.constant 16 : i32
      %mul3A_210 = arith.muli %scan3A_204, %mul3A_209 : i32
      %add3A_211 = vector.broadcast %mul3A_210 : i32 to vector<16xi32>
      %add3A_212 = arith.addi %add3A_211, %iota3A : vector<16xi32>
      %sub3A_213 = arith.constant 360 : i32
      %sub3A_214 = vector.broadcast %sub3A_213 : i32 to vector<16xi32>
      %sub3A_215 = arith.subi %get3A_208, %sub3A_214 : vector<16xi32>
      %lt3A_216 = arith.constant 120 : i32
      %lt3A_217 = vector.broadcast %lt3A_216 : i32 to vector<16xi32>
      %lt3A_218 = arith.cmpi ult, %sub3A_215, %lt3A_217 : vector<16xi32>
      tpu.vector_store_idx %arg7[%sub3A_215, %add3A_212], %broadcast_in_dim3A_3 masked %lt3A_218 : memref<120x512xf32, #tpu.memory_space<vmem>>[vector<16xi32>, vector<16xi32>], vector<16xf32>, vector<16xi1>
      %sub3A_219 = arith.constant 600 : i32
      %sub3A_220 = vector.broadcast %sub3A_219 : i32 to vector<16xi32>
      %sub3A_221 = arith.subi %get3A_208, %sub3A_220 : vector<16xi32>
      %lt3A_222 = arith.constant 120 : i32
      %lt3A_223 = vector.broadcast %lt3A_222 : i32 to vector<16xi32>
      %lt3A_224 = arith.cmpi ult, %sub3A_221, %lt3A_223 : vector<16xi32>
      tpu.vector_store_idx %arg7[%sub3A_221, %add3A_212], %broadcast_in_dim3A_5 masked %lt3A_224 : memref<120x512xf32, #tpu.memory_space<vmem>>[vector<16xi32>, vector<16xi32>], vector<16xf32>, vector<16xi1>
      %scan3A_225 = arith.constant 4 : i32
      %scan3A_226 = arith.addi %scan3A_141, %scan3A_225 : i32
      %mul3A_227 = arith.constant 16 : i32
      %mul3A_228 = arith.muli %scan3A_226, %mul3A_227 : i32
      %get3A_229 = arith.index_cast %mul3A_228 : i32 to index
      %get3A_230 = tpu.vector_load %arg5[%get3A_229] {strides = array<i32>} : memref<512xi32, #tpu.memory_space<vmem>>, vector<16xi32>,
      %mul3A_231 = arith.constant 16 : i32
      %mul3A_232 = arith.muli %scan3A_226, %mul3A_231 : i32
      %add3A_233 = vector.broadcast %mul3A_232 : i32 to vector<16xi32>
      %add3A_234 = arith.addi %add3A_233, %iota3A : vector<16xi32>
      %sub3A_235 = arith.constant 360 : i32
      %sub3A_236 = vector.broadcast %sub3A_235 : i32 to vector<16xi32>
      %sub3A_237 = arith.subi %get3A_230, %sub3A_236 : vector<16xi32>
      %lt3A_238 = arith.constant 120 : i32
      %lt3A_239 = vector.broadcast %lt3A_238 : i32 to vector<16xi32>
      %lt3A_240 = arith.cmpi ult, %sub3A_237, %lt3A_239 : vector<16xi32>
      tpu.vector_store_idx %arg7[%sub3A_237, %add3A_234], %broadcast_in_dim3A_3 masked %lt3A_240 : memref<120x512xf32, #tpu.memory_space<vmem>>[vector<16xi32>, vector<16xi32>], vector<16xf32>, vector<16xi1>
      %sub3A_241 = arith.constant 600 : i32
      %sub3A_242 = vector.broadcast %sub3A_241 : i32 to vector<16xi32>
      %sub3A_243 = arith.subi %get3A_230, %sub3A_242 : vector<16xi32>
      %lt3A_244 = arith.constant 120 : i32
      %lt3A_245 = vector.broadcast %lt3A_244 : i32 to vector<16xi32>
      %lt3A_246 = arith.cmpi ult, %sub3A_243, %lt3A_245 : vector<16xi32>
      tpu.vector_store_idx %arg7[%sub3A_243, %add3A_234], %broadcast_in_dim3A_5 masked %lt3A_246 : memref<120x512xf32, #tpu.memory_space<vmem>>[vector<16xi32>, vector<16xi32>], vector<16xf32>, vector<16xi1>
      %scan3A_247 = arith.constant 5 : i32
      %scan3A_248 = arith.addi %scan3A_141, %scan3A_247 : i32
      %mul3A_249 = arith.constant 16 : i32
      %mul3A_250 = arith.muli %scan3A_248, %mul3A_249 : i32
      %get3A_251 = arith.index_cast %mul3A_250 : i32 to index
      %get3A_252 = tpu.vector_load %arg5[%get3A_251] {strides = array<i32>} : memref<512xi32, #tpu.memory_space<vmem>>, vector<16xi32>,
      %mul3A_253 = arith.constant 16 : i32
      %mul3A_254 = arith.muli %scan3A_248, %mul3A_253 : i32
      %add3A_255 = vector.broadcast %mul3A_254 : i32 to vector<16xi32>
      %add3A_256 = arith.addi %add3A_255, %iota3A : vector<16xi32>
      %sub3A_257 = arith.constant 360 : i32
      %sub3A_258 = vector.broadcast %sub3A_257 : i32 to vector<16xi32>
      %sub3A_259 = arith.subi %get3A_252, %sub3A_258 : vector<16xi32>
      %lt3A_260 = arith.constant 120 : i32
      %lt3A_261 = vector.broadcast %lt3A_260 : i32 to vector<16xi32>
      %lt3A_262 = arith.cmpi ult, %sub3A_259, %lt3A_261 : vector<16xi32>
      tpu.vector_store_idx %arg7[%sub3A_259, %add3A_256], %broadcast_in_dim3A_3 masked %lt3A_262 : memref<120x512xf32, #tpu.memory_space<vmem>>[vector<16xi32>, vector<16xi32>], vector<16xf32>, vector<16xi1>
      %sub3A_263 = arith.constant 600 : i32
      %sub3A_264 = vector.broadcast %sub3A_263 : i32 to vector<16xi32>
      %sub3A_265 = arith.subi %get3A_252, %sub3A_264 : vector<16xi32>
      %lt3A_266 = arith.constant 120 : i32
      %lt3A_267 = vector.broadcast %lt3A_266 : i32 to vector<16xi32>
      %lt3A_268 = arith.cmpi ult, %sub3A_265, %lt3A_267 : vector<16xi32>
      tpu.vector_store_idx %arg7[%sub3A_265, %add3A_256], %broadcast_in_dim3A_5 masked %lt3A_268 : memref<120x512xf32, #tpu.memory_space<vmem>>[vector<16xi32>, vector<16xi32>], vector<16xf32>, vector<16xi1>
      %scan3A_269 = arith.constant 6 : i32
      %scan3A_270 = arith.addi %scan3A_141, %scan3A_269 : i32
      %mul3A_271 = arith.constant 16 : i32
      %mul3A_272 = arith.muli %scan3A_270, %mul3A_271 : i32
      %get3A_273 = arith.index_cast %mul3A_272 : i32 to index
      %get3A_274 = tpu.vector_load %arg5[%get3A_273] {strides = array<i32>} : memref<512xi32, #tpu.memory_space<vmem>>, vector<16xi32>,
      %mul3A_275 = arith.constant 16 : i32
      %mul3A_276 = arith.muli %scan3A_270, %mul3A_275 : i32
      %add3A_277 = vector.broadcast %mul3A_276 : i32 to vector<16xi32>
      %add3A_278 = arith.addi %add3A_277, %iota3A : vector<16xi32>
      %sub3A_279 = arith.constant 360 : i32
      %sub3A_280 = vector.broadcast %sub3A_279 : i32 to vector<16xi32>
      %sub3A_281 = arith.subi %get3A_274, %sub3A_280 : vector<16xi32>
      %lt3A_282 = arith.constant 120 : i32
      %lt3A_283 = vector.broadcast %lt3A_282 : i32 to vector<16xi32>
      %lt3A_284 = arith.cmpi ult, %sub3A_281, %lt3A_283 : vector<16xi32>
      tpu.vector_store_idx %arg7[%sub3A_281, %add3A_278], %broadcast_in_dim3A_3 masked %lt3A_284 : memref<120x512xf32, #tpu.memory_space<vmem>>[vector<16xi32>, vector<16xi32>], vector<16xf32>, vector<16xi1>
      %sub3A_285 = arith.constant 600 : i32
      %sub3A_286 = vector.broadcast %sub3A_285 : i32 to vector<16xi32>
      %sub3A_287 = arith.subi %get3A_274, %sub3A_286 : vector<16xi32>
      %lt3A_288 = arith.constant 120 : i32
      %lt3A_289 = vector.broadcast %lt3A_288 : i32 to vector<16xi32>
      %lt3A_290 = arith.cmpi ult, %sub3A_287, %lt3A_289 : vector<16xi32>
      tpu.vector_store_idx %arg7[%sub3A_287, %add3A_278], %broadcast_in_dim3A_5 masked %lt3A_290 : memref<120x512xf32, #tpu.memory_space<vmem>>[vector<16xi32>, vector<16xi32>], vector<16xf32>, vector<16xi1>
      %scan3A_291 = arith.constant 7 : i32
      %scan3A_292 = arith.addi %scan3A_141, %scan3A_291 : i32
      %mul3A_293 = arith.constant 16 : i32
      %mul3A_294 = arith.muli %scan3A_292, %mul3A_293 : i32
      %get3A_295 = arith.index_cast %mul3A_294 : i32 to index
      %get3A_296 = tpu.vector_load %arg5[%get3A_295] {strides = array<i32>} : memref<512xi32, #tpu.memory_space<vmem>>, vector<16xi32>,
      %mul3A_297 = arith.constant 16 : i32
      %mul3A_298 = arith.muli %scan3A_292, %mul3A_297 : i32
      %add3A_299 = vector.broadcast %mul3A_298 : i32 to vector<16xi32>
      %add3A_300 = arith.addi %add3A_299, %iota3A : vector<16xi32>
      %sub3A_301 = arith.constant 360 : i32
      %sub3A_302 = vector.broadcast %sub3A_301 : i32 to vector<16xi32>
      %sub3A_303 = arith.subi %get3A_296, %sub3A_302 : vector<16xi32>
      %lt3A_304 = arith.constant 120 : i32
      %lt3A_305 = vector.broadcast %lt3A_304 : i32 to vector<16xi32>
      %lt3A_306 = arith.cmpi ult, %sub3A_303, %lt3A_305 : vector<16xi32>
      tpu.vector_store_idx %arg7[%sub3A_303, %add3A_300], %broadcast_in_dim3A_3 masked %lt3A_306 : memref<120x512xf32, #tpu.memory_space<vmem>>[vector<16xi32>, vector<16xi32>], vector<16xf32>, vector<16xi1>
      %sub3A_307 = arith.constant 600 : i32
      %sub3A_308 = vector.broadcast %sub3A_307 : i32 to vector<16xi32>
      %sub3A_309 = arith.subi %get3A_296, %sub3A_308 : vector<16xi32>
      %lt3A_310 = arith.constant 120 : i32
      %lt3A_311 = vector.broadcast %lt3A_310 : i32 to vector<16xi32>
      %lt3A_312 = arith.cmpi ult, %sub3A_309, %lt3A_311 : vector<16xi32>
      tpu.vector_store_idx %arg7[%sub3A_309, %add3A_300], %broadcast_in_dim3A_5 masked %lt3A_312 : memref<120x512xf32, #tpu.memory_space<vmem>>[vector<16xi32>, vector<16xi32>], vector<16xf32>, vector<16xi1>
    }
    %scan3A_74 = arith.constant 32 : i32
    %dma_start3A_75 = arith.constant 600 : i32
    %dma_start3A_76 = tpu.memref_slice %arg4[%dma_start3A_75, %mul3A_2] : memref<1000x16384xf32, #tpu.memory_space<hbm>> -> memref<120x512xf32, #tpu.memory_space<hbm>>
    %dma_start3A_77 = arith.constant 600 : i32
    %dma_start3A_78 = tpu.memref_slice %arg4[%dma_start3A_77, %mul3A_2] : memref<1000x16384xf32, #tpu.memory_space<hbm>> -> memref<120x512xf32, #tpu.memory_space<hbm>>
    tpu.enqueue_dma source(%arg7 : memref<120x512xf32, #tpu.memory_space<vmem>>) target(%dma_start3A_78 : memref<120x512xf32, #tpu.memory_space<hbm>>) target_semaphore(%arg9 : memref<!tpu.dma_semaphore, #tpu.memory_space<semaphore_mem>>)
    %dma_wait3A_79 = arith.constant 480 : i32
    %dma_wait3A_80 = tpu.memref_slice %arg4[%dma_wait3A_79, %mul3A_2] : memref<1000x16384xf32, #tpu.memory_space<hbm>> -> memref<120x512xf32, #tpu.memory_space<hbm>>
    %dma_wait3A_81 = arith.constant 480 : i32
    %dma_wait3A_82 = tpu.memref_slice %arg4[%dma_wait3A_81, %mul3A_2] : memref<1000x16384xf32, #tpu.memory_space<hbm>> -> memref<120x512xf32, #tpu.memory_space<hbm>>
    tpu.wait_dma2 semaphore(%arg8 : memref<!tpu.dma_semaphore, #tpu.memory_space<semaphore_mem>>) src(%arg6 : memref<120x512xf32, #tpu.memory_space<vmem>>) dst(%dma_wait3A_82 : memref<120x512xf32, #tpu.memory_space<hbm>>)
    %scan3A_83 = arith.constant 0 : i32
    %scan3A_84 = arith.constant 0 : i32
    %scan3A_85 = arith.constant 32 : i32
    %scan3A_86 = arith.addi %scan3A_84, %scan3A_85 : i32
    %scan3A_87 = arith.constant 8 : i32
    scf.for %scan3A_141 = %scan3A_84 to %scan3A_86 step %scan3A_87  : i32 {
      %mul3A_142 = arith.constant 16 : i32
      %mul3A_143 = arith.muli %scan3A_141, %mul3A_142 : i32
      %get3A = arith.index_cast %mul3A_143 : i32 to index
      %get3A_144 = tpu.vector_load %arg5[%get3A] {strides = array<i32>} : memref<512xi32, #tpu.memory_space<vmem>>, vector<16xi32>,
      %mul3A_145 = arith.constant 16 : i32
      %mul3A_146 = arith.muli %scan3A_141, %mul3A_145 : i32
      %add3A_147 = vector.broadcast %mul3A_146 : i32 to vector<16xi32>
      %add3A_148 = arith.addi %add3A_147, %iota3A : vector<16xi32>
      %sub3A = arith.constant 480 : i32
      %sub3A_149 = vector.broadcast %sub3A : i32 to vector<16xi32>
      %sub3A_150 = arith.subi %get3A_144, %sub3A_149 : vector<16xi32>
      %lt3A = arith.constant 120 : i32
      %lt3A_151 = vector.broadcast %lt3A : i32 to vector<16xi32>
      %lt3A_152 = arith.cmpi ult, %sub3A_150, %lt3A_151 : vector<16xi32>
      tpu.vector_store_idx %arg6[%sub3A_150, %add3A_148], %broadcast_in_dim3A_3 masked %lt3A_152 : memref<120x512xf32, #tpu.memory_space<vmem>>[vector<16xi32>, vector<16xi32>], vector<16xf32>, vector<16xi1>
      %sub3A_153 = arith.constant 720 : i32
      %sub3A_154 = vector.broadcast %sub3A_153 : i32 to vector<16xi32>
      %sub3A_155 = arith.subi %get3A_144, %sub3A_154 : vector<16xi32>
      %lt3A_156 = arith.constant 120 : i32
      %lt3A_157 = vector.broadcast %lt3A_156 : i32 to vector<16xi32>
      %lt3A_158 = arith.cmpi ult, %sub3A_155, %lt3A_157 : vector<16xi32>
      tpu.vector_store_idx %arg6[%sub3A_155, %add3A_148], %broadcast_in_dim3A_5 masked %lt3A_158 : memref<120x512xf32, #tpu.memory_space<vmem>>[vector<16xi32>, vector<16xi32>], vector<16xf32>, vector<16xi1>
      %scan3A_159 = arith.constant 1 : i32
      %scan3A_160 = arith.addi %scan3A_141, %scan3A_159 : i32
      %mul3A_161 = arith.constant 16 : i32
      %mul3A_162 = arith.muli %scan3A_160, %mul3A_161 : i32
      %get3A_163 = arith.index_cast %mul3A_162 : i32 to index
      %get3A_164 = tpu.vector_load %arg5[%get3A_163] {strides = array<i32>} : memref<512xi32, #tpu.memory_space<vmem>>, vector<16xi32>,
      %mul3A_165 = arith.constant 16 : i32
      %mul3A_166 = arith.muli %scan3A_160, %mul3A_165 : i32
      %add3A_167 = vector.broadcast %mul3A_166 : i32 to vector<16xi32>
      %add3A_168 = arith.addi %add3A_167, %iota3A : vector<16xi32>
      %sub3A_169 = arith.constant 480 : i32
      %sub3A_170 = vector.broadcast %sub3A_169 : i32 to vector<16xi32>
      %sub3A_171 = arith.subi %get3A_164, %sub3A_170 : vector<16xi32>
      %lt3A_172 = arith.constant 120 : i32
      %lt3A_173 = vector.broadcast %lt3A_172 : i32 to vector<16xi32>
      %lt3A_174 = arith.cmpi ult, %sub3A_171, %lt3A_173 : vector<16xi32>
      tpu.vector_store_idx %arg6[%sub3A_171, %add3A_168], %broadcast_in_dim3A_3 masked %lt3A_174 : memref<120x512xf32, #tpu.memory_space<vmem>>[vector<16xi32>, vector<16xi32>], vector<16xf32>, vector<16xi1>
      %sub3A_175 = arith.constant 720 : i32
      %sub3A_176 = vector.broadcast %sub3A_175 : i32 to vector<16xi32>
      %sub3A_177 = arith.subi %get3A_164, %sub3A_176 : vector<16xi32>
      %lt3A_178 = arith.constant 120 : i32
      %lt3A_179 = vector.broadcast %lt3A_178 : i32 to vector<16xi32>
      %lt3A_180 = arith.cmpi ult, %sub3A_177, %lt3A_179 : vector<16xi32>
      tpu.vector_store_idx %arg6[%sub3A_177, %add3A_168], %broadcast_in_dim3A_5 masked %lt3A_180 : memref<120x512xf32, #tpu.memory_space<vmem>>[vector<16xi32>, vector<16xi32>], vector<16xf32>, vector<16xi1>
      %scan3A_181 = arith.constant 2 : i32
      %scan3A_182 = arith.addi %scan3A_141, %scan3A_181 : i32
      %mul3A_183 = arith.constant 16 : i32
      %mul3A_184 = arith.muli %scan3A_182, %mul3A_183 : i32
      %get3A_185 = arith.index_cast %mul3A_184 : i32 to index
      %get3A_186 = tpu.vector_load %arg5[%get3A_185] {strides = array<i32>} : memref<512xi32, #tpu.memory_space<vmem>>, vector<16xi32>,
      %mul3A_187 = arith.constant 16 : i32
      %mul3A_188 = arith.muli %scan3A_182, %mul3A_187 : i32
      %add3A_189 = vector.broadcast %mul3A_188 : i32 to vector<16xi32>
      %add3A_190 = arith.addi %add3A_189, %iota3A : vector<16xi32>
      %sub3A_191 = arith.constant 480 : i32
      %sub3A_192 = vector.broadcast %sub3A_191 : i32 to vector<16xi32>
      %sub3A_193 = arith.subi %get3A_186, %sub3A_192 : vector<16xi32>
      %lt3A_194 = arith.constant 120 : i32
      %lt3A_195 = vector.broadcast %lt3A_194 : i32 to vector<16xi32>
      %lt3A_196 = arith.cmpi ult, %sub3A_193, %lt3A_195 : vector<16xi32>
      tpu.vector_store_idx %arg6[%sub3A_193, %add3A_190], %broadcast_in_dim3A_3 masked %lt3A_196 : memref<120x512xf32, #tpu.memory_space<vmem>>[vector<16xi32>, vector<16xi32>], vector<16xf32>, vector<16xi1>
      %sub3A_197 = arith.constant 720 : i32
      %sub3A_198 = vector.broadcast %sub3A_197 : i32 to vector<16xi32>
      %sub3A_199 = arith.subi %get3A_186, %sub3A_198 : vector<16xi32>
      %lt3A_200 = arith.constant 120 : i32
      %lt3A_201 = vector.broadcast %lt3A_200 : i32 to vector<16xi32>
      %lt3A_202 = arith.cmpi ult, %sub3A_199, %lt3A_201 : vector<16xi32>
      tpu.vector_store_idx %arg6[%sub3A_199, %add3A_190], %broadcast_in_dim3A_5 masked %lt3A_202 : memref<120x512xf32, #tpu.memory_space<vmem>>[vector<16xi32>, vector<16xi32>], vector<16xf32>, vector<16xi1>
      %scan3A_203 = arith.constant 3 : i32
      %scan3A_204 = arith.addi %scan3A_141, %scan3A_203 : i32
      %mul3A_205 = arith.constant 16 : i32
      %mul3A_206 = arith.muli %scan3A_204, %mul3A_205 : i32
      %get3A_207 = arith.index_cast %mul3A_206 : i32 to index
      %get3A_208 = tpu.vector_load %arg5[%get3A_207] {strides = array<i32>} : memref<512xi32, #tpu.memory_space<vmem>>, vector<16xi32>,
      %mul3A_209 = arith.constant 16 : i32
      %mul3A_210 = arith.muli %scan3A_204, %mul3A_209 : i32
      %add3A_211 = vector.broadcast %mul3A_210 : i32 to vector<16xi32>
      %add3A_212 = arith.addi %add3A_211, %iota3A : vector<16xi32>
      %sub3A_213 = arith.constant 480 : i32
      %sub3A_214 = vector.broadcast %sub3A_213 : i32 to vector<16xi32>
      %sub3A_215 = arith.subi %get3A_208, %sub3A_214 : vector<16xi32>
      %lt3A_216 = arith.constant 120 : i32
      %lt3A_217 = vector.broadcast %lt3A_216 : i32 to vector<16xi32>
      %lt3A_218 = arith.cmpi ult, %sub3A_215, %lt3A_217 : vector<16xi32>
      tpu.vector_store_idx %arg6[%sub3A_215, %add3A_212], %broadcast_in_dim3A_3 masked %lt3A_218 : memref<120x512xf32, #tpu.memory_space<vmem>>[vector<16xi32>, vector<16xi32>], vector<16xf32>, vector<16xi1>
      %sub3A_219 = arith.constant 720 : i32
      %sub3A_220 = vector.broadcast %sub3A_219 : i32 to vector<16xi32>
      %sub3A_221 = arith.subi %get3A_208, %sub3A_220 : vector<16xi32>
      %lt3A_222 = arith.constant 120 : i32
      %lt3A_223 = vector.broadcast %lt3A_222 : i32 to vector<16xi32>
      %lt3A_224 = arith.cmpi ult, %sub3A_221, %lt3A_223 : vector<16xi32>
      tpu.vector_store_idx %arg6[%sub3A_221, %add3A_212], %broadcast_in_dim3A_5 masked %lt3A_224 : memref<120x512xf32, #tpu.memory_space<vmem>>[vector<16xi32>, vector<16xi32>], vector<16xf32>, vector<16xi1>
      %scan3A_225 = arith.constant 4 : i32
      %scan3A_226 = arith.addi %scan3A_141, %scan3A_225 : i32
      %mul3A_227 = arith.constant 16 : i32
      %mul3A_228 = arith.muli %scan3A_226, %mul3A_227 : i32
      %get3A_229 = arith.index_cast %mul3A_228 : i32 to index
      %get3A_230 = tpu.vector_load %arg5[%get3A_229] {strides = array<i32>} : memref<512xi32, #tpu.memory_space<vmem>>, vector<16xi32>,
      %mul3A_231 = arith.constant 16 : i32
      %mul3A_232 = arith.muli %scan3A_226, %mul3A_231 : i32
      %add3A_233 = vector.broadcast %mul3A_232 : i32 to vector<16xi32>
      %add3A_234 = arith.addi %add3A_233, %iota3A : vector<16xi32>
      %sub3A_235 = arith.constant 480 : i32
      %sub3A_236 = vector.broadcast %sub3A_235 : i32 to vector<16xi32>
      %sub3A_237 = arith.subi %get3A_230, %sub3A_236 : vector<16xi32>
      %lt3A_238 = arith.constant 120 : i32
      %lt3A_239 = vector.broadcast %lt3A_238 : i32 to vector<16xi32>
      %lt3A_240 = arith.cmpi ult, %sub3A_237, %lt3A_239 : vector<16xi32>
      tpu.vector_store_idx %arg6[%sub3A_237, %add3A_234], %broadcast_in_dim3A_3 masked %lt3A_240 : memref<120x512xf32, #tpu.memory_space<vmem>>[vector<16xi32>, vector<16xi32>], vector<16xf32>, vector<16xi1>
      %sub3A_241 = arith.constant 720 : i32
      %sub3A_242 = vector.broadcast %sub3A_241 : i32 to vector<16xi32>
      %sub3A_243 = arith.subi %get3A_230, %sub3A_242 : vector<16xi32>
      %lt3A_244 = arith.constant 120 : i32
      %lt3A_245 = vector.broadcast %lt3A_244 : i32 to vector<16xi32>
      %lt3A_246 = arith.cmpi ult, %sub3A_243, %lt3A_245 : vector<16xi32>
      tpu.vector_store_idx %arg6[%sub3A_243, %add3A_234], %broadcast_in_dim3A_5 masked %lt3A_246 : memref<120x512xf32, #tpu.memory_space<vmem>>[vector<16xi32>, vector<16xi32>], vector<16xf32>, vector<16xi1>
      %scan3A_247 = arith.constant 5 : i32
      %scan3A_248 = arith.addi %scan3A_141, %scan3A_247 : i32
      %mul3A_249 = arith.constant 16 : i32
      %mul3A_250 = arith.muli %scan3A_248, %mul3A_249 : i32
      %get3A_251 = arith.index_cast %mul3A_250 : i32 to index
      %get3A_252 = tpu.vector_load %arg5[%get3A_251] {strides = array<i32>} : memref<512xi32, #tpu.memory_space<vmem>>, vector<16xi32>,
      %mul3A_253 = arith.constant 16 : i32
      %mul3A_254 = arith.muli %scan3A_248, %mul3A_253 : i32
      %add3A_255 = vector.broadcast %mul3A_254 : i32 to vector<16xi32>
      %add3A_256 = arith.addi %add3A_255, %iota3A : vector<16xi32>
      %sub3A_257 = arith.constant 480 : i32
      %sub3A_258 = vector.broadcast %sub3A_257 : i32 to vector<16xi32>
      %sub3A_259 = arith.subi %get3A_252, %sub3A_258 : vector<16xi32>
      %lt3A_260 = arith.constant 120 : i32
      %lt3A_261 = vector.broadcast %lt3A_260 : i32 to vector<16xi32>
      %lt3A_262 = arith.cmpi ult, %sub3A_259, %lt3A_261 : vector<16xi32>
      tpu.vector_store_idx %arg6[%sub3A_259, %add3A_256], %broadcast_in_dim3A_3 masked %lt3A_262 : memref<120x512xf32, #tpu.memory_space<vmem>>[vector<16xi32>, vector<16xi32>], vector<16xf32>, vector<16xi1>
      %sub3A_263 = arith.constant 720 : i32
      %sub3A_264 = vector.broadcast %sub3A_263 : i32 to vector<16xi32>
      %sub3A_265 = arith.subi %get3A_252, %sub3A_264 : vector<16xi32>
      %lt3A_266 = arith.constant 120 : i32
      %lt3A_267 = vector.broadcast %lt3A_266 : i32 to vector<16xi32>
      %lt3A_268 = arith.cmpi ult, %sub3A_265, %lt3A_267 : vector<16xi32>
      tpu.vector_store_idx %arg6[%sub3A_265, %add3A_256], %broadcast_in_dim3A_5 masked %lt3A_268 : memref<120x512xf32, #tpu.memory_space<vmem>>[vector<16xi32>, vector<16xi32>], vector<16xf32>, vector<16xi1>
      %scan3A_269 = arith.constant 6 : i32
      %scan3A_270 = arith.addi %scan3A_141, %scan3A_269 : i32
      %mul3A_271 = arith.constant 16 : i32
      %mul3A_272 = arith.muli %scan3A_270, %mul3A_271 : i32
      %get3A_273 = arith.index_cast %mul3A_272 : i32 to index
      %get3A_274 = tpu.vector_load %arg5[%get3A_273] {strides = array<i32>} : memref<512xi32, #tpu.memory_space<vmem>>, vector<16xi32>,
      %mul3A_275 = arith.constant 16 : i32
      %mul3A_276 = arith.muli %scan3A_270, %mul3A_275 : i32
      %add3A_277 = vector.broadcast %mul3A_276 : i32 to vector<16xi32>
      %add3A_278 = arith.addi %add3A_277, %iota3A : vector<16xi32>
      %sub3A_279 = arith.constant 480 : i32
      %sub3A_280 = vector.broadcast %sub3A_279 : i32 to vector<16xi32>
      %sub3A_281 = arith.subi %get3A_274, %sub3A_280 : vector<16xi32>
      %lt3A_282 = arith.constant 120 : i32
      %lt3A_283 = vector.broadcast %lt3A_282 : i32 to vector<16xi32>
      %lt3A_284 = arith.cmpi ult, %sub3A_281, %lt3A_283 : vector<16xi32>
      tpu.vector_store_idx %arg6[%sub3A_281, %add3A_278], %broadcast_in_dim3A_3 masked %lt3A_284 : memref<120x512xf32, #tpu.memory_space<vmem>>[vector<16xi32>, vector<16xi32>], vector<16xf32>, vector<16xi1>
      %sub3A_285 = arith.constant 720 : i32
      %sub3A_286 = vector.broadcast %sub3A_285 : i32 to vector<16xi32>
      %sub3A_287 = arith.subi %get3A_274, %sub3A_286 : vector<16xi32>
      %lt3A_288 = arith.constant 120 : i32
      %lt3A_289 = vector.broadcast %lt3A_288 : i32 to vector<16xi32>
      %lt3A_290 = arith.cmpi ult, %sub3A_287, %lt3A_289 : vector<16xi32>
      tpu.vector_store_idx %arg6[%sub3A_287, %add3A_278], %broadcast_in_dim3A_5 masked %lt3A_290 : memref<120x512xf32, #tpu.memory_space<vmem>>[vector<16xi32>, vector<16xi32>], vector<16xf32>, vector<16xi1>
      %scan3A_291 = arith.constant 7 : i32
      %scan3A_292 = arith.addi %scan3A_141, %scan3A_291 : i32
      %mul3A_293 = arith.constant 16 : i32
      %mul3A_294 = arith.muli %scan3A_292, %mul3A_293 : i32
      %get3A_295 = arith.index_cast %mul3A_294 : i32 to index
      %get3A_296 = tpu.vector_load %arg5[%get3A_295] {strides = array<i32>} : memref<512xi32, #tpu.memory_space<vmem>>, vector<16xi32>,
      %mul3A_297 = arith.constant 16 : i32
      %mul3A_298 = arith.muli %scan3A_292, %mul3A_297 : i32
      %add3A_299 = vector.broadcast %mul3A_298 : i32 to vector<16xi32>
      %add3A_300 = arith.addi %add3A_299, %iota3A : vector<16xi32>
      %sub3A_301 = arith.constant 480 : i32
      %sub3A_302 = vector.broadcast %sub3A_301 : i32 to vector<16xi32>
      %sub3A_303 = arith.subi %get3A_296, %sub3A_302 : vector<16xi32>
      %lt3A_304 = arith.constant 120 : i32
      %lt3A_305 = vector.broadcast %lt3A_304 : i32 to vector<16xi32>
      %lt3A_306 = arith.cmpi ult, %sub3A_303, %lt3A_305 : vector<16xi32>
      tpu.vector_store_idx %arg6[%sub3A_303, %add3A_300], %broadcast_in_dim3A_3 masked %lt3A_306 : memref<120x512xf32, #tpu.memory_space<vmem>>[vector<16xi32>, vector<16xi32>], vector<16xf32>, vector<16xi1>
      %sub3A_307 = arith.constant 720 : i32
      %sub3A_308 = vector.broadcast %sub3A_307 : i32 to vector<16xi32>
      %sub3A_309 = arith.subi %get3A_296, %sub3A_308 : vector<16xi32>
      %lt3A_310 = arith.constant 120 : i32
      %lt3A_311 = vector.broadcast %lt3A_310 : i32 to vector<16xi32>
      %lt3A_312 = arith.cmpi ult, %sub3A_309, %lt3A_311 : vector<16xi32>
      tpu.vector_store_idx %arg6[%sub3A_309, %add3A_300], %broadcast_in_dim3A_5 masked %lt3A_312 : memref<120x512xf32, #tpu.memory_space<vmem>>[vector<16xi32>, vector<16xi32>], vector<16xf32>, vector<16xi1>
    }
    %scan3A_88 = arith.constant 32 : i32
    %dma_start3A_89 = arith.constant 720 : i32
    %dma_start3A_90 = tpu.memref_slice %arg4[%dma_start3A_89, %mul3A_2] : memref<1000x16384xf32, #tpu.memory_space<hbm>> -> memref<120x512xf32, #tpu.memory_space<hbm>>
    %dma_start3A_91 = arith.constant 720 : i32
    %dma_start3A_92 = tpu.memref_slice %arg4[%dma_start3A_91, %mul3A_2] : memref<1000x16384xf32, #tpu.memory_space<hbm>> -> memref<120x512xf32, #tpu.memory_space<hbm>>
    tpu.enqueue_dma source(%arg6 : memref<120x512xf32, #tpu.memory_space<vmem>>) target(%dma_start3A_92 : memref<120x512xf32, #tpu.memory_space<hbm>>) target_semaphore(%arg8 : memref<!tpu.dma_semaphore, #tpu.memory_space<semaphore_mem>>)
    %dma_wait3A_93 = arith.constant 600 : i32
    %dma_wait3A_94 = tpu.memref_slice %arg4[%dma_wait3A_93, %mul3A_2] : memref<1000x16384xf32, #tpu.memory_space<hbm>> -> memref<120x512xf32, #tpu.memory_space<hbm>>
    %dma_wait3A_95 = arith.constant 600 : i32
    %dma_wait3A_96 = tpu.memref_slice %arg4[%dma_wait3A_95, %mul3A_2] : memref<1000x16384xf32, #tpu.memory_space<hbm>> -> memref<120x512xf32, #tpu.memory_space<hbm>>
    tpu.wait_dma2 semaphore(%arg9 : memref<!tpu.dma_semaphore, #tpu.memory_space<semaphore_mem>>) src(%arg7 : memref<120x512xf32, #tpu.memory_space<vmem>>) dst(%dma_wait3A_96 : memref<120x512xf32, #tpu.memory_space<hbm>>)
    %scan3A_97 = arith.constant 0 : i32
    %scan3A_98 = arith.constant 0 : i32
    %scan3A_99 = arith.constant 32 : i32
    %scan3A_100 = arith.addi %scan3A_98, %scan3A_99 : i32
    %scan3A_101 = arith.constant 8 : i32
    scf.for %scan3A_141 = %scan3A_98 to %scan3A_100 step %scan3A_101  : i32 {
      %mul3A_142 = arith.constant 16 : i32
      %mul3A_143 = arith.muli %scan3A_141, %mul3A_142 : i32
      %get3A = arith.index_cast %mul3A_143 : i32 to index
      %get3A_144 = tpu.vector_load %arg5[%get3A] {strides = array<i32>} : memref<512xi32, #tpu.memory_space<vmem>>, vector<16xi32>,
      %mul3A_145 = arith.constant 16 : i32
      %mul3A_146 = arith.muli %scan3A_141, %mul3A_145 : i32
      %add3A_147 = vector.broadcast %mul3A_146 : i32 to vector<16xi32>
      %add3A_148 = arith.addi %add3A_147, %iota3A : vector<16xi32>
      %sub3A = arith.constant 600 : i32
      %sub3A_149 = vector.broadcast %sub3A : i32 to vector<16xi32>
      %sub3A_150 = arith.subi %get3A_144, %sub3A_149 : vector<16xi32>
      %lt3A = arith.constant 120 : i32
      %lt3A_151 = vector.broadcast %lt3A : i32 to vector<16xi32>
      %lt3A_152 = arith.cmpi ult, %sub3A_150, %lt3A_151 : vector<16xi32>
      tpu.vector_store_idx %arg7[%sub3A_150, %add3A_148], %broadcast_in_dim3A_3 masked %lt3A_152 : memref<120x512xf32, #tpu.memory_space<vmem>>[vector<16xi32>, vector<16xi32>], vector<16xf32>, vector<16xi1>
      %sub3A_153 = arith.constant 840 : i32
      %sub3A_154 = vector.broadcast %sub3A_153 : i32 to vector<16xi32>
      %sub3A_155 = arith.subi %get3A_144, %sub3A_154 : vector<16xi32>
      %lt3A_156 = arith.constant 120 : i32
      %lt3A_157 = vector.broadcast %lt3A_156 : i32 to vector<16xi32>
      %lt3A_158 = arith.cmpi ult, %sub3A_155, %lt3A_157 : vector<16xi32>
      tpu.vector_store_idx %arg7[%sub3A_155, %add3A_148], %broadcast_in_dim3A_5 masked %lt3A_158 : memref<120x512xf32, #tpu.memory_space<vmem>>[vector<16xi32>, vector<16xi32>], vector<16xf32>, vector<16xi1>
      %scan3A_159 = arith.constant 1 : i32
      %scan3A_160 = arith.addi %scan3A_141, %scan3A_159 : i32
      %mul3A_161 = arith.constant 16 : i32
      %mul3A_162 = arith.muli %scan3A_160, %mul3A_161 : i32
      %get3A_163 = arith.index_cast %mul3A_162 : i32 to index
      %get3A_164 = tpu.vector_load %arg5[%get3A_163] {strides = array<i32>} : memref<512xi32, #tpu.memory_space<vmem>>, vector<16xi32>,
      %mul3A_165 = arith.constant 16 : i32
      %mul3A_166 = arith.muli %scan3A_160, %mul3A_165 : i32
      %add3A_167 = vector.broadcast %mul3A_166 : i32 to vector<16xi32>
      %add3A_168 = arith.addi %add3A_167, %iota3A : vector<16xi32>
      %sub3A_169 = arith.constant 600 : i32
      %sub3A_170 = vector.broadcast %sub3A_169 : i32 to vector<16xi32>
      %sub3A_171 = arith.subi %get3A_164, %sub3A_170 : vector<16xi32>
      %lt3A_172 = arith.constant 120 : i32
      %lt3A_173 = vector.broadcast %lt3A_172 : i32 to vector<16xi32>
      %lt3A_174 = arith.cmpi ult, %sub3A_171, %lt3A_173 : vector<16xi32>
      tpu.vector_store_idx %arg7[%sub3A_171, %add3A_168], %broadcast_in_dim3A_3 masked %lt3A_174 : memref<120x512xf32, #tpu.memory_space<vmem>>[vector<16xi32>, vector<16xi32>], vector<16xf32>, vector<16xi1>
      %sub3A_175 = arith.constant 840 : i32
      %sub3A_176 = vector.broadcast %sub3A_175 : i32 to vector<16xi32>
      %sub3A_177 = arith.subi %get3A_164, %sub3A_176 : vector<16xi32>
      %lt3A_178 = arith.constant 120 : i32
      %lt3A_179 = vector.broadcast %lt3A_178 : i32 to vector<16xi32>
      %lt3A_180 = arith.cmpi ult, %sub3A_177, %lt3A_179 : vector<16xi32>
      tpu.vector_store_idx %arg7[%sub3A_177, %add3A_168], %broadcast_in_dim3A_5 masked %lt3A_180 : memref<120x512xf32, #tpu.memory_space<vmem>>[vector<16xi32>, vector<16xi32>], vector<16xf32>, vector<16xi1>
      %scan3A_181 = arith.constant 2 : i32
      %scan3A_182 = arith.addi %scan3A_141, %scan3A_181 : i32
      %mul3A_183 = arith.constant 16 : i32
      %mul3A_184 = arith.muli %scan3A_182, %mul3A_183 : i32
      %get3A_185 = arith.index_cast %mul3A_184 : i32 to index
      %get3A_186 = tpu.vector_load %arg5[%get3A_185] {strides = array<i32>} : memref<512xi32, #tpu.memory_space<vmem>>, vector<16xi32>,
      %mul3A_187 = arith.constant 16 : i32
      %mul3A_188 = arith.muli %scan3A_182, %mul3A_187 : i32
      %add3A_189 = vector.broadcast %mul3A_188 : i32 to vector<16xi32>
      %add3A_190 = arith.addi %add3A_189, %iota3A : vector<16xi32>
      %sub3A_191 = arith.constant 600 : i32
      %sub3A_192 = vector.broadcast %sub3A_191 : i32 to vector<16xi32>
      %sub3A_193 = arith.subi %get3A_186, %sub3A_192 : vector<16xi32>
      %lt3A_194 = arith.constant 120 : i32
      %lt3A_195 = vector.broadcast %lt3A_194 : i32 to vector<16xi32>
      %lt3A_196 = arith.cmpi ult, %sub3A_193, %lt3A_195 : vector<16xi32>
      tpu.vector_store_idx %arg7[%sub3A_193, %add3A_190], %broadcast_in_dim3A_3 masked %lt3A_196 : memref<120x512xf32, #tpu.memory_space<vmem>>[vector<16xi32>, vector<16xi32>], vector<16xf32>, vector<16xi1>
      %sub3A_197 = arith.constant 840 : i32
      %sub3A_198 = vector.broadcast %sub3A_197 : i32 to vector<16xi32>
      %sub3A_199 = arith.subi %get3A_186, %sub3A_198 : vector<16xi32>
      %lt3A_200 = arith.constant 120 : i32
      %lt3A_201 = vector.broadcast %lt3A_200 : i32 to vector<16xi32>
      %lt3A_202 = arith.cmpi ult, %sub3A_199, %lt3A_201 : vector<16xi32>
      tpu.vector_store_idx %arg7[%sub3A_199, %add3A_190], %broadcast_in_dim3A_5 masked %lt3A_202 : memref<120x512xf32, #tpu.memory_space<vmem>>[vector<16xi32>, vector<16xi32>], vector<16xf32>, vector<16xi1>
      %scan3A_203 = arith.constant 3 : i32
      %scan3A_204 = arith.addi %scan3A_141, %scan3A_203 : i32
      %mul3A_205 = arith.constant 16 : i32
      %mul3A_206 = arith.muli %scan3A_204, %mul3A_205 : i32
      %get3A_207 = arith.index_cast %mul3A_206 : i32 to index
      %get3A_208 = tpu.vector_load %arg5[%get3A_207] {strides = array<i32>} : memref<512xi32, #tpu.memory_space<vmem>>, vector<16xi32>,
      %mul3A_209 = arith.constant 16 : i32
      %mul3A_210 = arith.muli %scan3A_204, %mul3A_209 : i32
      %add3A_211 = vector.broadcast %mul3A_210 : i32 to vector<16xi32>
      %add3A_212 = arith.addi %add3A_211, %iota3A : vector<16xi32>
      %sub3A_213 = arith.constant 600 : i32
      %sub3A_214 = vector.broadcast %sub3A_213 : i32 to vector<16xi32>
      %sub3A_215 = arith.subi %get3A_208, %sub3A_214 : vector<16xi32>
      %lt3A_216 = arith.constant 120 : i32
      %lt3A_217 = vector.broadcast %lt3A_216 : i32 to vector<16xi32>
      %lt3A_218 = arith.cmpi ult, %sub3A_215, %lt3A_217 : vector<16xi32>
      tpu.vector_store_idx %arg7[%sub3A_215, %add3A_212], %broadcast_in_dim3A_3 masked %lt3A_218 : memref<120x512xf32, #tpu.memory_space<vmem>>[vector<16xi32>, vector<16xi32>], vector<16xf32>, vector<16xi1>
      %sub3A_219 = arith.constant 840 : i32
      %sub3A_220 = vector.broadcast %sub3A_219 : i32 to vector<16xi32>
      %sub3A_221 = arith.subi %get3A_208, %sub3A_220 : vector<16xi32>
      %lt3A_222 = arith.constant 120 : i32
      %lt3A_223 = vector.broadcast %lt3A_222 : i32 to vector<16xi32>
      %lt3A_224 = arith.cmpi ult, %sub3A_221, %lt3A_223 : vector<16xi32>
      tpu.vector_store_idx %arg7[%sub3A_221, %add3A_212], %broadcast_in_dim3A_5 masked %lt3A_224 : memref<120x512xf32, #tpu.memory_space<vmem>>[vector<16xi32>, vector<16xi32>], vector<16xf32>, vector<16xi1>
      %scan3A_225 = arith.constant 4 : i32
      %scan3A_226 = arith.addi %scan3A_141, %scan3A_225 : i32
      %mul3A_227 = arith.constant 16 : i32
      %mul3A_228 = arith.muli %scan3A_226, %mul3A_227 : i32
      %get3A_229 = arith.index_cast %mul3A_228 : i32 to index
      %get3A_230 = tpu.vector_load %arg5[%get3A_229] {strides = array<i32>} : memref<512xi32, #tpu.memory_space<vmem>>, vector<16xi32>,
      %mul3A_231 = arith.constant 16 : i32
      %mul3A_232 = arith.muli %scan3A_226, %mul3A_231 : i32
      %add3A_233 = vector.broadcast %mul3A_232 : i32 to vector<16xi32>
      %add3A_234 = arith.addi %add3A_233, %iota3A : vector<16xi32>
      %sub3A_235 = arith.constant 600 : i32
      %sub3A_236 = vector.broadcast %sub3A_235 : i32 to vector<16xi32>
      %sub3A_237 = arith.subi %get3A_230, %sub3A_236 : vector<16xi32>
      %lt3A_238 = arith.constant 120 : i32
      %lt3A_239 = vector.broadcast %lt3A_238 : i32 to vector<16xi32>
      %lt3A_240 = arith.cmpi ult, %sub3A_237, %lt3A_239 : vector<16xi32>
      tpu.vector_store_idx %arg7[%sub3A_237, %add3A_234], %broadcast_in_dim3A_3 masked %lt3A_240 : memref<120x512xf32, #tpu.memory_space<vmem>>[vector<16xi32>, vector<16xi32>], vector<16xf32>, vector<16xi1>
      %sub3A_241 = arith.constant 840 : i32
      %sub3A_242 = vector.broadcast %sub3A_241 : i32 to vector<16xi32>
      %sub3A_243 = arith.subi %get3A_230, %sub3A_242 : vector<16xi32>
      %lt3A_244 = arith.constant 120 : i32
      %lt3A_245 = vector.broadcast %lt3A_244 : i32 to vector<16xi32>
      %lt3A_246 = arith.cmpi ult, %sub3A_243, %lt3A_245 : vector<16xi32>
      tpu.vector_store_idx %arg7[%sub3A_243, %add3A_234], %broadcast_in_dim3A_5 masked %lt3A_246 : memref<120x512xf32, #tpu.memory_space<vmem>>[vector<16xi32>, vector<16xi32>], vector<16xf32>, vector<16xi1>
      %scan3A_247 = arith.constant 5 : i32
      %scan3A_248 = arith.addi %scan3A_141, %scan3A_247 : i32
      %mul3A_249 = arith.constant 16 : i32
      %mul3A_250 = arith.muli %scan3A_248, %mul3A_249 : i32
      %get3A_251 = arith.index_cast %mul3A_250 : i32 to index
      %get3A_252 = tpu.vector_load %arg5[%get3A_251] {strides = array<i32>} : memref<512xi32, #tpu.memory_space<vmem>>, vector<16xi32>,
      %mul3A_253 = arith.constant 16 : i32
      %mul3A_254 = arith.muli %scan3A_248, %mul3A_253 : i32
      %add3A_255 = vector.broadcast %mul3A_254 : i32 to vector<16xi32>
      %add3A_256 = arith.addi %add3A_255, %iota3A : vector<16xi32>
      %sub3A_257 = arith.constant 600 : i32
      %sub3A_258 = vector.broadcast %sub3A_257 : i32 to vector<16xi32>
      %sub3A_259 = arith.subi %get3A_252, %sub3A_258 : vector<16xi32>
      %lt3A_260 = arith.constant 120 : i32
      %lt3A_261 = vector.broadcast %lt3A_260 : i32 to vector<16xi32>
      %lt3A_262 = arith.cmpi ult, %sub3A_259, %lt3A_261 : vector<16xi32>
      tpu.vector_store_idx %arg7[%sub3A_259, %add3A_256], %broadcast_in_dim3A_3 masked %lt3A_262 : memref<120x512xf32, #tpu.memory_space<vmem>>[vector<16xi32>, vector<16xi32>], vector<16xf32>, vector<16xi1>
      %sub3A_263 = arith.constant 840 : i32
      %sub3A_264 = vector.broadcast %sub3A_263 : i32 to vector<16xi32>
      %sub3A_265 = arith.subi %get3A_252, %sub3A_264 : vector<16xi32>
      %lt3A_266 = arith.constant 120 : i32
      %lt3A_267 = vector.broadcast %lt3A_266 : i32 to vector<16xi32>
      %lt3A_268 = arith.cmpi ult, %sub3A_265, %lt3A_267 : vector<16xi32>
      tpu.vector_store_idx %arg7[%sub3A_265, %add3A_256], %broadcast_in_dim3A_5 masked %lt3A_268 : memref<120x512xf32, #tpu.memory_space<vmem>>[vector<16xi32>, vector<16xi32>], vector<16xf32>, vector<16xi1>
      %scan3A_269 = arith.constant 6 : i32
      %scan3A_270 = arith.addi %scan3A_141, %scan3A_269 : i32
      %mul3A_271 = arith.constant 16 : i32
      %mul3A_272 = arith.muli %scan3A_270, %mul3A_271 : i32
      %get3A_273 = arith.index_cast %mul3A_272 : i32 to index
      %get3A_274 = tpu.vector_load %arg5[%get3A_273] {strides = array<i32>} : memref<512xi32, #tpu.memory_space<vmem>>, vector<16xi32>,
      %mul3A_275 = arith.constant 16 : i32
      %mul3A_276 = arith.muli %scan3A_270, %mul3A_275 : i32
      %add3A_277 = vector.broadcast %mul3A_276 : i32 to vector<16xi32>
      %add3A_278 = arith.addi %add3A_277, %iota3A : vector<16xi32>
      %sub3A_279 = arith.constant 600 : i32
      %sub3A_280 = vector.broadcast %sub3A_279 : i32 to vector<16xi32>
      %sub3A_281 = arith.subi %get3A_274, %sub3A_280 : vector<16xi32>
      %lt3A_282 = arith.constant 120 : i32
      %lt3A_283 = vector.broadcast %lt3A_282 : i32 to vector<16xi32>
      %lt3A_284 = arith.cmpi ult, %sub3A_281, %lt3A_283 : vector<16xi32>
      tpu.vector_store_idx %arg7[%sub3A_281, %add3A_278], %broadcast_in_dim3A_3 masked %lt3A_284 : memref<120x512xf32, #tpu.memory_space<vmem>>[vector<16xi32>, vector<16xi32>], vector<16xf32>, vector<16xi1>
      %sub3A_285 = arith.constant 840 : i32
      %sub3A_286 = vector.broadcast %sub3A_285 : i32 to vector<16xi32>
      %sub3A_287 = arith.subi %get3A_274, %sub3A_286 : vector<16xi32>
      %lt3A_288 = arith.constant 120 : i32
      %lt3A_289 = vector.broadcast %lt3A_288 : i32 to vector<16xi32>
      %lt3A_290 = arith.cmpi ult, %sub3A_287, %lt3A_289 : vector<16xi32>
      tpu.vector_store_idx %arg7[%sub3A_287, %add3A_278], %broadcast_in_dim3A_5 masked %lt3A_290 : memref<120x512xf32, #tpu.memory_space<vmem>>[vector<16xi32>, vector<16xi32>], vector<16xf32>, vector<16xi1>
      %scan3A_291 = arith.constant 7 : i32
      %scan3A_292 = arith.addi %scan3A_141, %scan3A_291 : i32
      %mul3A_293 = arith.constant 16 : i32
      %mul3A_294 = arith.muli %scan3A_292, %mul3A_293 : i32
      %get3A_295 = arith.index_cast %mul3A_294 : i32 to index
      %get3A_296 = tpu.vector_load %arg5[%get3A_295] {strides = array<i32>} : memref<512xi32, #tpu.memory_space<vmem>>, vector<16xi32>,
      %mul3A_297 = arith.constant 16 : i32
      %mul3A_298 = arith.muli %scan3A_292, %mul3A_297 : i32
      %add3A_299 = vector.broadcast %mul3A_298 : i32 to vector<16xi32>
      %add3A_300 = arith.addi %add3A_299, %iota3A : vector<16xi32>
      %sub3A_301 = arith.constant 600 : i32
      %sub3A_302 = vector.broadcast %sub3A_301 : i32 to vector<16xi32>
      %sub3A_303 = arith.subi %get3A_296, %sub3A_302 : vector<16xi32>
      %lt3A_304 = arith.constant 120 : i32
      %lt3A_305 = vector.broadcast %lt3A_304 : i32 to vector<16xi32>
      %lt3A_306 = arith.cmpi ult, %sub3A_303, %lt3A_305 : vector<16xi32>
      tpu.vector_store_idx %arg7[%sub3A_303, %add3A_300], %broadcast_in_dim3A_3 masked %lt3A_306 : memref<120x512xf32, #tpu.memory_space<vmem>>[vector<16xi32>, vector<16xi32>], vector<16xf32>, vector<16xi1>
      %sub3A_307 = arith.constant 840 : i32
      %sub3A_308 = vector.broadcast %sub3A_307 : i32 to vector<16xi32>
      %sub3A_309 = arith.subi %get3A_296, %sub3A_308 : vector<16xi32>
      %lt3A_310 = arith.constant 120 : i32
      %lt3A_311 = vector.broadcast %lt3A_310 : i32 to vector<16xi32>
      %lt3A_312 = arith.cmpi ult, %sub3A_309, %lt3A_311 : vector<16xi32>
      tpu.vector_store_idx %arg7[%sub3A_309, %add3A_300], %broadcast_in_dim3A_5 masked %lt3A_312 : memref<120x512xf32, #tpu.memory_space<vmem>>[vector<16xi32>, vector<16xi32>], vector<16xf32>, vector<16xi1>
    }
    %scan3A_102 = arith.constant 32 : i32
    %dma_start3A_103 = arith.constant 840 : i32
    %dma_start3A_104 = tpu.memref_slice %arg4[%dma_start3A_103, %mul3A_2] : memref<1000x16384xf32, #tpu.memory_space<hbm>> -> memref<120x512xf32, #tpu.memory_space<hbm>>
    %dma_start3A_105 = arith.constant 840 : i32
    %dma_start3A_106 = tpu.memref_slice %arg4[%dma_start3A_105, %mul3A_2] : memref<1000x16384xf32, #tpu.memory_space<hbm>> -> memref<120x512xf32, #tpu.memory_space<hbm>>
    tpu.enqueue_dma source(%arg7 : memref<120x512xf32, #tpu.memory_space<vmem>>) target(%dma_start3A_106 : memref<120x512xf32, #tpu.memory_space<hbm>>) target_semaphore(%arg9 : memref<!tpu.dma_semaphore, #tpu.memory_space<semaphore_mem>>)
    %dma_wait3A_107 = arith.constant 720 : i32
    %dma_wait3A_108 = tpu.memref_slice %arg4[%dma_wait3A_107, %mul3A_2] : memref<1000x16384xf32, #tpu.memory_space<hbm>> -> memref<120x512xf32, #tpu.memory_space<hbm>>
    %dma_wait3A_109 = arith.constant 720 : i32
    %dma_wait3A_110 = tpu.memref_slice %arg4[%dma_wait3A_109, %mul3A_2] : memref<1000x16384xf32, #tpu.memory_space<hbm>> -> memref<120x512xf32, #tpu.memory_space<hbm>>
    tpu.wait_dma2 semaphore(%arg8 : memref<!tpu.dma_semaphore, #tpu.memory_space<semaphore_mem>>) src(%arg6 : memref<120x512xf32, #tpu.memory_space<vmem>>) dst(%dma_wait3A_110 : memref<120x512xf32, #tpu.memory_space<hbm>>)
    %scan3A_111 = arith.constant 0 : i32
    %scan3A_112 = arith.constant 0 : i32
    %scan3A_113 = arith.constant 32 : i32
    %scan3A_114 = arith.addi %scan3A_112, %scan3A_113 : i32
    %scan3A_115 = arith.constant 8 : i32
    scf.for %scan3A_141 = %scan3A_112 to %scan3A_114 step %scan3A_115  : i32 {
      %mul3A_142 = arith.constant 16 : i32
      %mul3A_143 = arith.muli %scan3A_141, %mul3A_142 : i32
      %get3A = arith.index_cast %mul3A_143 : i32 to index
      %get3A_144 = tpu.vector_load %arg5[%get3A] {strides = array<i32>} : memref<512xi32, #tpu.memory_space<vmem>>, vector<16xi32>,
      %mul3A_145 = arith.constant 16 : i32
      %mul3A_146 = arith.muli %scan3A_141, %mul3A_145 : i32
      %add3A_147 = vector.broadcast %mul3A_146 : i32 to vector<16xi32>
      %add3A_148 = arith.addi %add3A_147, %iota3A : vector<16xi32>
      %sub3A = arith.constant 720 : i32
      %sub3A_149 = vector.broadcast %sub3A : i32 to vector<16xi32>
      %sub3A_150 = arith.subi %get3A_144, %sub3A_149 : vector<16xi32>
      %lt3A = arith.constant 120 : i32
      %lt3A_151 = vector.broadcast %lt3A : i32 to vector<16xi32>
      %lt3A_152 = arith.cmpi ult, %sub3A_150, %lt3A_151 : vector<16xi32>
      tpu.vector_store_idx %arg6[%sub3A_150, %add3A_148], %broadcast_in_dim3A_3 masked %lt3A_152 : memref<120x512xf32, #tpu.memory_space<vmem>>[vector<16xi32>, vector<16xi32>], vector<16xf32>, vector<16xi1>
      %sub3A_153 = arith.constant 960 : i32
      %sub3A_154 = vector.broadcast %sub3A_153 : i32 to vector<16xi32>
      %sub3A_155 = arith.subi %get3A_144, %sub3A_154 : vector<16xi32>
      %lt3A_156 = arith.constant 40 : i32
      %lt3A_157 = vector.broadcast %lt3A_156 : i32 to vector<16xi32>
      %lt3A_158 = arith.cmpi ult, %sub3A_155, %lt3A_157 : vector<16xi32>
      tpu.vector_store_idx %arg6[%sub3A_155, %add3A_148], %broadcast_in_dim3A_5 masked %lt3A_158 : memref<120x512xf32, #tpu.memory_space<vmem>>[vector<16xi32>, vector<16xi32>], vector<16xf32>, vector<16xi1>
      %scan3A_159 = arith.constant 1 : i32
      %scan3A_160 = arith.addi %scan3A_141, %scan3A_159 : i32
      %mul3A_161 = arith.constant 16 : i32
      %mul3A_162 = arith.muli %scan3A_160, %mul3A_161 : i32
      %get3A_163 = arith.index_cast %mul3A_162 : i32 to index
      %get3A_164 = tpu.vector_load %arg5[%get3A_163] {strides = array<i32>} : memref<512xi32, #tpu.memory_space<vmem>>, vector<16xi32>,
      %mul3A_165 = arith.constant 16 : i32
      %mul3A_166 = arith.muli %scan3A_160, %mul3A_165 : i32
      %add3A_167 = vector.broadcast %mul3A_166 : i32 to vector<16xi32>
      %add3A_168 = arith.addi %add3A_167, %iota3A : vector<16xi32>
      %sub3A_169 = arith.constant 720 : i32
      %sub3A_170 = vector.broadcast %sub3A_169 : i32 to vector<16xi32>
      %sub3A_171 = arith.subi %get3A_164, %sub3A_170 : vector<16xi32>
      %lt3A_172 = arith.constant 120 : i32
      %lt3A_173 = vector.broadcast %lt3A_172 : i32 to vector<16xi32>
      %lt3A_174 = arith.cmpi ult, %sub3A_171, %lt3A_173 : vector<16xi32>
      tpu.vector_store_idx %arg6[%sub3A_171, %add3A_168], %broadcast_in_dim3A_3 masked %lt3A_174 : memref<120x512xf32, #tpu.memory_space<vmem>>[vector<16xi32>, vector<16xi32>], vector<16xf32>, vector<16xi1>
      %sub3A_175 = arith.constant 960 : i32
      %sub3A_176 = vector.broadcast %sub3A_175 : i32 to vector<16xi32>
      %sub3A_177 = arith.subi %get3A_164, %sub3A_176 : vector<16xi32>
      %lt3A_178 = arith.constant 40 : i32
      %lt3A_179 = vector.broadcast %lt3A_178 : i32 to vector<16xi32>
      %lt3A_180 = arith.cmpi ult, %sub3A_177, %lt3A_179 : vector<16xi32>
      tpu.vector_store_idx %arg6[%sub3A_177, %add3A_168], %broadcast_in_dim3A_5 masked %lt3A_180 : memref<120x512xf32, #tpu.memory_space<vmem>>[vector<16xi32>, vector<16xi32>], vector<16xf32>, vector<16xi1>
      %scan3A_181 = arith.constant 2 : i32
      %scan3A_182 = arith.addi %scan3A_141, %scan3A_181 : i32
      %mul3A_183 = arith.constant 16 : i32
      %mul3A_184 = arith.muli %scan3A_182, %mul3A_183 : i32
      %get3A_185 = arith.index_cast %mul3A_184 : i32 to index
      %get3A_186 = tpu.vector_load %arg5[%get3A_185] {strides = array<i32>} : memref<512xi32, #tpu.memory_space<vmem>>, vector<16xi32>,
      %mul3A_187 = arith.constant 16 : i32
      %mul3A_188 = arith.muli %scan3A_182, %mul3A_187 : i32
      %add3A_189 = vector.broadcast %mul3A_188 : i32 to vector<16xi32>
      %add3A_190 = arith.addi %add3A_189, %iota3A : vector<16xi32>
      %sub3A_191 = arith.constant 720 : i32
      %sub3A_192 = vector.broadcast %sub3A_191 : i32 to vector<16xi32>
      %sub3A_193 = arith.subi %get3A_186, %sub3A_192 : vector<16xi32>
      %lt3A_194 = arith.constant 120 : i32
      %lt3A_195 = vector.broadcast %lt3A_194 : i32 to vector<16xi32>
      %lt3A_196 = arith.cmpi ult, %sub3A_193, %lt3A_195 : vector<16xi32>
      tpu.vector_store_idx %arg6[%sub3A_193, %add3A_190], %broadcast_in_dim3A_3 masked %lt3A_196 : memref<120x512xf32, #tpu.memory_space<vmem>>[vector<16xi32>, vector<16xi32>], vector<16xf32>, vector<16xi1>
      %sub3A_197 = arith.constant 960 : i32
      %sub3A_198 = vector.broadcast %sub3A_197 : i32 to vector<16xi32>
      %sub3A_199 = arith.subi %get3A_186, %sub3A_198 : vector<16xi32>
      %lt3A_200 = arith.constant 40 : i32
      %lt3A_201 = vector.broadcast %lt3A_200 : i32 to vector<16xi32>
      %lt3A_202 = arith.cmpi ult, %sub3A_199, %lt3A_201 : vector<16xi32>
      tpu.vector_store_idx %arg6[%sub3A_199, %add3A_190], %broadcast_in_dim3A_5 masked %lt3A_202 : memref<120x512xf32, #tpu.memory_space<vmem>>[vector<16xi32>, vector<16xi32>], vector<16xf32>, vector<16xi1>
      %scan3A_203 = arith.constant 3 : i32
      %scan3A_204 = arith.addi %scan3A_141, %scan3A_203 : i32
      %mul3A_205 = arith.constant 16 : i32
      %mul3A_206 = arith.muli %scan3A_204, %mul3A_205 : i32
      %get3A_207 = arith.index_cast %mul3A_206 : i32 to index
      %get3A_208 = tpu.vector_load %arg5[%get3A_207] {strides = array<i32>} : memref<512xi32, #tpu.memory_space<vmem>>, vector<16xi32>,
      %mul3A_209 = arith.constant 16 : i32
      %mul3A_210 = arith.muli %scan3A_204, %mul3A_209 : i32
      %add3A_211 = vector.broadcast %mul3A_210 : i32 to vector<16xi32>
      %add3A_212 = arith.addi %add3A_211, %iota3A : vector<16xi32>
      %sub3A_213 = arith.constant 720 : i32
      %sub3A_214 = vector.broadcast %sub3A_213 : i32 to vector<16xi32>
      %sub3A_215 = arith.subi %get3A_208, %sub3A_214 : vector<16xi32>
      %lt3A_216 = arith.constant 120 : i32
      %lt3A_217 = vector.broadcast %lt3A_216 : i32 to vector<16xi32>
      %lt3A_218 = arith.cmpi ult, %sub3A_215, %lt3A_217 : vector<16xi32>
      tpu.vector_store_idx %arg6[%sub3A_215, %add3A_212], %broadcast_in_dim3A_3 masked %lt3A_218 : memref<120x512xf32, #tpu.memory_space<vmem>>[vector<16xi32>, vector<16xi32>], vector<16xf32>, vector<16xi1>
      %sub3A_219 = arith.constant 960 : i32
      %sub3A_220 = vector.broadcast %sub3A_219 : i32 to vector<16xi32>
      %sub3A_221 = arith.subi %get3A_208, %sub3A_220 : vector<16xi32>
      %lt3A_222 = arith.constant 40 : i32
      %lt3A_223 = vector.broadcast %lt3A_222 : i32 to vector<16xi32>
      %lt3A_224 = arith.cmpi ult, %sub3A_221, %lt3A_223 : vector<16xi32>
      tpu.vector_store_idx %arg6[%sub3A_221, %add3A_212], %broadcast_in_dim3A_5 masked %lt3A_224 : memref<120x512xf32, #tpu.memory_space<vmem>>[vector<16xi32>, vector<16xi32>], vector<16xf32>, vector<16xi1>
      %scan3A_225 = arith.constant 4 : i32
      %scan3A_226 = arith.addi %scan3A_141, %scan3A_225 : i32
      %mul3A_227 = arith.constant 16 : i32
      %mul3A_228 = arith.muli %scan3A_226, %mul3A_227 : i32
      %get3A_229 = arith.index_cast %mul3A_228 : i32 to index
      %get3A_230 = tpu.vector_load %arg5[%get3A_229] {strides = array<i32>} : memref<512xi32, #tpu.memory_space<vmem>>, vector<16xi32>,
      %mul3A_231 = arith.constant 16 : i32
      %mul3A_232 = arith.muli %scan3A_226, %mul3A_231 : i32
      %add3A_233 = vector.broadcast %mul3A_232 : i32 to vector<16xi32>
      %add3A_234 = arith.addi %add3A_233, %iota3A : vector<16xi32>
      %sub3A_235 = arith.constant 720 : i32
      %sub3A_236 = vector.broadcast %sub3A_235 : i32 to vector<16xi32>
      %sub3A_237 = arith.subi %get3A_230, %sub3A_236 : vector<16xi32>
      %lt3A_238 = arith.constant 120 : i32
      %lt3A_239 = vector.broadcast %lt3A_238 : i32 to vector<16xi32>
      %lt3A_240 = arith.cmpi ult, %sub3A_237, %lt3A_239 : vector<16xi32>
      tpu.vector_store_idx %arg6[%sub3A_237, %add3A_234], %broadcast_in_dim3A_3 masked %lt3A_240 : memref<120x512xf32, #tpu.memory_space<vmem>>[vector<16xi32>, vector<16xi32>], vector<16xf32>, vector<16xi1>
      %sub3A_241 = arith.constant 960 : i32
      %sub3A_242 = vector.broadcast %sub3A_241 : i32 to vector<16xi32>
      %sub3A_243 = arith.subi %get3A_230, %sub3A_242 : vector<16xi32>
      %lt3A_244 = arith.constant 40 : i32
      %lt3A_245 = vector.broadcast %lt3A_244 : i32 to vector<16xi32>
      %lt3A_246 = arith.cmpi ult, %sub3A_243, %lt3A_245 : vector<16xi32>
      tpu.vector_store_idx %arg6[%sub3A_243, %add3A_234], %broadcast_in_dim3A_5 masked %lt3A_246 : memref<120x512xf32, #tpu.memory_space<vmem>>[vector<16xi32>, vector<16xi32>], vector<16xf32>, vector<16xi1>
      %scan3A_247 = arith.constant 5 : i32
      %scan3A_248 = arith.addi %scan3A_141, %scan3A_247 : i32
      %mul3A_249 = arith.constant 16 : i32
      %mul3A_250 = arith.muli %scan3A_248, %mul3A_249 : i32
      %get3A_251 = arith.index_cast %mul3A_250 : i32 to index
      %get3A_252 = tpu.vector_load %arg5[%get3A_251] {strides = array<i32>} : memref<512xi32, #tpu.memory_space<vmem>>, vector<16xi32>,
      %mul3A_253 = arith.constant 16 : i32
      %mul3A_254 = arith.muli %scan3A_248, %mul3A_253 : i32
      %add3A_255 = vector.broadcast %mul3A_254 : i32 to vector<16xi32>
      %add3A_256 = arith.addi %add3A_255, %iota3A : vector<16xi32>
      %sub3A_257 = arith.constant 720 : i32
      %sub3A_258 = vector.broadcast %sub3A_257 : i32 to vector<16xi32>
      %sub3A_259 = arith.subi %get3A_252, %sub3A_258 : vector<16xi32>
      %lt3A_260 = arith.constant 120 : i32
      %lt3A_261 = vector.broadcast %lt3A_260 : i32 to vector<16xi32>
      %lt3A_262 = arith.cmpi ult, %sub3A_259, %lt3A_261 : vector<16xi32>
      tpu.vector_store_idx %arg6[%sub3A_259, %add3A_256], %broadcast_in_dim3A_3 masked %lt3A_262 : memref<120x512xf32, #tpu.memory_space<vmem>>[vector<16xi32>, vector<16xi32>], vector<16xf32>, vector<16xi1>
      %sub3A_263 = arith.constant 960 : i32
      %sub3A_264 = vector.broadcast %sub3A_263 : i32 to vector<16xi32>
      %sub3A_265 = arith.subi %get3A_252, %sub3A_264 : vector<16xi32>
      %lt3A_266 = arith.constant 40 : i32
      %lt3A_267 = vector.broadcast %lt3A_266 : i32 to vector<16xi32>
      %lt3A_268 = arith.cmpi ult, %sub3A_265, %lt3A_267 : vector<16xi32>
      tpu.vector_store_idx %arg6[%sub3A_265, %add3A_256], %broadcast_in_dim3A_5 masked %lt3A_268 : memref<120x512xf32, #tpu.memory_space<vmem>>[vector<16xi32>, vector<16xi32>], vector<16xf32>, vector<16xi1>
      %scan3A_269 = arith.constant 6 : i32
      %scan3A_270 = arith.addi %scan3A_141, %scan3A_269 : i32
      %mul3A_271 = arith.constant 16 : i32
      %mul3A_272 = arith.muli %scan3A_270, %mul3A_271 : i32
      %get3A_273 = arith.index_cast %mul3A_272 : i32 to index
      %get3A_274 = tpu.vector_load %arg5[%get3A_273] {strides = array<i32>} : memref<512xi32, #tpu.memory_space<vmem>>, vector<16xi32>,
      %mul3A_275 = arith.constant 16 : i32
      %mul3A_276 = arith.muli %scan3A_270, %mul3A_275 : i32
      %add3A_277 = vector.broadcast %mul3A_276 : i32 to vector<16xi32>
      %add3A_278 = arith.addi %add3A_277, %iota3A : vector<16xi32>
      %sub3A_279 = arith.constant 720 : i32
      %sub3A_280 = vector.broadcast %sub3A_279 : i32 to vector<16xi32>
      %sub3A_281 = arith.subi %get3A_274, %sub3A_280 : vector<16xi32>
      %lt3A_282 = arith.constant 120 : i32
      %lt3A_283 = vector.broadcast %lt3A_282 : i32 to vector<16xi32>
      %lt3A_284 = arith.cmpi ult, %sub3A_281, %lt3A_283 : vector<16xi32>
      tpu.vector_store_idx %arg6[%sub3A_281, %add3A_278], %broadcast_in_dim3A_3 masked %lt3A_284 : memref<120x512xf32, #tpu.memory_space<vmem>>[vector<16xi32>, vector<16xi32>], vector<16xf32>, vector<16xi1>
      %sub3A_285 = arith.constant 960 : i32
      %sub3A_286 = vector.broadcast %sub3A_285 : i32 to vector<16xi32>
      %sub3A_287 = arith.subi %get3A_274, %sub3A_286 : vector<16xi32>
      %lt3A_288 = arith.constant 40 : i32
      %lt3A_289 = vector.broadcast %lt3A_288 : i32 to vector<16xi32>
      %lt3A_290 = arith.cmpi ult, %sub3A_287, %lt3A_289 : vector<16xi32>
      tpu.vector_store_idx %arg6[%sub3A_287, %add3A_278], %broadcast_in_dim3A_5 masked %lt3A_290 : memref<120x512xf32, #tpu.memory_space<vmem>>[vector<16xi32>, vector<16xi32>], vector<16xf32>, vector<16xi1>
      %scan3A_291 = arith.constant 7 : i32
      %scan3A_292 = arith.addi %scan3A_141, %scan3A_291 : i32
      %mul3A_293 = arith.constant 16 : i32
      %mul3A_294 = arith.muli %scan3A_292, %mul3A_293 : i32
      %get3A_295 = arith.index_cast %mul3A_294 : i32 to index
      %get3A_296 = tpu.vector_load %arg5[%get3A_295] {strides = array<i32>} : memref<512xi32, #tpu.memory_space<vmem>>, vector<16xi32>,
      %mul3A_297 = arith.constant 16 : i32
      %mul3A_298 = arith.muli %scan3A_292, %mul3A_297 : i32
      %add3A_299 = vector.broadcast %mul3A_298 : i32 to vector<16xi32>
      %add3A_300 = arith.addi %add3A_299, %iota3A : vector<16xi32>
      %sub3A_301 = arith.constant 720 : i32
      %sub3A_302 = vector.broadcast %sub3A_301 : i32 to vector<16xi32>
      %sub3A_303 = arith.subi %get3A_296, %sub3A_302 : vector<16xi32>
      %lt3A_304 = arith.constant 120 : i32
      %lt3A_305 = vector.broadcast %lt3A_304 : i32 to vector<16xi32>
      %lt3A_306 = arith.cmpi ult, %sub3A_303, %lt3A_305 : vector<16xi32>
      tpu.vector_store_idx %arg6[%sub3A_303, %add3A_300], %broadcast_in_dim3A_3 masked %lt3A_306 : memref<120x512xf32, #tpu.memory_space<vmem>>[vector<16xi32>, vector<16xi32>], vector<16xf32>, vector<16xi1>
      %sub3A_307 = arith.constant 960 : i32
      %sub3A_308 = vector.broadcast %sub3A_307 : i32 to vector<16xi32>
      %sub3A_309 = arith.subi %get3A_296, %sub3A_308 : vector<16xi32>
      %lt3A_310 = arith.constant 40 : i32
      %lt3A_311 = vector.broadcast %lt3A_310 : i32 to vector<16xi32>
      %lt3A_312 = arith.cmpi ult, %sub3A_309, %lt3A_311 : vector<16xi32>
      tpu.vector_store_idx %arg6[%sub3A_309, %add3A_300], %broadcast_in_dim3A_5 masked %lt3A_312 : memref<120x512xf32, #tpu.memory_space<vmem>>[vector<16xi32>, vector<16xi32>], vector<16xf32>, vector<16xi1>
    }
    %scan3A_116 = arith.constant 32 : i32
    %dma_start3A_117 = arith.constant 0 : i32
    %dma_start3A_118 = arith.constant 0 : i32
    %dma_start3A_119 = tpu.memref_slice %arg6[%dma_start3A_117, %dma_start3A_118] : memref<120x512xf32, #tpu.memory_space<vmem>> -> memref<40x512xf32, #tpu.memory_space<vmem>>
    %dma_start3A_120 = arith.constant 960 : i32
    %dma_start3A_121 = tpu.memref_slice %arg4[%dma_start3A_120, %mul3A_2] : memref<1000x16384xf32, #tpu.memory_space<hbm>> -> memref<40x512xf32, #tpu.memory_space<hbm>>
    %dma_start3A_122 = arith.constant 960 : i32
    %dma_start3A_123 = tpu.memref_slice %arg4[%dma_start3A_122, %mul3A_2] : memref<1000x16384xf32, #tpu.memory_space<hbm>> -> memref<40x512xf32, #tpu.memory_space<hbm>>
    %dma_start3A_124 = arith.constant 0 : i32
    %dma_start3A_125 = arith.constant 0 : i32
    %dma_start3A_126 = tpu.memref_slice %arg6[%dma_start3A_124, %dma_start3A_125] : memref<120x512xf32, #tpu.memory_space<vmem>> -> memref<40x512xf32, #tpu.memory_space<vmem>>
    tpu.enqueue_dma source(%dma_start3A_126 : memref<40x512xf32, #tpu.memory_space<vmem>>) target(%dma_start3A_123 : memref<40x512xf32, #tpu.memory_space<hbm>>) target_semaphore(%arg8 : memref<!tpu.dma_semaphore, #tpu.memory_space<semaphore_mem>>)
    %dma_wait3A_127 = arith.constant 0 : i32
    %dma_wait3A_128 = arith.constant 0 : i32
    %dma_wait3A_129 = tpu.memref_slice %arg6[%dma_wait3A_127, %dma_wait3A_128] : memref<120x512xf32, #tpu.memory_space<vmem>> -> memref<40x512xf32, #tpu.memory_space<vmem>>
    %dma_wait3A_130 = arith.constant 960 : i32
    %dma_wait3A_131 = tpu.memref_slice %arg4[%dma_wait3A_130, %mul3A_2] : memref<1000x16384xf32, #tpu.memory_space<hbm>> -> memref<40x512xf32, #tpu.memory_space<hbm>>
    %dma_wait3A_132 = arith.constant 960 : i32
    %dma_wait3A_133 = tpu.memref_slice %arg4[%dma_wait3A_132, %mul3A_2] : memref<1000x16384xf32, #tpu.memory_space<hbm>> -> memref<40x512xf32, #tpu.memory_space<hbm>>
    %dma_wait3A_134 = arith.constant 0 : i32
    %dma_wait3A_135 = arith.constant 0 : i32
    %dma_wait3A_136 = tpu.memref_slice %arg6[%dma_wait3A_134, %dma_wait3A_135] : memref<120x512xf32, #tpu.memory_space<vmem>> -> memref<40x512xf32, #tpu.memory_space<vmem>>
    tpu.wait_dma2 semaphore(%arg8 : memref<!tpu.dma_semaphore, #tpu.memory_space<semaphore_mem>>) src(%dma_wait3A_136 : memref<40x512xf32, #tpu.memory_space<vmem>>) dst(%dma_wait3A_133 : memref<40x512xf32, #tpu.memory_space<hbm>>)
    %dma_wait3A_137 = arith.constant 840 : i32
    %dma_wait3A_138 = tpu.memref_slice %arg4[%dma_wait3A_137, %mul3A_2] : memref<1000x16384xf32, #tpu.memory_space<hbm>> -> memref<120x512xf32, #tpu.memory_space<hbm>>
    %dma_wait3A_139 = arith.constant 840 : i32
    %dma_wait3A_140 = tpu.memref_slice %arg4[%dma_wait3A_139, %mul3A_2] : memref<1000x16384xf32, #tpu.memory_space<hbm>> -> memref<120x512xf32, #tpu.memory_space<hbm>>
    tpu.wait_dma2 semaphore(%arg9 : memref<!tpu.dma_semaphore, #tpu.memory_space<semaphore_mem>>) src(%arg7 : memref<120x512xf32, #tpu.memory_space<vmem>>) dst(%dma_wait3A_140 : memref<120x512xf32, #tpu.memory_space<hbm>>)
    return
  }
}

</mosaic_0001>

<sc_bundles>
// kernel: kernel.3.cloned.1.call-start
scs
__scs_entry_jumppad:
0x0: {  	(pc) =	sbr.rel $0x88, $3  }
0x1: {  	(tag) =	ssettag $0x0;
	lr =	simm.s32 $0x1  }
0x2: {  	[smem:$0x3FA0] =	sst lr;
	_ =	strace $0xD0000000  }
0x3: {  	_ = 	snop  }
0x4: {  	_ = 	snop  }
0x5: {  	_ = 	snop  }
0x6: {  	_ = 	snop  }
0x7: {  	_ = 	snop  }
__scs_overlays_trampoline_lowered:
0x8: {  	[smem:$0x3FAF] =	sst s0  }
0x9: {  	[smem:$0x3FB0] =	sst s1  }
0xa: {  	[smem:$0x3FB1] =	sst s2  }
0xb: {  	[smem:$0x3FB2] =	sst s3  }
0xc: {  	[smem:$0x3FB3] =	sst s4  }
0xd: {  	[smem:$0x3FB4] =	sst s5  }
0xe: {  	[smem:$0x3FB5] =	sst s6  }
0xf: {  	[smem:$0x3FB6] =	sst s7  }
0x10: {  	[smem:$0x3FB7] =	sst s8  }
0x11: {  	[smem:$0x3FB8] =	sst s9;
	s0 =	simm.s32 @!p0 $0x0  }
0x12: {  	s1 =	sld [smem:$0x3F9E];
	s0 =	simm.s32 @p0 $0x1  }
0x13: {  	[smem:$0x3FB9] =	sst s0;
	s0 =	simm.s32 @!p1 $0x0  }
0x14: {  	s2 =	sld [smem:$0x3F9D];
	s0 =	simm.s32 @p1 $0x1  }
0x15: {  	[smem:$0x3FBA] =	sst s0;
	s0 =	simm.s32 @!p2 $0x0  }
0x16: {  	s3 =	sld [smem:$0x3FDB];
	s0 =	simm.s32 @p2 $0x1  }
0x17: {  	s4 =	simm.s32 $0x1BF5;
	[smem:$0x3FBC] =	sst s0  }
0x18: {  	s0 =	sld [smem:$0x3F9F];
	_ =	swait.ge [sflag:s4], $0x0  }
0x19: {  	s7 =	sld [smem:$0x3FA0]  }
0x1a: {  	s8 =	sadd.s32 $0xFFFFE003, lr  }
0x1b: {  	s9 =	sadd.s32 $0xFFFFFEF7, lr;
	s5 =	simm.s32 $0xFFFFFFFF;
	p2 =	slt.u32 s8, $0xFFFFF086  }
0x1c: {  	p1 =	slt.u32 s9, $0xF7A;
	s5 =	simm.s32 @!p2 $0x0  }
0x1d: {  	s5 =	simm.s32 @p1 $0x1;
	p0 =	seq.s32 s7, s2  }
0x1e: {  	s7 =	smul.u32 @!p0 $0xF7A, s2;
	p2 =	seq.s32 @!p0 s5, $0x0  }
0x1f: {  	s9 =	smul.u32 $0xF7A, s1;
	s8 =	simm.s32 @!p0 $0x1BF5;
	p2 =	por !p2, p0  }
0x20: {  	[sflag:s8] =	ssyncset.s32 @!p0 $0xFFFFF086;
	s6 =	sadd.s32 @!p0 s3, s7;
	s7 =	simm.s32 @!p0 $0x108  }
0x21: {  	s3 =	sadd.s32 s3, s9;
	s6 =	sadd.s32 @!p0 $0x88, s6;
	s7 =	simm.s32 @p2 $0x1082  }
0x22: {  	[simem:s7], [sflag:s8] =	dma.local @!p0 [hbm:s6], $0xF7A  }
0x23: {  	s9 =	sor.u32 $0xD0000000, s2;
	s6 =	simm.s32 $0x108;
	_ =	swait.ge @!p0 [sflag:s8], $0x0  }
0x24: {  	s3 =	sadd.s32 $0x88, s3;
	s6 =	simm.s32 @!p1 $0x1082;
	[sflag:s4] =	ssyncset.s32 $0xFFFFF086  }
0x25: {  	[simem:s6], [sflag:s4] =	dma.local [hbm:s3], $0xF7A  }
0x26: {  	[smem:$0x3FA0] =	sst s1;
	(tag) =	ssettag s2;
	_ =	strace s9  }
0x27: {  	s1 =	sld [smem:$0x3FB0]  }
0x28: {  	s2 =	sld [smem:$0x3FB1]  }
0x29: {  	s4 =	sld [smem:$0x3FB3]  }
0x2a: {  	p0 =	seq.s32 s5, $0x0;
	s5 =	sld [smem:$0x3FB4]  }
0x2b: {  	s6 =	sld [smem:$0x3FB5]  }
0x2c: {  	s7 =	sld [smem:$0x3FB6]  }
0x2d: {  	s3 =	simm.s32 $0x108;
	s8 =	sld [smem:$0x3FB7]  }
0x2e: {  	s3 =	simm.s32 @!p0 $0x1082;
	s9 =	sld [smem:$0x3FB8]  }
0x2f: {  	lr =	sadd.s32 s0, s3;
	s0 =	sld [smem:$0x3FAF]  }
0x30: {  	s3 =	sld [smem:$0x3FB2]  }
0x31: {  	[smem:$0x3FBB] =	sst s10  }
0x32: {  	s10 =	sld [smem:$0x3FB9];
	_ =	sdelay $0x3  }
0x33: {  	p0 =	seq.s32 s10, $0x1;
	s10 =	sld [smem:$0x3FBB];
	_ =	sdelay $0x3  }
0x34: {  	[smem:$0x3FBB] =	sst s10  }
0x35: {  	s10 =	sld [smem:$0x3FBA];
	_ =	sdelay $0x3  }
0x36: {  	p1 =	seq.s32 s10, $0x1;
	s10 =	sld [smem:$0x3FBB];
	_ =	sdelay $0x3  }
0x37: {  	[smem:$0x3FBB] =	sst s10  }
0x38: {  	s10 =	sld [smem:$0x3FBC]  }
0x39: {  	_ = 	snop;
	(pc) =	sbr.ind lr, $3  }
0x3a: {  	_ = 	snop  }
0x3b: {  	_ = 	snop  }
0x3c: {  	p2 =	seq.s32 s10, $0x1;
	s10 =	sld [smem:$0x3FBB]  }
0x3d: {  	_ =	shalt  }
0x3e: {  	_ =	shalt  }
0x3f: {  	_ =	shalt  }
0x40: {  	_ =	shalt  }
0x41: {  	_ =	shalt  }
0x42: {  	_ =	shalt  }
0x43: {  	_ =	shalt  }
0x44: {  	_ =	shalt  }
0x45: {  	_ =	shalt  }
0x46: {  	_ =	shalt  }
0x47: {  	_ =	shalt  }
0x48: {  	_ =	shalt  }
0x49: {  	_ =	shalt  }
0x4a: {  	_ =	shalt  }
0x4b: {  	_ =	shalt  }
0x4c: {  	_ =	shalt  }
0x4d: {  	_ =	shalt  }
0x4e: {  	_ =	shalt  }
0x4f: {  	_ =	shalt  }
0x50: {  	_ =	shalt  }
0x51: {  	_ =	shalt  }
0x52: {  	_ =	shalt  }
0x53: {  	_ =	shalt  }
0x54: {  	_ =	shalt  }
0x55: {  	_ =	shalt  }
0x56: {  	_ =	shalt  }
0x57: {  	_ =	shalt  }
0x58: {  	_ =	shalt  }
0x59: {  	_ =	shalt  }
0x5a: {  	_ =	shalt  }
0x5b: {  	_ =	shalt  }
0x5c: {  	_ =	shalt  }
0x5d: {  	_ =	shalt  }
0x5e: {  	_ =	shalt  }
0x5f: {  	_ =	shalt  }
0x60: {  	_ =	shalt  }
0x61: {  	_ =	shalt  }
0x62: {  	_ =	shalt  }
0x63: {  	_ =	shalt  }
0x64: {  	_ =	shalt  }
0x65: {  	_ =	shalt  }
0x66: {  	_ =	shalt  }
0x67: {  	_ =	shalt  }
0x68: {  	_ =	shalt  }
0x69: {  	_ =	shalt  }
0x6a: {  	_ =	shalt  }
0x6b: {  	_ =	shalt  }
0x6c: {  	_ =	shalt  }
0x6d: {  	_ =	shalt  }
0x6e: {  	_ =	shalt  }
0x6f: {  	_ =	shalt  }
0x70: {  	_ =	shalt  }
0x71: {  	_ =	shalt  }
0x72: {  	_ =	shalt  }
0x73: {  	_ =	shalt  }
0x74: {  	_ =	shalt  }
0x75: {  	_ =	shalt  }
0x76: {  	_ =	shalt  }
0x77: {  	_ =	shalt  }
0x78: {  	_ =	shalt  }
0x79: {  	_ =	shalt  }
0x7a: {  	_ =	shalt  }
0x7b: {  	_ =	shalt  }
0x7c: {  	_ =	shalt  }
0x7d: {  	_ =	shalt  }
0x7e: {  	_ =	shalt  }
0x7f: {  	_ =	shalt  }
0x80: {  	_ =	shalt  }
0x81: {  	_ =	shalt  }
0x82: {  	_ =	shalt  }
0x83: {  	_ =	shalt  }
0x84: {  	_ =	shalt  }
0x85: {  	_ =	shalt  }
0x86: {  	_ =	shalt  }
0x87: {  	_ =	shalt  }
.Lfunc_end0:
.L_simem_size_0:
called_computation_lowered:
.L_overlay_start_0:
0x88: {  	s2 =	sld [smem:$0x3FD9]  }
0x89: {  	s3 =	sld [smem:$0x3FFE];
	_ =	sdelay $0x1  }
0x8a: {  	s1 =	srdreg.scid  }
0x8b: {  	s0 =	sand.u32 $0x1, s1  }
0x8c: {  	s17 =	sshll.u32 s0, $0xA;
	s2 =	sadd.s32 s3, s2  }
0x8d: {  	s2 =	sadd.s32 s2, s17  }
0x8e: {  	[smem:$0x3FC7] =	sst s2  }
0x8f: {  	_ = 	snop  }
0x90: {  	s2 =	sld [smem:$0x3FC9]  }
0x91: {  	s18 =	sld [smem:$0x3FD0];
	(tm) =	ssettm $0x1  }
0x92: {  	s4 =	sld [smem:$0x3FFB];
	_ =	sdelay $0x3  }
0x93: {  	_ =	strace s4  }
0x94: {  	s4 =	sld [smem:$0x3FFC];
	_ =	sdelay $0x3  }
0x95: {  	_ =	strace s4  }
0x96: {  	s4 =	sld [smem:$0x3FFD];
	_ =	sdelay $0x3  }
0x97: {  	_ =	strace s4  }
0x98: {  	_ =	strace $0x8FFFFFFF  }
0x99: {  	s19 =	sld [smem:$0x3FDB];
	_ =	sdelay $0x1  }
0x9a: {  	s5 =	simm.s32 $_scs_section_size  }
0x9b: {  	s6 =	simm.s32 $_size__tile_overlayer_lowered;
	s7 =	simm.s32 $_tile_overlayer_lowered  }
0x9c: {  	s22 =	simm.s32 $0x1BFF;
	s21 =	sshll.u32 s7, $0x1;
	s4 =	sadd.s32 s5, s19  }
0x9d: {  	s8 =	simm.s32 $0x0;
	s20 =	sshll.u32 s6, $0x1;
	s6 =	sadd.s32 s21, s4  }
0x9e: {  	[timem:s8], [sflag:s22] =	dma.local [hbm:s6], s20  }
0x9f: {  	_ =	swait.ge [sflag:s22], s20  }
0xa0: {  	s5 =	ssub.s32 $0x0, s20;
	[sflag:s22] =	ssyncset.done $0x0  }
0xa1: {  	[sflag:s22] =	ssyncadd.s32 s5;
	_ =	sdelay $0x1  }
0xa2: {  	s23 =	simm.s32 $0x1B8B  }
0xa3: {  	_ =	swait.ge [sflag:s23], $0x1  }
0xa4: {  	[sflag:s23] =	ssyncset.done $0x0  }
0xa5: {  	s25 =	simm.s32 $0x1B8E;
	s24 =	sld [smem:$0x3FFE];
	[sflag:s23] =	ssyncadd.s32 $0xFFFFFFFF  }
0xa6: {  	s26 =	simm.s32 $execute0_lowered;
	[smem:$0x3FD2] =	sst s25  }
0xa7: {  	s6 =	sshll.u32 s26, $0x1;
	_ =	strace $0x80000046;
	[dreg:$0x1] =	wrdreg $0xFFFFFFFF  }
0xa8: {  	s28 =	simm.s32 $_size_execute0_lowered;
	s4 =	sadd.s32 s4, s6;
	[dreg:$0x0] =	wrdreg $0x0  }
0xa9: {  	s6 =	sshll.u32 s28, $0x1;
	[dreg:$0x2] =	wrdreg s4  }
0xaa: {  	[dreg:$0x3] =	wrdreg s6  }
0xab: {  	[dreg:$0x4] =	wrdreg $0xC0  }
0xac: {  	_ =	task [dreg:s8], $0x5FFFF  }
0xad: {  	[dreg:$0x1] =	wrdreg $0xFFFFFFFF  }
0xae: {  	[dreg:$0x0] =	wrdreg $0x60  }
0xaf: {  	[dreg:$0x2] =	wrdreg s2  }
0xb0: {  	[dreg:$0x3] =	wrdreg s24  }
0xb1: {  	[dreg:$0x4] =	wrdreg s18  }
0xb2: {  	[dreg:$0x5] =	wrdreg $0x9  }
0xb3: {  	_ =	task.clear_ibuf [dreg:s8], $0x6FFFF;
	_ =	strace $0x90000046  }
0xb4: {  	s29 =	simm.s32 $0x9;
	_ =	strace $0x80000048  }
0xb5: {  	_ =	swait.ge [sflag:s29], $0x1  }
0xb6: {  	[sflag:s29] =	ssyncadd.s32 $0xFFFFFFFF  }
0xb7: {  	_ =	strace $0x90000048  }
0xb8: {  	_ =	sfence  }
0xb9: {  	s30 =	sld [smem:$0x0];
	_ =	sdelay $0x2  }
0xba: {  	s31 =	sshll.u32 s1, $0xD;
	s1 =	sshrl.u32 s1, $0x2  }
0xbb: {  	s3 =	sand.u32 $0x4000, s31;
	s1 =	sadd.s32 s1, s30  }
0xbc: {  	s0 =	sor.u32 s3, s0;
	s1 =	sshll.u32 s1, $0x11  }
0xbd: {  	s0 =	sor.u32 s1, s0  }
0xbe: {  	s0 =	sadd.s32 $0x8F2B, s0  }
0xbf: {  	[sflag:s0] =	ssyncadd.remote.s32 $0x1  }
0xc0: {  	_ =	sfence.sel $0xFFFF  }
0xc1: {  	[dreg:$0x0] =	wrdreg $0xFFFFFFFF;
	(pc) =	sbr.abs _section_cstart, $3  }
0xc2: {  	[dreg:$0x1] =	wrdreg $0xFFFFFFFF  }
0xc3: {  	_ =	task.clear_ibuf [dreg:s8], $0x2FFFF;
	_ =	strace $0x9FFFFFFF  }
0xc4: {  	(tm) =	ssettm $0x7FFFFFFF  }
0xc5: {  	_ =	shalt  }
tec
execute0_lowered:
.L_overlay_start_1:
0x0: {  	(tag) =	ssettag $0x1  }
0x1: {  	s4 =	rddreg [dreg:$0x0]  }
0x2: {  	s3 =	rddreg [dreg:$0x1]  }
0x3: {  	s5 =	rddreg [dreg:$0x2]  }
0x4: {  	s0 =	rddreg [dreg:$0x3];
	s6 =	srdreg.scid  }
0x5: {  	s2 =	simm.s32 $0x0;
	s1 =	stileid.u32;
	s15 =	simm.s32 $0x200  }
0x6: {  	s16 =	simm.s32 $0xF200;
	s17 =	simm.s32 $0x4;
	s18 =	simm.s32 $0x3  }
0x7: {  	s19 =	simm.s32 $0x1000;
	s20 =	simm.s32 $0x20000;
	s21 =	simm.s32 $0x1  }
0x8: {  	s22 =	simm.s32 $0x2;
	s23 =	simm.s32 $0x0;
	s6 =	sand.u32 $0x1, s6  }
0x9: {  	[smem:$0x7FF] =	sst s2;
	s7 =	sshll.u32 s1, $0xA;
	s8 =	sshll.u32 s6, $0x9  }
0xa: {  	s3 =	sadd.s32 $0x400, s3;
	s6 =	ssub.s32 $0x2, s6;
	s7 =	sor.u32 s8, s7  }
0xb: {  	_ =	strace $0x80000047;
	s31 =	sshrl.u32 s6, $0x1;
	s9 =	sshrl.u32 s7, $0x3  }
0xc: {  	v0 =	vlaneseq.u32;
	v1 =	vimm.f32 $9.000999930e-01;
	v9 =	vimm.f32 $9.999999740e-05;
	s14 =	ssub.s32 s6, s31;
	s5 =	sadd.s32 s5, s7;
	s4 =	sadd.s32 s4, s9  }
0xd: {  	v2 =	vor.u32 $0x10, v0;
	s6 =	sadd.s32 $0x3C000, s5;
	s7 =	sadd.s32 $0x78000, s5;
	s8 =	sadd.s32 $0xB4000, s5  }
0xe: {  	v3 =	vor.u32 $0x20, v0;
	v4 =	vor.u32 $0x30, v0;
	v5 =	vor.u32 $0x40, v0;
	s9 =	sadd.s32 $0xF0000, s5;
	s10 =	sadd.s32 $0x12C000, s5;
	s11 =	sadd.s32 $0x168000, s5  }
0xf: {  	v6 =	vor.u32 $0x50, v0;
	v7 =	vor.u32 $0x60, v0;
	v8 =	vor.u32 $0x70, v0;
	s12 =	sadd.s32 $0x1A4000, s5;
	s13 =	sadd.s32 $0x1E0000, s5;
	s14 =	smax.u32 s14, $0x1  }
.LBB2_1:
0x10: {  	[tilespmem:s15], [sflag:$0x3] =	stream.linear.gather [hbm4b:s3+s2], $0xF000, $0x38;
	[tilespmem:$0x1E200] =	vst v63  }
0x11: {  	_ = 	snop  }
0x12: {  	[tilespmem:s16], [sflag:$0x3] =	stream.linear.gather [hbm4b:s3+s2], $0xF000, $0x38;
	[tilespmem:$0x1E200] =	vst v63  }
0x13: {  	_ = 	snop  }
0x14: {  	[tilespmem:s2], [sflag:$0x4] =	stream.linear.gather [hbm4b:s4+s2], $0x200, $0x38;
	[tilespmem:$0x1E200] =	vst v63  }
0x15: {  	_ =	swait.ge [sflag:s17], $0x200  }
0x16: {  	[sflag:s17] =	ssyncset.done $0x0  }
0x17: {  	[sflag:s17] =	ssyncadd.s32 $0xFFFFFE00  }
0x18: {  	_ =	swait.ge [sflag:s18], $0xF000  }
0x19: {  	[sflag:s18] =	ssyncset.done $0x0  }
0x1a: {  	[sflag:s18] =	ssyncadd.s32 $0xFFFF1000  }
0x1b: {  	_ =	swait.ge [sflag:s18], $0xF000  }
0x1c: {  	s24 =	simm.s32 $0xFFFFFFF8;
	[sflag:s18] =	ssyncset.done $0x0  }
0x1d: {  	s25 =	simm.s32 $0x40;
	s26 =	simm.s32 $0x0;
	[sflag:s18] =	ssyncadd.s32 $0xFFFF1000  }
.LBB2_2:
0x1e: {  	v10 =	vld [tilespmem:s25+$0xFFFFFFC0];
	_ =	sdelay $0x1  }
0x1f: {  	v11 =	vmov s26  }
0x20: {  	v11 =	vshrl.u32 v11, $0x7  }
0x21: {  	v11 =	vshll.u32 v11, $0xA  }
0x22: {  	v11 =	vbroadcast v11, $0x0;
	v12 =	vshll.u32 v10, $0x9  }
0x23: {  	v13 =	vshll.u32 v10, $0x7;
	v12 =	vand.u32 $0xFFFFF000, v12  }
0x24: {  	v13 =	vand.u32 $0x380, v13;
	v12 =	vor.u32 v12, v11  }
0x25: {  	vm0 =	vlt.u32 v10, $0x78;
	v10 =	vor.u32 v13, v12  }
0x26: {  	v10 =	vor.u32 v0, v10;
	_ =	sdelay $0x4  }
0x27: {  	[tilespmem:v10+s15+$0x0] =	vst.idx.msk vm0, v1  }
0x28: {  	v10 =	vld [tilespmem:s25+$0xFFFFFFD0];
	_ =	sdelay $0x4  }
0x29: {  	v49 =	vshll.u32 v10, $0x9  }
0x2a: {  	v50 =	vshll.u32 v10, $0x7;
	v12 =	vand.u32 $0xFFFFF000, v49  }
0x2b: {  	v13 =	vand.u32 $0x380, v50;
	v12 =	vadd.s32 v11, v12  }
0x2c: {  	vm9 =	vlt.u32 v10, $0x78;
	v10 =	vor.u32 v13, v12  }
0x2d: {  	v10 =	vor.u32 v2, v10;
	_ =	sdelay $0x4  }
0x2e: {  	[tilespmem:v10+s15+$0x0] =	vst.idx.msk vm9, v1  }
0x2f: {  	v10 =	vld [tilespmem:s25+$0xFFFFFFE0];
	_ =	sdelay $0x4  }
0x30: {  	v51 =	vshll.u32 v10, $0x9  }
0x31: {  	v52 =	vshll.u32 v10, $0x7;
	v12 =	vand.u32 $0xFFFFF000, v51  }
0x32: {  	v13 =	vand.u32 $0x380, v52;
	v12 =	vadd.s32 v11, v12  }
0x33: {  	vm10 =	vlt.u32 v10, $0x78;
	v10 =	vor.u32 v13, v12  }
0x34: {  	v10 =	vor.u32 v3, v10;
	_ =	sdelay $0x4  }
0x35: {  	[tilespmem:v10+s15+$0x0] =	vst.idx.msk vm10, v1  }
0x36: {  	v10 =	vld [tilespmem:s25+$0xFFFFFFF0];
	_ =	sdelay $0x4  }
0x37: {  	v53 =	vshll.u32 v10, $0x9  }
0x38: {  	v54 =	vshll.u32 v10, $0x7;
	v12 =	vand.u32 $0xFFFFF000, v53  }
0x39: {  	v13 =	vand.u32 $0x380, v54;
	v12 =	vadd.s32 v11, v12  }
0x3a: {  	vm11 =	vlt.u32 v10, $0x78;
	v10 =	vor.u32 v13, v12  }
0x3b: {  	v10 =	vor.u32 v4, v10;
	_ =	sdelay $0x4  }
0x3c: {  	[tilespmem:v10+s15+$0x0] =	vst.idx.msk vm11, v1  }
0x3d: {  	v10 =	vld [tilespmem:s25+$0x0];
	_ =	sdelay $0x4  }
0x3e: {  	v55 =	vshll.u32 v10, $0x9  }
0x3f: {  	v56 =	vshll.u32 v10, $0x7;
	v12 =	vand.u32 $0xFFFFF000, v55  }
0x40: {  	v13 =	vand.u32 $0x380, v56;
	v12 =	vadd.s32 v11, v12  }
0x41: {  	vm12 =	vlt.u32 v10, $0x78;
	v10 =	vor.u32 v13, v12  }
0x42: {  	v10 =	vor.u32 v5, v10;
	_ =	sdelay $0x4  }
0x43: {  	[tilespmem:v10+s15+$0x0] =	vst.idx.msk vm12, v1  }
0x44: {  	v10 =	vld [tilespmem:s25+$0x10];
	_ =	sdelay $0x4  }
0x45: {  	v57 =	vshll.u32 v10, $0x9  }
0x46: {  	v58 =	vshll.u32 v10, $0x7;
	v12 =	vand.u32 $0xFFFFF000, v57  }
0x47: {  	v13 =	vand.u32 $0x380, v58;
	v12 =	vadd.s32 v11, v12  }
0x48: {  	vm13 =	vlt.u32 v10, $0x78;
	v10 =	vor.u32 v13, v12  }
0x49: {  	v10 =	vor.u32 v6, v10;
	_ =	sdelay $0x4  }
0x4a: {  	[tilespmem:v10+s15+$0x0] =	vst.idx.msk vm13, v1  }
0x4b: {  	v10 =	vld [tilespmem:s25+$0x20];
	_ =	sdelay $0x4  }
0x4c: {  	v59 =	vshll.u32 v10, $0x9  }
0x4d: {  	v60 =	vshll.u32 v10, $0x7;
	v12 =	vand.u32 $0xFFFFF000, v59  }
0x4e: {  	v13 =	vand.u32 $0x380, v60;
	v12 =	vadd.s32 v11, v12  }
0x4f: {  	vm14 =	vlt.u32 v10, $0x78;
	v10 =	vor.u32 v13, v12  }
0x50: {  	v10 =	vor.u32 v7, v10;
	_ =	sdelay $0x4  }
0x51: {  	[tilespmem:v10+s15+$0x0] =	vst.idx.msk vm14, v1  }
0x52: {  	v10 =	vld [tilespmem:s25+$0x30];
	_ =	sdelay $0x4  }
0x53: {  	v61 =	vshll.u32 v10, $0x9  }
0x54: {  	v62 =	vshll.u32 v10, $0x7;
	v12 =	vand.u32 $0xFFFFF000, v61  }
0x55: {  	v63 =	vand.u32 $0x380, v62;
	v11 =	vadd.s32 v11, v12  }
0x56: {  	s24 =	sadd.s32 $0x8, s24;
	vm15 =	vlt.u32 v10, $0x78;
	v10 =	vor.u32 v63, v11  }
0x57: {  	p0 =	slt.u32 s24, $0x18;
	v10 =	vor.u32 v8, v10  }
.Ltmp0:
0x58: {  	_ = 	snop;
	(pc) =	sbr.rel @p0 .LBB2_2-.Ltmp0, $2  }
0x59: {  	_ =	sdelay $0x2  }
0x5a: {  	s26 =	sadd.s32 $0x80, s26;
	s25 =	sadd.s32 $0x80, s25;
	[tilespmem:v10+s15+$0x0] =	vst.idx.msk vm15, v1  }
0x5b: {  	[hbm4b:s5+s19] =	stream.strided.scatter [tilespmem:s15], [sflag:$0x1], $0xF000, s20, s19, $0x38;
	[tilespmem:$0x1E200] =	vst v63  }
0x5c: {  	s24 =	simm.s32 $0xFFFFFFF8;
	s25 =	simm.s32 $0x0;
	s26 =	simm.s32 $0x40  }
.LBB2_4:
0x5d: {  	v10 =	vld [tilespmem:s26+$0xFFFFFFC0];
	_ =	sdelay $0x1  }
0x5e: {  	v11 =	vmov s25  }
0x5f: {  	v11 =	vshrl.u32 v11, $0x7  }
0x60: {  	v11 =	vshll.u32 v11, $0xA  }
0x61: {  	v11 =	vbroadcast v11, $0x0;
	v12 =	vadd.s32 $0xFFFFFF88, v10;
	v10 =	vshll.u32 v10, $0x7  }
0x62: {  	v13 =	vshll.u32 v12, $0x9;
	v10 =	vand.u32 $0x380, v10  }
0x63: {  	v13 =	vand.u32 $0xFFFFF000, v13;
	v10 =	vor.u32 v10, v11  }
0x64: {  	vm0 =	vlt.u32 v12, $0x78;
	v10 =	vor.u32 v13, v10  }
0x65: {  	v10 =	vor.u32 v0, v10;
	_ =	sdelay $0x4  }
0x66: {  	[tilespmem:v10+s16+$0x0] =	vst.idx.msk vm0, v1  }
0x67: {  	v10 =	vld [tilespmem:s26+$0xFFFFFFD0];
	_ =	sdelay $0x4  }
0x68: {  	v50 =	vadd.s32 $0xFFFFFF88, v10  }
0x69: {  	v51 =	vshll.u32 v50, $0x9  }
0x6a: {  	v10 =	vshll.u32 v10, $0x7;
	v13 =	vand.u32 $0xFFFFF000, v51  }
0x6b: {  	v10 =	vand.u32 $0x380, v10;
	v13 =	vadd.s32 v11, v13  }
0x6c: {  	vm9 =	vlt.u32 v50, $0x78;
	v10 =	vor.u32 v10, v13  }
0x6d: {  	v10 =	vor.u32 v2, v10;
	_ =	sdelay $0x4  }
0x6e: {  	[tilespmem:v10+s16+$0x0] =	vst.idx.msk vm9, v1  }
0x6f: {  	v10 =	vld [tilespmem:s26+$0xFFFFFFE0];
	_ =	sdelay $0x4  }
0x70: {  	v52 =	vadd.s32 $0xFFFFFF88, v10  }
0x71: {  	v53 =	vshll.u32 v52, $0x9  }
0x72: {  	v10 =	vshll.u32 v10, $0x7;
	v13 =	vand.u32 $0xFFFFF000, v53  }
0x73: {  	v10 =	vand.u32 $0x380, v10;
	v13 =	vadd.s32 v11, v13  }
0x74: {  	vm10 =	vlt.u32 v52, $0x78;
	v10 =	vor.u32 v10, v13  }
0x75: {  	v10 =	vor.u32 v3, v10;
	_ =	sdelay $0x4  }
0x76: {  	[tilespmem:v10+s16+$0x0] =	vst.idx.msk vm10, v1  }
0x77: {  	v10 =	vld [tilespmem:s26+$0xFFFFFFF0];
	_ =	sdelay $0x4  }
0x78: {  	v54 =	vadd.s32 $0xFFFFFF88, v10  }
0x79: {  	v55 =	vshll.u32 v54, $0x9  }
0x7a: {  	v10 =	vshll.u32 v10, $0x7;
	v13 =	vand.u32 $0xFFFFF000, v55  }
0x7b: {  	v10 =	vand.u32 $0x380, v10;
	v13 =	vadd.s32 v11, v13  }
0x7c: {  	vm11 =	vlt.u32 v54, $0x78;
	v10 =	vor.u32 v10, v13  }
0x7d: {  	v10 =	vor.u32 v4, v10;
	_ =	sdelay $0x4  }
0x7e: {  	[tilespmem:v10+s16+$0x0] =	vst.idx.msk vm11, v1  }
0x7f: {  	v10 =	vld [tilespmem:s26+$0x0];
	_ =	sdelay $0x4  }
0x80: {  	v56 =	vadd.s32 $0xFFFFFF88, v10  }
0x81: {  	v57 =	vshll.u32 v56, $0x9  }
0x82: {  	v10 =	vshll.u32 v10, $0x7;
	v13 =	vand.u32 $0xFFFFF000, v57  }
0x83: {  	v10 =	vand.u32 $0x380, v10;
	v13 =	vadd.s32 v11, v13  }
0x84: {  	vm12 =	vlt.u32 v56, $0x78;
	v10 =	vor.u32 v10, v13  }
0x85: {  	v10 =	vor.u32 v5, v10;
	_ =	sdelay $0x4  }
0x86: {  	[tilespmem:v10+s16+$0x0] =	vst.idx.msk vm12, v1  }
0x87: {  	v10 =	vld [tilespmem:s26+$0x10];
	_ =	sdelay $0x4  }
0x88: {  	v58 =	vadd.s32 $0xFFFFFF88, v10  }
0x89: {  	v59 =	vshll.u32 v58, $0x9  }
0x8a: {  	v10 =	vshll.u32 v10, $0x7;
	v13 =	vand.u32 $0xFFFFF000, v59  }
0x8b: {  	v10 =	vand.u32 $0x380, v10;
	v13 =	vadd.s32 v11, v13  }
0x8c: {  	vm13 =	vlt.u32 v58, $0x78;
	v10 =	vor.u32 v10, v13  }
0x8d: {  	v10 =	vor.u32 v6, v10;
	_ =	sdelay $0x4  }
0x8e: {  	[tilespmem:v10+s16+$0x0] =	vst.idx.msk vm13, v1  }
0x8f: {  	v10 =	vld [tilespmem:s26+$0x20];
	_ =	sdelay $0x4  }
0x90: {  	v60 =	vadd.s32 $0xFFFFFF88, v10  }
0x91: {  	v61 =	vshll.u32 v60, $0x9  }
0x92: {  	v10 =	vshll.u32 v10, $0x7;
	v13 =	vand.u32 $0xFFFFF000, v61  }
0x93: {  	v10 =	vand.u32 $0x380, v10;
	v13 =	vadd.s32 v11, v13  }
0x94: {  	vm14 =	vlt.u32 v60, $0x78;
	v10 =	vor.u32 v10, v13  }
0x95: {  	v10 =	vor.u32 v7, v10;
	_ =	sdelay $0x4  }
0x96: {  	[tilespmem:v10+s16+$0x0] =	vst.idx.msk vm14, v1  }
0x97: {  	v10 =	vld [tilespmem:s26+$0x30];
	_ =	sdelay $0x4  }
0x98: {  	v62 =	vadd.s32 $0xFFFFFF88, v10  }
0x99: {  	v63 =	vshll.u32 v62, $0x9  }
0x9a: {  	v10 =	vshll.u32 v10, $0x7;
	v13 =	vand.u32 $0xFFFFF000, v63  }
0x9b: {  	v10 =	vand.u32 $0x380, v10;
	v11 =	vadd.s32 v11, v13  }
0x9c: {  	s24 =	sadd.s32 $0x8, s24;
	vm15 =	vlt.u32 v62, $0x78;
	v10 =	vor.u32 v10, v11  }
0x9d: {  	p0 =	slt.u32 s24, $0x18;
	v10 =	vor.u32 v8, v10  }
.Ltmp1:
0x9e: {  	_ = 	snop;
	(pc) =	sbr.rel @p0 .LBB2_4-.Ltmp1, $2  }
0x9f: {  	_ =	sdelay $0x2  }
0xa0: {  	s25 =	sadd.s32 $0x80, s25;
	s26 =	sadd.s32 $0x80, s26;
	[tilespmem:v10+s16+$0x0] =	vst.idx.msk vm15, v1  }
0xa1: {  	[hbm4b:s6+s19] =	stream.strided.scatter [tilespmem:s16], [sflag:$0x2], $0xF000, s20, s19, $0x38;
	[tilespmem:$0x1E200] =	vst v63  }
0xa2: {  	_ =	swait.ge [sflag:s21], $0xF000  }
0xa3: {  	s24 =	simm.s32 $0xFFFFFFF8;
	[sflag:s21] =	ssyncset.done $0x0  }
0xa4: {  	s25 =	simm.s32 $0x0;
	s26 =	simm.s32 $0x40;
	[sflag:s21] =	ssyncadd.s32 $0xFFFF1000  }
.LBB2_6:
0xa5: {  	v11 =	vld [tilespmem:s26+$0xFFFFFFC0];
	_ =	sdelay $0x1  }
0xa6: {  	v10 =	vmov s25  }
0xa7: {  	v10 =	vshrl.u32 v10, $0x7  }
0xa8: {  	v10 =	vshll.u32 v10, $0xA  }
0xa9: {  	v10 =	vbroadcast v10, $0x0;
	v12 =	vshll.u32 v11, $0x9  }
0xaa: {  	vm0 =	vlt.u32 v11, $0x78;
	v13 =	vadd.s32 $0xFFFFFF10, v11;
	v11 =	vshll.u32 v11, $0x7  }
0xab: {  	v14 =	vor.u32 v0, v10;
	v12 =	vand.u32 $0xFFFFF000, v12;
	v15 =	vshll.u32 v13, $0x9  }
0xac: {  	v11 =	vand.u32 $0x380, v11;
	v12 =	vor.u32 v12, v14;
	v15 =	vand.u32 $0xFFFFF000, v15  }
0xad: {  	vm1 =	vlt.u32 v13, $0x78;
	v14 =	vor.u32 v15, v14;
	v12 =	vor.u32 v11, v12  }
0xae: {  	v11 =	vor.u32 v11, v14;
	_ =	sdelay $0x3  }
0xaf: {  	[tilespmem:v12+s15+$0x0] =	vst.idx.msk vm0, v9  }
0xb0: {  	[tilespmem:v11+s15+$0x0] =	vst.idx.msk vm1, v1  }
0xb1: {  	v11 =	vld [tilespmem:s26+$0xFFFFFFD0];
	_ =	sdelay $0x4  }
0xb2: {  	v30 =	vshll.u32 v11, $0x9;
	v31 =	vadd.s32 $0xFFFFFF10, v11  }
0xb3: {  	v32 =	vshll.u32 v11, $0x7;
	v12 =	vand.u32 $0xFFFFF000, v30;
	v33 =	vshll.u32 v31, $0x9  }
0xb4: {  	v14 =	vand.u32 $0x380, v32;
	v12 =	vadd.s32 v10, v12;
	v15 =	vand.u32 $0xFFFFF000, v33  }
0xb5: {  	vm14 =	vlt.u32 v11, $0x78;
	v11 =	vor.u32 v14, v12;
	v34 =	vadd.s32 v10, v15  }
0xb6: {  	vm15 =	vlt.u32 v31, $0x78;
	v11 =	vor.u32 v2, v11;
	v12 =	vor.u32 v14, v34  }
0xb7: {  	v12 =	vor.u32 v2, v12;
	_ =	sdelay $0x3  }
0xb8: {  	[tilespmem:v11+s15+$0x0] =	vst.idx.msk vm14, v9  }
0xb9: {  	[tilespmem:v12+s15+$0x0] =	vst.idx.msk vm15, v1  }
0xba: {  	v11 =	vld [tilespmem:s26+$0xFFFFFFE0];
	_ =	sdelay $0x4  }
0xbb: {  	v35 =	vshll.u32 v11, $0x9;
	v36 =	vadd.s32 $0xFFFFFF10, v11  }
0xbc: {  	v37 =	vshll.u32 v11, $0x7;
	v12 =	vand.u32 $0xFFFFF000, v35;
	v38 =	vshll.u32 v36, $0x9  }
0xbd: {  	v14 =	vand.u32 $0x380, v37;
	v12 =	vadd.s32 v10, v12;
	v15 =	vand.u32 $0xFFFFF000, v38  }
0xbe: {  	vm4 =	vlt.u32 v11, $0x78;
	v11 =	vor.u32 v14, v12;
	v39 =	vadd.s32 v10, v15  }
0xbf: {  	vm5 =	vlt.u32 v36, $0x78;
	v11 =	vor.u32 v3, v11;
	v12 =	vor.u32 v14, v39  }
0xc0: {  	v12 =	vor.u32 v3, v12;
	_ =	sdelay $0x3  }
0xc1: {  	[tilespmem:v11+s15+$0x0] =	vst.idx.msk vm4, v9  }
0xc2: {  	[tilespmem:v12+s15+$0x0] =	vst.idx.msk vm5, v1  }
0xc3: {  	v11 =	vld [tilespmem:s26+$0xFFFFFFF0];
	_ =	sdelay $0x4  }
0xc4: {  	v40 =	vshll.u32 v11, $0x9;
	v41 =	vadd.s32 $0xFFFFFF10, v11  }
0xc5: {  	v42 =	vshll.u32 v11, $0x7;
	v12 =	vand.u32 $0xFFFFF000, v40;
	v43 =	vshll.u32 v41, $0x9  }
0xc6: {  	v14 =	vand.u32 $0x380, v42;
	v12 =	vadd.s32 v10, v12;
	v15 =	vand.u32 $0xFFFFF000, v43  }
0xc7: {  	vm6 =	vlt.u32 v11, $0x78;
	v11 =	vor.u32 v14, v12;
	v44 =	vadd.s32 v10, v15  }
0xc8: {  	vm7 =	vlt.u32 v41, $0x78;
	v11 =	vor.u32 v4, v11;
	v12 =	vor.u32 v14, v44  }
0xc9: {  	v12 =	vor.u32 v4, v12;
	_ =	sdelay $0x3  }
0xca: {  	[tilespmem:v11+s15+$0x0] =	vst.idx.msk vm6, v9  }
0xcb: {  	[tilespmem:v12+s15+$0x0] =	vst.idx.msk vm7, v1  }
0xcc: {  	v11 =	vld [tilespmem:s26+$0x0];
	_ =	sdelay $0x4  }
0xcd: {  	v45 =	vshll.u32 v11, $0x9;
	v46 =	vadd.s32 $0xFFFFFF10, v11  }
0xce: {  	v47 =	vshll.u32 v11, $0x7;
	v12 =	vand.u32 $0xFFFFF000, v45;
	v48 =	vshll.u32 v46, $0x9  }
0xcf: {  	v14 =	vand.u32 $0x380, v47;
	v12 =	vadd.s32 v10, v12;
	v15 =	vand.u32 $0xFFFFF000, v48  }
0xd0: {  	vm8 =	vlt.u32 v11, $0x78;
	v11 =	vor.u32 v14, v12;
	v49 =	vadd.s32 v10, v15  }
0xd1: {  	vm9 =	vlt.u32 v46, $0x78;
	v11 =	vor.u32 v5, v11;
	v12 =	vor.u32 v14, v49  }
0xd2: {  	v12 =	vor.u32 v5, v12;
	_ =	sdelay $0x3  }
0xd3: {  	[tilespmem:v11+s15+$0x0] =	vst.idx.msk vm8, v9  }
0xd4: {  	[tilespmem:v12+s15+$0x0] =	vst.idx.msk vm9, v1  }
0xd5: {  	v11 =	vld [tilespmem:s26+$0x10];
	_ =	sdelay $0x4  }
0xd6: {  	v50 =	vshll.u32 v11, $0x9;
	v51 =	vadd.s32 $0xFFFFFF10, v11  }
0xd7: {  	v52 =	vshll.u32 v11, $0x7;
	v12 =	vand.u32 $0xFFFFF000, v50;
	v53 =	vshll.u32 v51, $0x9  }
0xd8: {  	v14 =	vand.u32 $0x380, v52;
	v12 =	vadd.s32 v10, v12;
	v15 =	vand.u32 $0xFFFFF000, v53  }
0xd9: {  	vm10 =	vlt.u32 v11, $0x78;
	v11 =	vor.u32 v14, v12;
	v54 =	vadd.s32 v10, v15  }
0xda: {  	vm11 =	vlt.u32 v51, $0x78;
	v11 =	vor.u32 v6, v11;
	v12 =	vor.u32 v14, v54  }
0xdb: {  	v12 =	vor.u32 v6, v12;
	_ =	sdelay $0x3  }
0xdc: {  	[tilespmem:v11+s15+$0x0] =	vst.idx.msk vm10, v9  }
0xdd: {  	[tilespmem:v12+s15+$0x0] =	vst.idx.msk vm11, v1  }
0xde: {  	v11 =	vld [tilespmem:s26+$0x20];
	_ =	sdelay $0x4  }
0xdf: {  	v55 =	vshll.u32 v11, $0x9;
	v56 =	vadd.s32 $0xFFFFFF10, v11  }
0xe0: {  	v57 =	vshll.u32 v11, $0x7;
	v12 =	vand.u32 $0xFFFFF000, v55;
	v58 =	vshll.u32 v56, $0x9  }
0xe1: {  	v14 =	vand.u32 $0x380, v57;
	v12 =	vadd.s32 v10, v12;
	v15 =	vand.u32 $0xFFFFF000, v58  }
0xe2: {  	vm12 =	vlt.u32 v11, $0x78;
	v11 =	vor.u32 v14, v12;
	v59 =	vadd.s32 v10, v15  }
0xe3: {  	vm13 =	vlt.u32 v56, $0x78;
	v11 =	vor.u32 v7, v11;
	v12 =	vor.u32 v14, v59  }
0xe4: {  	v12 =	vor.u32 v7, v12;
	_ =	sdelay $0x3  }
0xe5: {  	[tilespmem:v11+s15+$0x0] =	vst.idx.msk vm12, v9  }
0xe6: {  	[tilespmem:v12+s15+$0x0] =	vst.idx.msk vm13, v1  }
0xe7: {  	v11 =	vld [tilespmem:s26+$0x30];
	_ =	sdelay $0x4  }
0xe8: {  	v60 =	vshll.u32 v11, $0x9;
	v61 =	vadd.s32 $0xFFFFFF10, v11  }
0xe9: {  	v62 =	vshll.u32 v11, $0x7;
	v12 =	vand.u32 $0xFFFFF000, v60;
	v63 =	vshll.u32 v61, $0x9  }
0xea: {  	v14 =	vand.u32 $0x380, v62;
	v12 =	vadd.s32 v10, v12;
	v15 =	vand.u32 $0xFFFFF000, v63  }
0xeb: {  	vm14 =	vlt.u32 v11, $0x78;
	v11 =	vor.u32 v14, v12;
	v10 =	vadd.s32 v10, v15  }
0xec: {  	s24 =	sadd.s32 $0x8, s24;
	vm15 =	vlt.u32 v61, $0x78;
	v11 =	vor.u32 v8, v11;
	v10 =	vor.u32 v14, v10  }
0xed: {  	p0 =	slt.u32 s24, $0x18;
	v10 =	vor.u32 v8, v10  }
.Ltmp2:
0xee: {  	_ = 	snop;
	(pc) =	sbr.rel @p0 .LBB2_6-.Ltmp2, $3  }
0xef: {  	_ =	sdelay $0x1  }
0xf0: {  	[tilespmem:v11+s15+$0x0] =	vst.idx.msk vm14, v9  }
0xf1: {  	s25 =	sadd.s32 $0x80, s25;
	s26 =	sadd.s32 $0x80, s26;
	[tilespmem:v10+s15+$0x0] =	vst.idx.msk vm15, v1  }
0xf2: {  	[hbm4b:s7+s19] =	stream.strided.scatter [tilespmem:s15], [sflag:$0x1], $0xF000, s20, s19, $0x38;
	[tilespmem:$0x1E200] =	vst v63  }
0xf3: {  	_ =	swait.ge [sflag:s22], $0xF000  }
0xf4: {  	s24 =	simm.s32 $0xFFFFFFF8;
	[sflag:s22] =	ssyncset.done $0x0  }
0xf5: {  	s25 =	simm.s32 $0x0;
	s26 =	simm.s32 $0x40;
	[sflag:s22] =	ssyncadd.s32 $0xFFFF1000  }
.LBB2_8:
0xf6: {  	v11 =	vld [tilespmem:s26+$0xFFFFFFC0]  }
0xf7: {  	v10 =	vmov s25  }
0xf8: {  	v10 =	vshrl.u32 v10, $0x7  }
0xf9: {  	v10 =	vshll.u32 v10, $0xA  }
0xfa: {  	v10 =	vbroadcast v10, $0x0  }
0xfb: {  	v12 =	vadd.s32 $0xFFFFFF88, v11;
	v22 =	vadd.s32 $0xFFFFFE98, v11  }
0xfc: {  	v11 =	vshll.u32 v11, $0x7;
	v14 =	vor.u32 v0, v10;
	v13 =	vshll.u32 v12, $0x9  }
0xfd: {  	vm0 =	vlt.u32 v12, $0x78;
	v15 =	vshll.u32 v22, $0x9;
	v21 =	vand.u32 $0xFFFFF000, v13  }
0xfe: {  	v11 =	vand.u32 $0x380, v11;
	v15 =	vand.u32 $0xFFFFF000, v15;
	v12 =	vor.u32 v21, v14  }
0xff: {  	vm1 =	vlt.u32 v22, $0x78;
	v14 =	vor.u32 v15, v14;
	v12 =	vor.u32 v11, v12  }
0x100: {  	v11 =	vor.u32 v11, v14;
	_ =	sdelay $0x3  }
0x101: {  	[tilespmem:v12+s16+$0x0] =	vst.idx.msk vm0, v9  }
0x102: {  	[tilespmem:v11+s16+$0x0] =	vst.idx.msk vm1, v1  }
0x103: {  	v11 =	vld [tilespmem:s26+$0xFFFFFFD0];
	_ =	sdelay $0x4  }
0x104: {  	v23 =	vadd.s32 $0xFFFFFF88, v11  }
0x105: {  	v25 =	vadd.s32 $0xFFFFFE98, v11;
	v24 =	vshll.u32 v23, $0x9  }
0x106: {  	v11 =	vshll.u32 v11, $0x7;
	v26 =	vshll.u32 v25, $0x9;
	v13 =	vand.u32 $0xFFFFF000, v24  }
0x107: {  	v11 =	vand.u32 $0x380, v11;
	v15 =	vand.u32 $0xFFFFF000, v26;
	v13 =	vadd.s32 v10, v13  }
0x108: {  	vm14 =	vlt.u32 v23, $0x78;
	v28 =	vadd.s32 v10, v15;
	v27 =	vor.u32 v11, v13  }
0x109: {  	vm15 =	vlt.u32 v25, $0x78;
	v11 =	vor.u32 v11, v28;
	v12 =	vor.u32 v2, v27  }
0x10a: {  	v11 =	vor.u32 v2, v11;
	_ =	sdelay $0x3  }
0x10b: {  	[tilespmem:v12+s16+$0x0] =	vst.idx.msk vm14, v9  }
0x10c: {  	[tilespmem:v11+s16+$0x0] =	vst.idx.msk vm15, v1  }
0x10d: {  	v11 =	vld [tilespmem:s26+$0xFFFFFFE0];
	_ =	sdelay $0x4  }
0x10e: {  	v29 =	vadd.s32 $0xFFFFFF88, v11  }
0x10f: {  	v31 =	vadd.s32 $0xFFFFFE98, v11;
	v30 =	vshll.u32 v29, $0x9  }
0x110: {  	v11 =	vshll.u32 v11, $0x7;
	v32 =	vshll.u32 v31, $0x9;
	v13 =	vand.u32 $0xFFFFF000, v30  }
0x111: {  	v11 =	vand.u32 $0x380, v11;
	v15 =	vand.u32 $0xFFFFF000, v32;
	v13 =	vadd.s32 v10, v13  }
0x112: {  	vm4 =	vlt.u32 v29, $0x78;
	v34 =	vadd.s32 v10, v15;
	v33 =	vor.u32 v11, v13  }
0x113: {  	vm5 =	vlt.u32 v31, $0x78;
	v11 =	vor.u32 v11, v34;
	v12 =	vor.u32 v3, v33  }
0x114: {  	v11 =	vor.u32 v3, v11;
	_ =	sdelay $0x3  }
0x115: {  	[tilespmem:v12+s16+$0x0] =	vst.idx.msk vm4, v9  }
0x116: {  	[tilespmem:v11+s16+$0x0] =	vst.idx.msk vm5, v1  }
0x117: {  	v11 =	vld [tilespmem:s26+$0xFFFFFFF0];
	_ =	sdelay $0x4  }
0x118: {  	v35 =	vadd.s32 $0xFFFFFF88, v11  }
0x119: {  	v37 =	vadd.s32 $0xFFFFFE98, v11;
	v36 =	vshll.u32 v35, $0x9  }
0x11a: {  	v11 =	vshll.u32 v11, $0x7;
	v38 =	vshll.u32 v37, $0x9;
	v13 =	vand.u32 $0xFFFFF000, v36  }
0x11b: {  	v11 =	vand.u32 $0x380, v11;
	v15 =	vand.u32 $0xFFFFF000, v38;
	v13 =	vadd.s32 v10, v13  }
0x11c: {  	vm6 =	vlt.u32 v35, $0x78;
	v40 =	vadd.s32 v10, v15;
	v39 =	vor.u32 v11, v13  }
0x11d: {  	vm7 =	vlt.u32 v37, $0x78;
	v11 =	vor.u32 v11, v40;
	v12 =	vor.u32 v4, v39  }
0x11e: {  	v11 =	vor.u32 v4, v11;
	_ =	sdelay $0x3  }
0x11f: {  	[tilespmem:v12+s16+$0x0] =	vst.idx.msk vm6, v9  }
0x120: {  	[tilespmem:v11+s16+$0x0] =	vst.idx.msk vm7, v1  }
0x121: {  	v11 =	vld [tilespmem:s26+$0x0];
	_ =	sdelay $0x4  }
0x122: {  	v41 =	vadd.s32 $0xFFFFFF88, v11  }
0x123: {  	v43 =	vadd.s32 $0xFFFFFE98, v11;
	v42 =	vshll.u32 v41, $0x9  }
0x124: {  	v11 =	vshll.u32 v11, $0x7;
	v44 =	vshll.u32 v43, $0x9;
	v13 =	vand.u32 $0xFFFFF000, v42  }
0x125: {  	v11 =	vand.u32 $0x380, v11;
	v15 =	vand.u32 $0xFFFFF000, v44;
	v13 =	vadd.s32 v10, v13  }
0x126: {  	vm8 =	vlt.u32 v41, $0x78;
	v46 =	vadd.s32 v10, v15;
	v45 =	vor.u32 v11, v13  }
0x127: {  	vm9 =	vlt.u32 v43, $0x78;
	v11 =	vor.u32 v11, v46;
	v12 =	vor.u32 v5, v45  }
0x128: {  	v11 =	vor.u32 v5, v11;
	_ =	sdelay $0x3  }
0x129: {  	[tilespmem:v12+s16+$0x0] =	vst.idx.msk vm8, v9  }
0x12a: {  	[tilespmem:v11+s16+$0x0] =	vst.idx.msk vm9, v1  }
0x12b: {  	v11 =	vld [tilespmem:s26+$0x10];
	_ =	sdelay $0x4  }
0x12c: {  	v47 =	vadd.s32 $0xFFFFFF88, v11  }
0x12d: {  	v49 =	vadd.s32 $0xFFFFFE98, v11;
	v48 =	vshll.u32 v47, $0x9  }
0x12e: {  	v11 =	vshll.u32 v11, $0x7;
	v50 =	vshll.u32 v49, $0x9;
	v13 =	vand.u32 $0xFFFFF000, v48  }
0x12f: {  	v11 =	vand.u32 $0x380, v11;
	v15 =	vand.u32 $0xFFFFF000, v50;
	v13 =	vadd.s32 v10, v13  }
0x130: {  	vm10 =	vlt.u32 v47, $0x78;
	v52 =	vadd.s32 v10, v15;
	v51 =	vor.u32 v11, v13  }
0x131: {  	vm11 =	vlt.u32 v49, $0x78;
	v11 =	vor.u32 v11, v52;
	v12 =	vor.u32 v6, v51  }
0x132: {  	v11 =	vor.u32 v6, v11;
	_ =	sdelay $0x3  }
0x133: {  	[tilespmem:v12+s16+$0x0] =	vst.idx.msk vm10, v9  }
0x134: {  	[tilespmem:v11+s16+$0x0] =	vst.idx.msk vm11, v1  }
0x135: {  	v11 =	vld [tilespmem:s26+$0x20];
	_ =	sdelay $0x4  }
0x136: {  	v53 =	vadd.s32 $0xFFFFFF88, v11  }
0x137: {  	v55 =	vadd.s32 $0xFFFFFE98, v11;
	v54 =	vshll.u32 v53, $0x9  }
0x138: {  	v11 =	vshll.u32 v11, $0x7;
	v56 =	vshll.u32 v55, $0x9;
	v13 =	vand.u32 $0xFFFFF000, v54  }
0x139: {  	v11 =	vand.u32 $0x380, v11;
	v15 =	vand.u32 $0xFFFFF000, v56;
	v13 =	vadd.s32 v10, v13  }
0x13a: {  	vm12 =	vlt.u32 v53, $0x78;
	v58 =	vadd.s32 v10, v15;
	v57 =	vor.u32 v11, v13  }
0x13b: {  	vm13 =	vlt.u32 v55, $0x78;
	v11 =	vor.u32 v11, v58;
	v12 =	vor.u32 v7, v57  }
0x13c: {  	v11 =	vor.u32 v7, v11;
	_ =	sdelay $0x3  }
0x13d: {  	[tilespmem:v12+s16+$0x0] =	vst.idx.msk vm12, v9  }
0x13e: {  	[tilespmem:v11+s16+$0x0] =	vst.idx.msk vm13, v1  }
0x13f: {  	v11 =	vld [tilespmem:s26+$0x30];
	_ =	sdelay $0x4  }
0x140: {  	v59 =	vadd.s32 $0xFFFFFF88, v11  }
0x141: {  	v61 =	vadd.s32 $0xFFFFFE98, v11;
	v60 =	vshll.u32 v59, $0x9  }
0x142: {  	v11 =	vshll.u32 v11, $0x7;
	v62 =	vshll.u32 v61, $0x9;
	v13 =	vand.u32 $0xFFFFF000, v60  }
0x143: {  	v11 =	vand.u32 $0x380, v11;
	v15 =	vand.u32 $0xFFFFF000, v62;
	v13 =	vadd.s32 v10, v13  }
0x144: {  	vm14 =	vlt.u32 v59, $0x78;
	v10 =	vadd.s32 v10, v15;
	v63 =	vor.u32 v11, v13  }
0x145: {  	s24 =	sadd.s32 $0x8, s24;
	vm15 =	vlt.u32 v61, $0x78;
	v10 =	vor.u32 v11, v10;
	v12 =	vor.u32 v8, v63  }
0x146: {  	p0 =	slt.u32 s24, $0x18;
	v10 =	vor.u32 v8, v10  }
.Ltmp3:
0x147: {  	_ = 	snop;
	(pc) =	sbr.rel @p0 .LBB2_8-.Ltmp3, $3  }
0x148: {  	_ =	sdelay $0x1  }
0x149: {  	[tilespmem:v12+s16+$0x0] =	vst.idx.msk vm14, v9  }
0x14a: {  	s25 =	sadd.s32 $0x80, s25;
	s26 =	sadd.s32 $0x80, s26;
	[tilespmem:v10+s16+$0x0] =	vst.idx.msk vm15, v1  }
0x14b: {  	[hbm4b:s8+s19] =	stream.strided.scatter [tilespmem:s16], [sflag:$0x2], $0xF000, s20, s19, $0x38;
	[tilespmem:$0x1E200] =	vst v63  }
0x14c: {  	_ =	swait.ge [sflag:s21], $0xF000  }
0x14d: {  	s24 =	simm.s32 $0xFFFFFFF8;
	[sflag:s21] =	ssyncset.done $0x0  }
0x14e: {  	s25 =	simm.s32 $0x0;
	s26 =	simm.s32 $0x40;
	[sflag:s21] =	ssyncadd.s32 $0xFFFF1000  }
.LBB2_10:
0x14f: {  	v11 =	vld [tilespmem:s26+$0xFFFFFFC0]  }
0x150: {  	v10 =	vmov s25  }
0x151: {  	v10 =	vshrl.u32 v10, $0x7  }
0x152: {  	v10 =	vshll.u32 v10, $0xA  }
0x153: {  	v10 =	vbroadcast v10, $0x0  }
0x154: {  	v12 =	vadd.s32 $0xFFFFFF10, v11;
	v22 =	vadd.s32 $0xFFFFFE20, v11  }
0x155: {  	v11 =	vshll.u32 v11, $0x7;
	v14 =	vor.u32 v0, v10;
	v13 =	vshll.u32 v12, $0x9  }
0x156: {  	vm0 =	vlt.u32 v12, $0x78;
	v15 =	vshll.u32 v22, $0x9;
	v21 =	vand.u32 $0xFFFFF000, v13  }
0x157: {  	v11 =	vand.u32 $0x380, v11;
	v15 =	vand.u32 $0xFFFFF000, v15;
	v12 =	vor.u32 v21, v14  }
0x158: {  	vm1 =	vlt.u32 v22, $0x78;
	v14 =	vor.u32 v15, v14;
	v12 =	vor.u32 v11, v12  }
0x159: {  	v11 =	vor.u32 v11, v14;
	_ =	sdelay $0x3  }
0x15a: {  	[tilespmem:v12+s15+$0x0] =	vst.idx.msk vm0, v9  }
0x15b: {  	[tilespmem:v11+s15+$0x0] =	vst.idx.msk vm1, v1  }
0x15c: {  	v11 =	vld [tilespmem:s26+$0xFFFFFFD0];
	_ =	sdelay $0x4  }
0x15d: {  	v23 =	vadd.s32 $0xFFFFFF10, v11  }
0x15e: {  	v25 =	vadd.s32 $0xFFFFFE20, v11;
	v24 =	vshll.u32 v23, $0x9  }
0x15f: {  	v11 =	vshll.u32 v11, $0x7;
	v26 =	vshll.u32 v25, $0x9;
	v13 =	vand.u32 $0xFFFFF000, v24  }
0x160: {  	v11 =	vand.u32 $0x380, v11;
	v15 =	vand.u32 $0xFFFFF000, v26;
	v13 =	vadd.s32 v10, v13  }
0x161: {  	vm14 =	vlt.u32 v23, $0x78;
	v28 =	vadd.s32 v10, v15;
	v27 =	vor.u32 v11, v13  }
0x162: {  	vm15 =	vlt.u32 v25, $0x78;
	v11 =	vor.u32 v11, v28;
	v12 =	vor.u32 v2, v27  }
0x163: {  	v11 =	vor.u32 v2, v11;
	_ =	sdelay $0x3  }
0x164: {  	[tilespmem:v12+s15+$0x0] =	vst.idx.msk vm14, v9  }
0x165: {  	[tilespmem:v11+s15+$0x0] =	vst.idx.msk vm15, v1  }
0x166: {  	v11 =	vld [tilespmem:s26+$0xFFFFFFE0];
	_ =	sdelay $0x4  }
0x167: {  	v29 =	vadd.s32 $0xFFFFFF10, v11  }
0x168: {  	v31 =	vadd.s32 $0xFFFFFE20, v11;
	v30 =	vshll.u32 v29, $0x9  }
0x169: {  	v11 =	vshll.u32 v11, $0x7;
	v32 =	vshll.u32 v31, $0x9;
	v13 =	vand.u32 $0xFFFFF000, v30  }
0x16a: {  	v11 =	vand.u32 $0x380, v11;
	v15 =	vand.u32 $0xFFFFF000, v32;
	v13 =	vadd.s32 v10, v13  }
0x16b: {  	vm4 =	vlt.u32 v29, $0x78;
	v34 =	vadd.s32 v10, v15;
	v33 =	vor.u32 v11, v13  }
0x16c: {  	vm5 =	vlt.u32 v31, $0x78;
	v11 =	vor.u32 v11, v34;
	v12 =	vor.u32 v3, v33  }
0x16d: {  	v11 =	vor.u32 v3, v11;
	_ =	sdelay $0x3  }
0x16e: {  	[tilespmem:v12+s15+$0x0] =	vst.idx.msk vm4, v9  }
0x16f: {  	[tilespmem:v11+s15+$0x0] =	vst.idx.msk vm5, v1  }
0x170: {  	v11 =	vld [tilespmem:s26+$0xFFFFFFF0];
	_ =	sdelay $0x4  }
0x171: {  	v35 =	vadd.s32 $0xFFFFFF10, v11  }
0x172: {  	v37 =	vadd.s32 $0xFFFFFE20, v11;
	v36 =	vshll.u32 v35, $0x9  }
0x173: {  	v11 =	vshll.u32 v11, $0x7;
	v38 =	vshll.u32 v37, $0x9;
	v13 =	vand.u32 $0xFFFFF000, v36  }
0x174: {  	v11 =	vand.u32 $0x380, v11;
	v15 =	vand.u32 $0xFFFFF000, v38;
	v13 =	vadd.s32 v10, v13  }
0x175: {  	vm6 =	vlt.u32 v35, $0x78;
	v40 =	vadd.s32 v10, v15;
	v39 =	vor.u32 v11, v13  }
0x176: {  	vm7 =	vlt.u32 v37, $0x78;
	v11 =	vor.u32 v11, v40;
	v12 =	vor.u32 v4, v39  }
0x177: {  	v11 =	vor.u32 v4, v11;
	_ =	sdelay $0x3  }
0x178: {  	[tilespmem:v12+s15+$0x0] =	vst.idx.msk vm6, v9  }
0x179: {  	[tilespmem:v11+s15+$0x0] =	vst.idx.msk vm7, v1  }
0x17a: {  	v11 =	vld [tilespmem:s26+$0x0];
	_ =	sdelay $0x4  }
0x17b: {  	v41 =	vadd.s32 $0xFFFFFF10, v11  }
0x17c: {  	v43 =	vadd.s32 $0xFFFFFE20, v11;
	v42 =	vshll.u32 v41, $0x9  }
0x17d: {  	v11 =	vshll.u32 v11, $0x7;
	v44 =	vshll.u32 v43, $0x9;
	v13 =	vand.u32 $0xFFFFF000, v42  }
0x17e: {  	v11 =	vand.u32 $0x380, v11;
	v15 =	vand.u32 $0xFFFFF000, v44;
	v13 =	vadd.s32 v10, v13  }
0x17f: {  	vm8 =	vlt.u32 v41, $0x78;
	v46 =	vadd.s32 v10, v15;
	v45 =	vor.u32 v11, v13  }
0x180: {  	vm9 =	vlt.u32 v43, $0x78;
	v11 =	vor.u32 v11, v46;
	v12 =	vor.u32 v5, v45  }
0x181: {  	v11 =	vor.u32 v5, v11;
	_ =	sdelay $0x3  }
0x182: {  	[tilespmem:v12+s15+$0x0] =	vst.idx.msk vm8, v9  }
0x183: {  	[tilespmem:v11+s15+$0x0] =	vst.idx.msk vm9, v1  }
0x184: {  	v11 =	vld [tilespmem:s26+$0x10];
	_ =	sdelay $0x4  }
0x185: {  	v47 =	vadd.s32 $0xFFFFFF10, v11  }
0x186: {  	v49 =	vadd.s32 $0xFFFFFE20, v11;
	v48 =	vshll.u32 v47, $0x9  }
0x187: {  	v11 =	vshll.u32 v11, $0x7;
	v50 =	vshll.u32 v49, $0x9;
	v13 =	vand.u32 $0xFFFFF000, v48  }
0x188: {  	v11 =	vand.u32 $0x380, v11;
	v15 =	vand.u32 $0xFFFFF000, v50;
	v13 =	vadd.s32 v10, v13  }
0x189: {  	vm10 =	vlt.u32 v47, $0x78;
	v52 =	vadd.s32 v10, v15;
	v51 =	vor.u32 v11, v13  }
0x18a: {  	vm11 =	vlt.u32 v49, $0x78;
	v11 =	vor.u32 v11, v52;
	v12 =	vor.u32 v6, v51  }
0x18b: {  	v11 =	vor.u32 v6, v11;
	_ =	sdelay $0x3  }
0x18c: {  	[tilespmem:v12+s15+$0x0] =	vst.idx.msk vm10, v9  }
0x18d: {  	[tilespmem:v11+s15+$0x0] =	vst.idx.msk vm11, v1  }
0x18e: {  	v11 =	vld [tilespmem:s26+$0x20];
	_ =	sdelay $0x4  }
0x18f: {  	v53 =	vadd.s32 $0xFFFFFF10, v11  }
0x190: {  	v55 =	vadd.s32 $0xFFFFFE20, v11;
	v54 =	vshll.u32 v53, $0x9  }
0x191: {  	v11 =	vshll.u32 v11, $0x7;
	v56 =	vshll.u32 v55, $0x9;
	v13 =	vand.u32 $0xFFFFF000, v54  }
0x192: {  	v11 =	vand.u32 $0x380, v11;
	v15 =	vand.u32 $0xFFFFF000, v56;
	v13 =	vadd.s32 v10, v13  }
0x193: {  	vm12 =	vlt.u32 v53, $0x78;
	v58 =	vadd.s32 v10, v15;
	v57 =	vor.u32 v11, v13  }
0x194: {  	vm13 =	vlt.u32 v55, $0x78;
	v11 =	vor.u32 v11, v58;
	v12 =	vor.u32 v7, v57  }
0x195: {  	v11 =	vor.u32 v7, v11;
	_ =	sdelay $0x3  }
0x196: {  	[tilespmem:v12+s15+$0x0] =	vst.idx.msk vm12, v9  }
0x197: {  	[tilespmem:v11+s15+$0x0] =	vst.idx.msk vm13, v1  }
0x198: {  	v11 =	vld [tilespmem:s26+$0x30];
	_ =	sdelay $0x4  }
0x199: {  	v59 =	vadd.s32 $0xFFFFFF10, v11  }
0x19a: {  	v61 =	vadd.s32 $0xFFFFFE20, v11;
	v60 =	vshll.u32 v59, $0x9  }
0x19b: {  	v11 =	vshll.u32 v11, $0x7;
	v62 =	vshll.u32 v61, $0x9;
	v13 =	vand.u32 $0xFFFFF000, v60  }
0x19c: {  	v11 =	vand.u32 $0x380, v11;
	v15 =	vand.u32 $0xFFFFF000, v62;
	v13 =	vadd.s32 v10, v13  }
0x19d: {  	vm14 =	vlt.u32 v59, $0x78;
	v10 =	vadd.s32 v10, v15;
	v63 =	vor.u32 v11, v13  }
0x19e: {  	s24 =	sadd.s32 $0x8, s24;
	vm15 =	vlt.u32 v61, $0x78;
	v10 =	vor.u32 v11, v10;
	v12 =	vor.u32 v8, v63  }
0x19f: {  	p0 =	slt.u32 s24, $0x18;
	v10 =	vor.u32 v8, v10  }
.Ltmp4:
0x1a0: {  	_ = 	snop;
	(pc) =	sbr.rel @p0 .LBB2_10-.Ltmp4, $3  }
0x1a1: {  	_ =	sdelay $0x1  }
0x1a2: {  	[tilespmem:v12+s15+$0x0] =	vst.idx.msk vm14, v9  }
0x1a3: {  	s25 =	sadd.s32 $0x80, s25;
	s26 =	sadd.s32 $0x80, s26;
	[tilespmem:v10+s15+$0x0] =	vst.idx.msk vm15, v1  }
0x1a4: {  	[hbm4b:s9+s19] =	stream.strided.scatter [tilespmem:s15], [sflag:$0x1], $0xF000, s20, s19, $0x38;
	[tilespmem:$0x1E200] =	vst v63  }
0x1a5: {  	_ =	swait.ge [sflag:s22], $0xF000  }
0x1a6: {  	s24 =	simm.s32 $0xFFFFFFF8;
	[sflag:s22] =	ssyncset.done $0x0  }
0x1a7: {  	s25 =	simm.s32 $0x0;
	s26 =	simm.s32 $0x40;
	[sflag:s22] =	ssyncadd.s32 $0xFFFF1000  }
.LBB2_12:
0x1a8: {  	v11 =	vld [tilespmem:s26+$0xFFFFFFC0]  }
0x1a9: {  	v10 =	vmov s25  }
0x1aa: {  	v10 =	vshrl.u32 v10, $0x7  }
0x1ab: {  	v10 =	vshll.u32 v10, $0xA  }
0x1ac: {  	v10 =	vbroadcast v10, $0x0  }
0x1ad: {  	v12 =	vadd.s32 $0xFFFFFE98, v11;
	v22 =	vadd.s32 $0xFFFFFDA8, v11  }
0x1ae: {  	v11 =	vshll.u32 v11, $0x7;
	v14 =	vor.u32 v0, v10;
	v13 =	vshll.u32 v12, $0x9  }
0x1af: {  	vm0 =	vlt.u32 v12, $0x78;
	v15 =	vshll.u32 v22, $0x9;
	v21 =	vand.u32 $0xFFFFF000, v13  }
0x1b0: {  	v11 =	vand.u32 $0x380, v11;
	v15 =	vand.u32 $0xFFFFF000, v15;
	v12 =	vor.u32 v21, v14  }
0x1b1: {  	vm1 =	vlt.u32 v22, $0x78;
	v14 =	vor.u32 v15, v14;
	v12 =	vor.u32 v11, v12  }
0x1b2: {  	v11 =	vor.u32 v11, v14;
	_ =	sdelay $0x3  }
0x1b3: {  	[tilespmem:v12+s16+$0x0] =	vst.idx.msk vm0, v9  }
0x1b4: {  	[tilespmem:v11+s16+$0x0] =	vst.idx.msk vm1, v1  }
0x1b5: {  	v11 =	vld [tilespmem:s26+$0xFFFFFFD0];
	_ =	sdelay $0x4  }
0x1b6: {  	v23 =	vadd.s32 $0xFFFFFE98, v11  }
0x1b7: {  	v25 =	vadd.s32 $0xFFFFFDA8, v11;
	v24 =	vshll.u32 v23, $0x9  }
0x1b8: {  	v11 =	vshll.u32 v11, $0x7;
	v26 =	vshll.u32 v25, $0x9;
	v13 =	vand.u32 $0xFFFFF000, v24  }
0x1b9: {  	v11 =	vand.u32 $0x380, v11;
	v15 =	vand.u32 $0xFFFFF000, v26;
	v13 =	vadd.s32 v10, v13  }
0x1ba: {  	vm14 =	vlt.u32 v23, $0x78;
	v28 =	vadd.s32 v10, v15;
	v27 =	vor.u32 v11, v13  }
0x1bb: {  	vm15 =	vlt.u32 v25, $0x78;
	v11 =	vor.u32 v11, v28;
	v12 =	vor.u32 v2, v27  }
0x1bc: {  	v11 =	vor.u32 v2, v11;
	_ =	sdelay $0x3  }
0x1bd: {  	[tilespmem:v12+s16+$0x0] =	vst.idx.msk vm14, v9  }
0x1be: {  	[tilespmem:v11+s16+$0x0] =	vst.idx.msk vm15, v1  }
0x1bf: {  	v11 =	vld [tilespmem:s26+$0xFFFFFFE0];
	_ =	sdelay $0x4  }
0x1c0: {  	v29 =	vadd.s32 $0xFFFFFE98, v11  }
0x1c1: {  	v31 =	vadd.s32 $0xFFFFFDA8, v11;
	v30 =	vshll.u32 v29, $0x9  }
0x1c2: {  	v11 =	vshll.u32 v11, $0x7;
	v32 =	vshll.u32 v31, $0x9;
	v13 =	vand.u32 $0xFFFFF000, v30  }
0x1c3: {  	v11 =	vand.u32 $0x380, v11;
	v15 =	vand.u32 $0xFFFFF000, v32;
	v13 =	vadd.s32 v10, v13  }
0x1c4: {  	vm4 =	vlt.u32 v29, $0x78;
	v34 =	vadd.s32 v10, v15;
	v33 =	vor.u32 v11, v13  }
0x1c5: {  	vm5 =	vlt.u32 v31, $0x78;
	v11 =	vor.u32 v11, v34;
	v12 =	vor.u32 v3, v33  }
0x1c6: {  	v11 =	vor.u32 v3, v11;
	_ =	sdelay $0x3  }
0x1c7: {  	[tilespmem:v12+s16+$0x0] =	vst.idx.msk vm4, v9  }
0x1c8: {  	[tilespmem:v11+s16+$0x0] =	vst.idx.msk vm5, v1  }
0x1c9: {  	v11 =	vld [tilespmem:s26+$0xFFFFFFF0];
	_ =	sdelay $0x4  }
0x1ca: {  	v35 =	vadd.s32 $0xFFFFFE98, v11  }
0x1cb: {  	v37 =	vadd.s32 $0xFFFFFDA8, v11;
	v36 =	vshll.u32 v35, $0x9  }
0x1cc: {  	v11 =	vshll.u32 v11, $0x7;
	v38 =	vshll.u32 v37, $0x9;
	v13 =	vand.u32 $0xFFFFF000, v36  }
0x1cd: {  	v11 =	vand.u32 $0x380, v11;
	v15 =	vand.u32 $0xFFFFF000, v38;
	v13 =	vadd.s32 v10, v13  }
0x1ce: {  	vm6 =	vlt.u32 v35, $0x78;
	v40 =	vadd.s32 v10, v15;
	v39 =	vor.u32 v11, v13  }
0x1cf: {  	vm7 =	vlt.u32 v37, $0x78;
	v11 =	vor.u32 v11, v40;
	v12 =	vor.u32 v4, v39  }
0x1d0: {  	v11 =	vor.u32 v4, v11;
	_ =	sdelay $0x3  }
0x1d1: {  	[tilespmem:v12+s16+$0x0] =	vst.idx.msk vm6, v9  }
0x1d2: {  	[tilespmem:v11+s16+$0x0] =	vst.idx.msk vm7, v1  }
0x1d3: {  	v11 =	vld [tilespmem:s26+$0x0];
	_ =	sdelay $0x4  }
0x1d4: {  	v41 =	vadd.s32 $0xFFFFFE98, v11  }
0x1d5: {  	v43 =	vadd.s32 $0xFFFFFDA8, v11;
	v42 =	vshll.u32 v41, $0x9  }
0x1d6: {  	v11 =	vshll.u32 v11, $0x7;
	v44 =	vshll.u32 v43, $0x9;
	v13 =	vand.u32 $0xFFFFF000, v42  }
0x1d7: {  	v11 =	vand.u32 $0x380, v11;
	v15 =	vand.u32 $0xFFFFF000, v44;
	v13 =	vadd.s32 v10, v13  }
0x1d8: {  	vm8 =	vlt.u32 v41, $0x78;
	v46 =	vadd.s32 v10, v15;
	v45 =	vor.u32 v11, v13  }
0x1d9: {  	vm9 =	vlt.u32 v43, $0x78;
	v11 =	vor.u32 v11, v46;
	v12 =	vor.u32 v5, v45  }
0x1da: {  	v11 =	vor.u32 v5, v11;
	_ =	sdelay $0x3  }
0x1db: {  	[tilespmem:v12+s16+$0x0] =	vst.idx.msk vm8, v9  }
0x1dc: {  	[tilespmem:v11+s16+$0x0] =	vst.idx.msk vm9, v1  }
0x1dd: {  	v11 =	vld [tilespmem:s26+$0x10];
	_ =	sdelay $0x4  }
0x1de: {  	v47 =	vadd.s32 $0xFFFFFE98, v11  }
0x1df: {  	v49 =	vadd.s32 $0xFFFFFDA8, v11;
	v48 =	vshll.u32 v47, $0x9  }
0x1e0: {  	v11 =	vshll.u32 v11, $0x7;
	v50 =	vshll.u32 v49, $0x9;
	v13 =	vand.u32 $0xFFFFF000, v48  }
0x1e1: {  	v11 =	vand.u32 $0x380, v11;
	v15 =	vand.u32 $0xFFFFF000, v50;
	v13 =	vadd.s32 v10, v13  }
0x1e2: {  	vm10 =	vlt.u32 v47, $0x78;
	v52 =	vadd.s32 v10, v15;
	v51 =	vor.u32 v11, v13  }
0x1e3: {  	vm11 =	vlt.u32 v49, $0x78;
	v11 =	vor.u32 v11, v52;
	v12 =	vor.u32 v6, v51  }
0x1e4: {  	v11 =	vor.u32 v6, v11;
	_ =	sdelay $0x3  }
0x1e5: {  	[tilespmem:v12+s16+$0x0] =	vst.idx.msk vm10, v9  }
0x1e6: {  	[tilespmem:v11+s16+$0x0] =	vst.idx.msk vm11, v1  }
0x1e7: {  	v11 =	vld [tilespmem:s26+$0x20];
	_ =	sdelay $0x4  }
0x1e8: {  	v53 =	vadd.s32 $0xFFFFFE98, v11  }
0x1e9: {  	v55 =	vadd.s32 $0xFFFFFDA8, v11;
	v54 =	vshll.u32 v53, $0x9  }
0x1ea: {  	v11 =	vshll.u32 v11, $0x7;
	v56 =	vshll.u32 v55, $0x9;
	v13 =	vand.u32 $0xFFFFF000, v54  }
0x1eb: {  	v11 =	vand.u32 $0x380, v11;
	v15 =	vand.u32 $0xFFFFF000, v56;
	v13 =	vadd.s32 v10, v13  }
0x1ec: {  	vm12 =	vlt.u32 v53, $0x78;
	v58 =	vadd.s32 v10, v15;
	v57 =	vor.u32 v11, v13  }
0x1ed: {  	vm13 =	vlt.u32 v55, $0x78;
	v11 =	vor.u32 v11, v58;
	v12 =	vor.u32 v7, v57  }
0x1ee: {  	v11 =	vor.u32 v7, v11;
	_ =	sdelay $0x3  }
0x1ef: {  	[tilespmem:v12+s16+$0x0] =	vst.idx.msk vm12, v9  }
0x1f0: {  	[tilespmem:v11+s16+$0x0] =	vst.idx.msk vm13, v1  }
0x1f1: {  	v11 =	vld [tilespmem:s26+$0x30];
	_ =	sdelay $0x4  }
0x1f2: {  	v59 =	vadd.s32 $0xFFFFFE98, v11  }
0x1f3: {  	v61 =	vadd.s32 $0xFFFFFDA8, v11;
	v60 =	vshll.u32 v59, $0x9  }
0x1f4: {  	v11 =	vshll.u32 v11, $0x7;
	v62 =	vshll.u32 v61, $0x9;
	v13 =	vand.u32 $0xFFFFF000, v60  }
0x1f5: {  	v11 =	vand.u32 $0x380, v11;
	v15 =	vand.u32 $0xFFFFF000, v62;
	v13 =	vadd.s32 v10, v13  }
0x1f6: {  	vm14 =	vlt.u32 v59, $0x78;
	v10 =	vadd.s32 v10, v15;
	v63 =	vor.u32 v11, v13  }
0x1f7: {  	s24 =	sadd.s32 $0x8, s24;
	vm15 =	vlt.u32 v61, $0x78;
	v10 =	vor.u32 v11, v10;
	v12 =	vor.u32 v8, v63  }
0x1f8: {  	p0 =	slt.u32 s24, $0x18;
	v10 =	vor.u32 v8, v10  }
.Ltmp5:
0x1f9: {  	_ = 	snop;
	(pc) =	sbr.rel @p0 .LBB2_12-.Ltmp5, $3  }
0x1fa: {  	_ =	sdelay $0x1  }
0x1fb: {  	[tilespmem:v12+s16+$0x0] =	vst.idx.msk vm14, v9  }
0x1fc: {  	s25 =	sadd.s32 $0x80, s25;
	s26 =	sadd.s32 $0x80, s26;
	[tilespmem:v10+s16+$0x0] =	vst.idx.msk vm15, v1  }
0x1fd: {  	[hbm4b:s10+s19] =	stream.strided.scatter [tilespmem:s16], [sflag:$0x2], $0xF000, s20, s19, $0x38;
	[tilespmem:$0x1E200] =	vst v63  }
0x1fe: {  	_ =	swait.ge [sflag:s21], $0xF000  }
0x1ff: {  	s24 =	simm.s32 $0xFFFFFFF8;
	[sflag:s21] =	ssyncset.done $0x0  }
0x200: {  	s25 =	simm.s32 $0x0;
	s26 =	simm.s32 $0x40;
	[sflag:s21] =	ssyncadd.s32 $0xFFFF1000  }
.LBB2_14:
0x201: {  	v11 =	vld [tilespmem:s26+$0xFFFFFFC0]  }
0x202: {  	v10 =	vmov s25  }
0x203: {  	v10 =	vshrl.u32 v10, $0x7  }
0x204: {  	v10 =	vshll.u32 v10, $0xA  }
0x205: {  	v10 =	vbroadcast v10, $0x0  }
0x206: {  	v12 =	vadd.s32 $0xFFFFFE20, v11;
	v22 =	vadd.s32 $0xFFFFFD30, v11  }
0x207: {  	v11 =	vshll.u32 v11, $0x7;
	v14 =	vor.u32 v0, v10;
	v13 =	vshll.u32 v12, $0x9  }
0x208: {  	vm0 =	vlt.u32 v12, $0x78;
	v15 =	vshll.u32 v22, $0x9;
	v21 =	vand.u32 $0xFFFFF000, v13  }
0x209: {  	v11 =	vand.u32 $0x380, v11;
	v15 =	vand.u32 $0xFFFFF000, v15;
	v12 =	vor.u32 v21, v14  }
0x20a: {  	vm1 =	vlt.u32 v22, $0x78;
	v14 =	vor.u32 v15, v14;
	v12 =	vor.u32 v11, v12  }
0x20b: {  	v11 =	vor.u32 v11, v14;
	_ =	sdelay $0x3  }
0x20c: {  	[tilespmem:v12+s15+$0x0] =	vst.idx.msk vm0, v9  }
0x20d: {  	[tilespmem:v11+s15+$0x0] =	vst.idx.msk vm1, v1  }
0x20e: {  	v11 =	vld [tilespmem:s26+$0xFFFFFFD0];
	_ =	sdelay $0x4  }
0x20f: {  	v23 =	vadd.s32 $0xFFFFFE20, v11  }
0x210: {  	v25 =	vadd.s32 $0xFFFFFD30, v11;
	v24 =	vshll.u32 v23, $0x9  }
0x211: {  	v11 =	vshll.u32 v11, $0x7;
	v26 =	vshll.u32 v25, $0x9;
	v13 =	vand.u32 $0xFFFFF000, v24  }
0x212: {  	v11 =	vand.u32 $0x380, v11;
	v15 =	vand.u32 $0xFFFFF000, v26;
	v13 =	vadd.s32 v10, v13  }
0x213: {  	vm14 =	vlt.u32 v23, $0x78;
	v28 =	vadd.s32 v10, v15;
	v27 =	vor.u32 v11, v13  }
0x214: {  	vm15 =	vlt.u32 v25, $0x78;
	v11 =	vor.u32 v11, v28;
	v12 =	vor.u32 v2, v27  }
0x215: {  	v11 =	vor.u32 v2, v11;
	_ =	sdelay $0x3  }
0x216: {  	[tilespmem:v12+s15+$0x0] =	vst.idx.msk vm14, v9  }
0x217: {  	[tilespmem:v11+s15+$0x0] =	vst.idx.msk vm15, v1  }
0x218: {  	v11 =	vld [tilespmem:s26+$0xFFFFFFE0];
	_ =	sdelay $0x4  }
0x219: {  	v29 =	vadd.s32 $0xFFFFFE20, v11  }
0x21a: {  	v31 =	vadd.s32 $0xFFFFFD30, v11;
	v30 =	vshll.u32 v29, $0x9  }
0x21b: {  	v11 =	vshll.u32 v11, $0x7;
	v32 =	vshll.u32 v31, $0x9;
	v13 =	vand.u32 $0xFFFFF000, v30  }
0x21c: {  	v11 =	vand.u32 $0x380, v11;
	v15 =	vand.u32 $0xFFFFF000, v32;
	v13 =	vadd.s32 v10, v13  }
0x21d: {  	vm4 =	vlt.u32 v29, $0x78;
	v34 =	vadd.s32 v10, v15;
	v33 =	vor.u32 v11, v13  }
0x21e: {  	vm5 =	vlt.u32 v31, $0x78;
	v11 =	vor.u32 v11, v34;
	v12 =	vor.u32 v3, v33  }
0x21f: {  	v11 =	vor.u32 v3, v11;
	_ =	sdelay $0x3  }
0x220: {  	[tilespmem:v12+s15+$0x0] =	vst.idx.msk vm4, v9  }
0x221: {  	[tilespmem:v11+s15+$0x0] =	vst.idx.msk vm5, v1  }
0x222: {  	v11 =	vld [tilespmem:s26+$0xFFFFFFF0];
	_ =	sdelay $0x4  }
0x223: {  	v35 =	vadd.s32 $0xFFFFFE20, v11  }
0x224: {  	v37 =	vadd.s32 $0xFFFFFD30, v11;
	v36 =	vshll.u32 v35, $0x9  }
0x225: {  	v11 =	vshll.u32 v11, $0x7;
	v38 =	vshll.u32 v37, $0x9;
	v13 =	vand.u32 $0xFFFFF000, v36  }
0x226: {  	v11 =	vand.u32 $0x380, v11;
	v15 =	vand.u32 $0xFFFFF000, v38;
	v13 =	vadd.s32 v10, v13  }
0x227: {  	vm6 =	vlt.u32 v35, $0x78;
	v40 =	vadd.s32 v10, v15;
	v39 =	vor.u32 v11, v13  }
0x228: {  	vm7 =	vlt.u32 v37, $0x78;
	v11 =	vor.u32 v11, v40;
	v12 =	vor.u32 v4, v39  }
0x229: {  	v11 =	vor.u32 v4, v11;
	_ =	sdelay $0x3  }
0x22a: {  	[tilespmem:v12+s15+$0x0] =	vst.idx.msk vm6, v9  }
0x22b: {  	[tilespmem:v11+s15+$0x0] =	vst.idx.msk vm7, v1  }
0x22c: {  	v11 =	vld [tilespmem:s26+$0x0];
	_ =	sdelay $0x4  }
0x22d: {  	v41 =	vadd.s32 $0xFFFFFE20, v11  }
0x22e: {  	v43 =	vadd.s32 $0xFFFFFD30, v11;
	v42 =	vshll.u32 v41, $0x9  }
0x22f: {  	v11 =	vshll.u32 v11, $0x7;
	v44 =	vshll.u32 v43, $0x9;
	v13 =	vand.u32 $0xFFFFF000, v42  }
0x230: {  	v11 =	vand.u32 $0x380, v11;
	v15 =	vand.u32 $0xFFFFF000, v44;
	v13 =	vadd.s32 v10, v13  }
0x231: {  	vm8 =	vlt.u32 v41, $0x78;
	v46 =	vadd.s32 v10, v15;
	v45 =	vor.u32 v11, v13  }
0x232: {  	vm9 =	vlt.u32 v43, $0x78;
	v11 =	vor.u32 v11, v46;
	v12 =	vor.u32 v5, v45  }
0x233: {  	v11 =	vor.u32 v5, v11;
	_ =	sdelay $0x3  }
0x234: {  	[tilespmem:v12+s15+$0x0] =	vst.idx.msk vm8, v9  }
0x235: {  	[tilespmem:v11+s15+$0x0] =	vst.idx.msk vm9, v1  }
0x236: {  	v11 =	vld [tilespmem:s26+$0x10];
	_ =	sdelay $0x4  }
0x237: {  	v47 =	vadd.s32 $0xFFFFFE20, v11  }
0x238: {  	v49 =	vadd.s32 $0xFFFFFD30, v11;
	v48 =	vshll.u32 v47, $0x9  }
0x239: {  	v11 =	vshll.u32 v11, $0x7;
	v50 =	vshll.u32 v49, $0x9;
	v13 =	vand.u32 $0xFFFFF000, v48  }
0x23a: {  	v11 =	vand.u32 $0x380, v11;
	v15 =	vand.u32 $0xFFFFF000, v50;
	v13 =	vadd.s32 v10, v13  }
0x23b: {  	vm10 =	vlt.u32 v47, $0x78;
	v52 =	vadd.s32 v10, v15;
	v51 =	vor.u32 v11, v13  }
0x23c: {  	vm11 =	vlt.u32 v49, $0x78;
	v11 =	vor.u32 v11, v52;
	v12 =	vor.u32 v6, v51  }
0x23d: {  	v11 =	vor.u32 v6, v11;
	_ =	sdelay $0x3  }
0x23e: {  	[tilespmem:v12+s15+$0x0] =	vst.idx.msk vm10, v9  }
0x23f: {  	[tilespmem:v11+s15+$0x0] =	vst.idx.msk vm11, v1  }
0x240: {  	v11 =	vld [tilespmem:s26+$0x20];
	_ =	sdelay $0x4  }
0x241: {  	v53 =	vadd.s32 $0xFFFFFE20, v11  }
0x242: {  	v55 =	vadd.s32 $0xFFFFFD30, v11;
	v54 =	vshll.u32 v53, $0x9  }
0x243: {  	v11 =	vshll.u32 v11, $0x7;
	v56 =	vshll.u32 v55, $0x9;
	v13 =	vand.u32 $0xFFFFF000, v54  }
0x244: {  	v11 =	vand.u32 $0x380, v11;
	v15 =	vand.u32 $0xFFFFF000, v56;
	v13 =	vadd.s32 v10, v13  }
0x245: {  	vm12 =	vlt.u32 v53, $0x78;
	v58 =	vadd.s32 v10, v15;
	v57 =	vor.u32 v11, v13  }
0x246: {  	vm13 =	vlt.u32 v55, $0x78;
	v11 =	vor.u32 v11, v58;
	v12 =	vor.u32 v7, v57  }
0x247: {  	v11 =	vor.u32 v7, v11;
	_ =	sdelay $0x3  }
0x248: {  	[tilespmem:v12+s15+$0x0] =	vst.idx.msk vm12, v9  }
0x249: {  	[tilespmem:v11+s15+$0x0] =	vst.idx.msk vm13, v1  }
0x24a: {  	v11 =	vld [tilespmem:s26+$0x30];
	_ =	sdelay $0x4  }
0x24b: {  	v59 =	vadd.s32 $0xFFFFFE20, v11  }
0x24c: {  	v61 =	vadd.s32 $0xFFFFFD30, v11;
	v60 =	vshll.u32 v59, $0x9  }
0x24d: {  	v11 =	vshll.u32 v11, $0x7;
	v62 =	vshll.u32 v61, $0x9;
	v13 =	vand.u32 $0xFFFFF000, v60  }
0x24e: {  	v11 =	vand.u32 $0x380, v11;
	v15 =	vand.u32 $0xFFFFF000, v62;
	v13 =	vadd.s32 v10, v13  }
0x24f: {  	vm14 =	vlt.u32 v59, $0x78;
	v10 =	vadd.s32 v10, v15;
	v63 =	vor.u32 v11, v13  }
0x250: {  	s24 =	sadd.s32 $0x8, s24;
	vm15 =	vlt.u32 v61, $0x78;
	v10 =	vor.u32 v11, v10;
	v12 =	vor.u32 v8, v63  }
0x251: {  	p0 =	slt.u32 s24, $0x18;
	v10 =	vor.u32 v8, v10  }
.Ltmp6:
0x252: {  	_ = 	snop;
	(pc) =	sbr.rel @p0 .LBB2_14-.Ltmp6, $3  }
0x253: {  	_ =	sdelay $0x1  }
0x254: {  	[tilespmem:v12+s15+$0x0] =	vst.idx.msk vm14, v9  }
0x255: {  	s25 =	sadd.s32 $0x80, s25;
	s26 =	sadd.s32 $0x80, s26;
	[tilespmem:v10+s15+$0x0] =	vst.idx.msk vm15, v1  }
0x256: {  	[hbm4b:s11+s19] =	stream.strided.scatter [tilespmem:s15], [sflag:$0x1], $0xF000, s20, s19, $0x38;
	[tilespmem:$0x1E200] =	vst v63  }
0x257: {  	_ =	swait.ge [sflag:s22], $0xF000  }
0x258: {  	s24 =	simm.s32 $0xFFFFFFF8;
	[sflag:s22] =	ssyncset.done $0x0  }
0x259: {  	s25 =	simm.s32 $0x0;
	s26 =	simm.s32 $0x40;
	[sflag:s22] =	ssyncadd.s32 $0xFFFF1000  }
.LBB2_16:
0x25a: {  	v11 =	vld [tilespmem:s26+$0xFFFFFFC0]  }
0x25b: {  	v10 =	vmov s25  }
0x25c: {  	v10 =	vshrl.u32 v10, $0x7  }
0x25d: {  	v10 =	vshll.u32 v10, $0xA  }
0x25e: {  	v10 =	vbroadcast v10, $0x0  }
0x25f: {  	v12 =	vadd.s32 $0xFFFFFDA8, v11;
	v22 =	vadd.s32 $0xFFFFFCB8, v11  }
0x260: {  	v11 =	vshll.u32 v11, $0x7;
	v14 =	vor.u32 v0, v10;
	v13 =	vshll.u32 v12, $0x9  }
0x261: {  	vm0 =	vlt.u32 v12, $0x78;
	v15 =	vshll.u32 v22, $0x9;
	v21 =	vand.u32 $0xFFFFF000, v13  }
0x262: {  	v11 =	vand.u32 $0x380, v11;
	v15 =	vand.u32 $0xFFFFF000, v15;
	v12 =	vor.u32 v21, v14  }
0x263: {  	vm1 =	vlt.u32 v22, $0x78;
	v14 =	vor.u32 v15, v14;
	v12 =	vor.u32 v11, v12  }
0x264: {  	v11 =	vor.u32 v11, v14;
	_ =	sdelay $0x3  }
0x265: {  	[tilespmem:v12+s16+$0x0] =	vst.idx.msk vm0, v9  }
0x266: {  	[tilespmem:v11+s16+$0x0] =	vst.idx.msk vm1, v1  }
0x267: {  	v11 =	vld [tilespmem:s26+$0xFFFFFFD0];
	_ =	sdelay $0x4  }
0x268: {  	v23 =	vadd.s32 $0xFFFFFDA8, v11  }
0x269: {  	v25 =	vadd.s32 $0xFFFFFCB8, v11;
	v24 =	vshll.u32 v23, $0x9  }
0x26a: {  	v11 =	vshll.u32 v11, $0x7;
	v26 =	vshll.u32 v25, $0x9;
	v13 =	vand.u32 $0xFFFFF000, v24  }
0x26b: {  	v11 =	vand.u32 $0x380, v11;
	v15 =	vand.u32 $0xFFFFF000, v26;
	v13 =	vadd.s32 v10, v13  }
0x26c: {  	vm14 =	vlt.u32 v23, $0x78;
	v28 =	vadd.s32 v10, v15;
	v27 =	vor.u32 v11, v13  }
0x26d: {  	vm15 =	vlt.u32 v25, $0x78;
	v11 =	vor.u32 v11, v28;
	v12 =	vor.u32 v2, v27  }
0x26e: {  	v11 =	vor.u32 v2, v11;
	_ =	sdelay $0x3  }
0x26f: {  	[tilespmem:v12+s16+$0x0] =	vst.idx.msk vm14, v9  }
0x270: {  	[tilespmem:v11+s16+$0x0] =	vst.idx.msk vm15, v1  }
0x271: {  	v11 =	vld [tilespmem:s26+$0xFFFFFFE0];
	_ =	sdelay $0x4  }
0x272: {  	v29 =	vadd.s32 $0xFFFFFDA8, v11  }
0x273: {  	v31 =	vadd.s32 $0xFFFFFCB8, v11;
	v30 =	vshll.u32 v29, $0x9  }
0x274: {  	v11 =	vshll.u32 v11, $0x7;
	v32 =	vshll.u32 v31, $0x9;
	v13 =	vand.u32 $0xFFFFF000, v30  }
0x275: {  	v11 =	vand.u32 $0x380, v11;
	v15 =	vand.u32 $0xFFFFF000, v32;
	v13 =	vadd.s32 v10, v13  }
0x276: {  	vm4 =	vlt.u32 v29, $0x78;
	v34 =	vadd.s32 v10, v15;
	v33 =	vor.u32 v11, v13  }
0x277: {  	vm5 =	vlt.u32 v31, $0x78;
	v11 =	vor.u32 v11, v34;
	v12 =	vor.u32 v3, v33  }
0x278: {  	v11 =	vor.u32 v3, v11;
	_ =	sdelay $0x3  }
0x279: {  	[tilespmem:v12+s16+$0x0] =	vst.idx.msk vm4, v9  }
0x27a: {  	[tilespmem:v11+s16+$0x0] =	vst.idx.msk vm5, v1  }
0x27b: {  	v11 =	vld [tilespmem:s26+$0xFFFFFFF0];
	_ =	sdelay $0x4  }
0x27c: {  	v35 =	vadd.s32 $0xFFFFFDA8, v11  }
0x27d: {  	v37 =	vadd.s32 $0xFFFFFCB8, v11;
	v36 =	vshll.u32 v35, $0x9  }
0x27e: {  	v11 =	vshll.u32 v11, $0x7;
	v38 =	vshll.u32 v37, $0x9;
	v13 =	vand.u32 $0xFFFFF000, v36  }
0x27f: {  	v11 =	vand.u32 $0x380, v11;
	v15 =	vand.u32 $0xFFFFF000, v38;
	v13 =	vadd.s32 v10, v13  }
0x280: {  	vm6 =	vlt.u32 v35, $0x78;
	v40 =	vadd.s32 v10, v15;
	v39 =	vor.u32 v11, v13  }
0x281: {  	vm7 =	vlt.u32 v37, $0x78;
	v11 =	vor.u32 v11, v40;
	v12 =	vor.u32 v4, v39  }
0x282: {  	v11 =	vor.u32 v4, v11;
	_ =	sdelay $0x3  }
0x283: {  	[tilespmem:v12+s16+$0x0] =	vst.idx.msk vm6, v9  }
0x284: {  	[tilespmem:v11+s16+$0x0] =	vst.idx.msk vm7, v1  }
0x285: {  	v11 =	vld [tilespmem:s26+$0x0];
	_ =	sdelay $0x4  }
0x286: {  	v41 =	vadd.s32 $0xFFFFFDA8, v11  }
0x287: {  	v43 =	vadd.s32 $0xFFFFFCB8, v11;
	v42 =	vshll.u32 v41, $0x9  }
0x288: {  	v11 =	vshll.u32 v11, $0x7;
	v44 =	vshll.u32 v43, $0x9;
	v13 =	vand.u32 $0xFFFFF000, v42  }
0x289: {  	v11 =	vand.u32 $0x380, v11;
	v15 =	vand.u32 $0xFFFFF000, v44;
	v13 =	vadd.s32 v10, v13  }
0x28a: {  	vm8 =	vlt.u32 v41, $0x78;
	v46 =	vadd.s32 v10, v15;
	v45 =	vor.u32 v11, v13  }
0x28b: {  	vm9 =	vlt.u32 v43, $0x78;
	v11 =	vor.u32 v11, v46;
	v12 =	vor.u32 v5, v45  }
0x28c: {  	v11 =	vor.u32 v5, v11;
	_ =	sdelay $0x3  }
0x28d: {  	[tilespmem:v12+s16+$0x0] =	vst.idx.msk vm8, v9  }
0x28e: {  	[tilespmem:v11+s16+$0x0] =	vst.idx.msk vm9, v1  }
0x28f: {  	v11 =	vld [tilespmem:s26+$0x10];
	_ =	sdelay $0x4  }
0x290: {  	v47 =	vadd.s32 $0xFFFFFDA8, v11  }
0x291: {  	v49 =	vadd.s32 $0xFFFFFCB8, v11;
	v48 =	vshll.u32 v47, $0x9  }
0x292: {  	v11 =	vshll.u32 v11, $0x7;
	v50 =	vshll.u32 v49, $0x9;
	v13 =	vand.u32 $0xFFFFF000, v48  }
0x293: {  	v11 =	vand.u32 $0x380, v11;
	v15 =	vand.u32 $0xFFFFF000, v50;
	v13 =	vadd.s32 v10, v13  }
0x294: {  	vm10 =	vlt.u32 v47, $0x78;
	v52 =	vadd.s32 v10, v15;
	v51 =	vor.u32 v11, v13  }
0x295: {  	vm11 =	vlt.u32 v49, $0x78;
	v11 =	vor.u32 v11, v52;
	v12 =	vor.u32 v6, v51  }
0x296: {  	v11 =	vor.u32 v6, v11;
	_ =	sdelay $0x3  }
0x297: {  	[tilespmem:v12+s16+$0x0] =	vst.idx.msk vm10, v9  }
0x298: {  	[tilespmem:v11+s16+$0x0] =	vst.idx.msk vm11, v1  }
0x299: {  	v11 =	vld [tilespmem:s26+$0x20];
	_ =	sdelay $0x4  }
0x29a: {  	v53 =	vadd.s32 $0xFFFFFDA8, v11  }
0x29b: {  	v55 =	vadd.s32 $0xFFFFFCB8, v11;
	v54 =	vshll.u32 v53, $0x9  }
0x29c: {  	v11 =	vshll.u32 v11, $0x7;
	v56 =	vshll.u32 v55, $0x9;
	v13 =	vand.u32 $0xFFFFF000, v54  }
0x29d: {  	v11 =	vand.u32 $0x380, v11;
	v15 =	vand.u32 $0xFFFFF000, v56;
	v13 =	vadd.s32 v10, v13  }
0x29e: {  	vm12 =	vlt.u32 v53, $0x78;
	v58 =	vadd.s32 v10, v15;
	v57 =	vor.u32 v11, v13  }
0x29f: {  	vm13 =	vlt.u32 v55, $0x78;
	v11 =	vor.u32 v11, v58;
	v12 =	vor.u32 v7, v57  }
0x2a0: {  	v11 =	vor.u32 v7, v11;
	_ =	sdelay $0x3  }
0x2a1: {  	[tilespmem:v12+s16+$0x0] =	vst.idx.msk vm12, v9  }
0x2a2: {  	[tilespmem:v11+s16+$0x0] =	vst.idx.msk vm13, v1  }
0x2a3: {  	v11 =	vld [tilespmem:s26+$0x30];
	_ =	sdelay $0x4  }
0x2a4: {  	v59 =	vadd.s32 $0xFFFFFDA8, v11  }
0x2a5: {  	v61 =	vadd.s32 $0xFFFFFCB8, v11;
	v60 =	vshll.u32 v59, $0x9  }
0x2a6: {  	v11 =	vshll.u32 v11, $0x7;
	v62 =	vshll.u32 v61, $0x9;
	v13 =	vand.u32 $0xFFFFF000, v60  }
0x2a7: {  	v11 =	vand.u32 $0x380, v11;
	v15 =	vand.u32 $0xFFFFF000, v62;
	v13 =	vadd.s32 v10, v13  }
0x2a8: {  	vm14 =	vlt.u32 v59, $0x78;
	v10 =	vadd.s32 v10, v15;
	v63 =	vor.u32 v11, v13  }
0x2a9: {  	s24 =	sadd.s32 $0x8, s24;
	vm15 =	vlt.u32 v61, $0x78;
	v10 =	vor.u32 v11, v10;
	v12 =	vor.u32 v8, v63  }
0x2aa: {  	p0 =	slt.u32 s24, $0x18;
	v10 =	vor.u32 v8, v10  }
.Ltmp7:
0x2ab: {  	_ = 	snop;
	(pc) =	sbr.rel @p0 .LBB2_16-.Ltmp7, $3  }
0x2ac: {  	_ =	sdelay $0x1  }
0x2ad: {  	[tilespmem:v12+s16+$0x0] =	vst.idx.msk vm14, v9  }
0x2ae: {  	s25 =	sadd.s32 $0x80, s25;
	s26 =	sadd.s32 $0x80, s26;
	[tilespmem:v10+s16+$0x0] =	vst.idx.msk vm15, v1  }
0x2af: {  	[hbm4b:s12+s19] =	stream.strided.scatter [tilespmem:s16], [sflag:$0x2], $0xF000, s20, s19, $0x38;
	[tilespmem:$0x1E200] =	vst v63  }
0x2b0: {  	_ =	swait.ge [sflag:s21], $0xF000  }
0x2b1: {  	s24 =	simm.s32 $0xFFFFFFF8;
	[sflag:s21] =	ssyncset.done $0x0  }
0x2b2: {  	s25 =	simm.s32 $0x0;
	s26 =	simm.s32 $0x40;
	[sflag:s21] =	ssyncadd.s32 $0xFFFF1000  }
.LBB2_18:
0x2b3: {  	v11 =	vld [tilespmem:s26+$0xFFFFFFC0]  }
0x2b4: {  	v10 =	vmov s25  }
0x2b5: {  	v10 =	vshrl.u32 v10, $0x7  }
0x2b6: {  	v10 =	vshll.u32 v10, $0xA  }
0x2b7: {  	v10 =	vbroadcast v10, $0x0  }
0x2b8: {  	v12 =	vadd.s32 $0xFFFFFD30, v11;
	v22 =	vadd.s32 $0xFFFFFC40, v11  }
0x2b9: {  	v11 =	vshll.u32 v11, $0x7;
	v14 =	vor.u32 v0, v10;
	v13 =	vshll.u32 v12, $0x9  }
0x2ba: {  	vm0 =	vlt.u32 v12, $0x78;
	v15 =	vshll.u32 v22, $0x9;
	v21 =	vand.u32 $0xFFFFF000, v13  }
0x2bb: {  	v11 =	vand.u32 $0x380, v11;
	v15 =	vand.u32 $0xFFFFF000, v15;
	v12 =	vor.u32 v21, v14  }
0x2bc: {  	vm1 =	vlt.u32 v22, $0x28;
	v14 =	vor.u32 v15, v14;
	v12 =	vor.u32 v11, v12  }
0x2bd: {  	v11 =	vor.u32 v11, v14;
	_ =	sdelay $0x3  }
0x2be: {  	[tilespmem:v12+s15+$0x0] =	vst.idx.msk vm0, v9  }
0x2bf: {  	[tilespmem:v11+s15+$0x0] =	vst.idx.msk vm1, v1  }
0x2c0: {  	v11 =	vld [tilespmem:s26+$0xFFFFFFD0];
	_ =	sdelay $0x4  }
0x2c1: {  	v23 =	vadd.s32 $0xFFFFFD30, v11  }
0x2c2: {  	v25 =	vadd.s32 $0xFFFFFC40, v11;
	v24 =	vshll.u32 v23, $0x9  }
0x2c3: {  	v11 =	vshll.u32 v11, $0x7;
	v26 =	vshll.u32 v25, $0x9;
	v13 =	vand.u32 $0xFFFFF000, v24  }
0x2c4: {  	v11 =	vand.u32 $0x380, v11;
	v15 =	vand.u32 $0xFFFFF000, v26;
	v13 =	vadd.s32 v10, v13  }
0x2c5: {  	vm14 =	vlt.u32 v23, $0x78;
	v28 =	vadd.s32 v10, v15;
	v27 =	vor.u32 v11, v13  }
0x2c6: {  	vm15 =	vlt.u32 v25, $0x28;
	v11 =	vor.u32 v11, v28;
	v12 =	vor.u32 v2, v27  }
0x2c7: {  	v11 =	vor.u32 v2, v11;
	_ =	sdelay $0x3  }
0x2c8: {  	[tilespmem:v12+s15+$0x0] =	vst.idx.msk vm14, v9  }
0x2c9: {  	[tilespmem:v11+s15+$0x0] =	vst.idx.msk vm15, v1  }
0x2ca: {  	v11 =	vld [tilespmem:s26+$0xFFFFFFE0];
	_ =	sdelay $0x4  }
0x2cb: {  	v29 =	vadd.s32 $0xFFFFFD30, v11  }
0x2cc: {  	v31 =	vadd.s32 $0xFFFFFC40, v11;
	v30 =	vshll.u32 v29, $0x9  }
0x2cd: {  	v11 =	vshll.u32 v11, $0x7;
	v32 =	vshll.u32 v31, $0x9;
	v13 =	vand.u32 $0xFFFFF000, v30  }
0x2ce: {  	v11 =	vand.u32 $0x380, v11;
	v15 =	vand.u32 $0xFFFFF000, v32;
	v13 =	vadd.s32 v10, v13  }
0x2cf: {  	vm4 =	vlt.u32 v29, $0x78;
	v34 =	vadd.s32 v10, v15;
	v33 =	vor.u32 v11, v13  }
0x2d0: {  	vm5 =	vlt.u32 v31, $0x28;
	v11 =	vor.u32 v11, v34;
	v12 =	vor.u32 v3, v33  }
0x2d1: {  	v11 =	vor.u32 v3, v11;
	_ =	sdelay $0x3  }
0x2d2: {  	[tilespmem:v12+s15+$0x0] =	vst.idx.msk vm4, v9  }
0x2d3: {  	[tilespmem:v11+s15+$0x0] =	vst.idx.msk vm5, v1  }
0x2d4: {  	v11 =	vld [tilespmem:s26+$0xFFFFFFF0];
	_ =	sdelay $0x4  }
0x2d5: {  	v35 =	vadd.s32 $0xFFFFFD30, v11  }
0x2d6: {  	v37 =	vadd.s32 $0xFFFFFC40, v11;
	v36 =	vshll.u32 v35, $0x9  }
0x2d7: {  	v11 =	vshll.u32 v11, $0x7;
	v38 =	vshll.u32 v37, $0x9;
	v13 =	vand.u32 $0xFFFFF000, v36  }
0x2d8: {  	v11 =	vand.u32 $0x380, v11;
	v15 =	vand.u32 $0xFFFFF000, v38;
	v13 =	vadd.s32 v10, v13  }
0x2d9: {  	vm6 =	vlt.u32 v35, $0x78;
	v40 =	vadd.s32 v10, v15;
	v39 =	vor.u32 v11, v13  }
0x2da: {  	vm7 =	vlt.u32 v37, $0x28;
	v11 =	vor.u32 v11, v40;
	v12 =	vor.u32 v4, v39  }
0x2db: {  	v11 =	vor.u32 v4, v11;
	_ =	sdelay $0x3  }
0x2dc: {  	[tilespmem:v12+s15+$0x0] =	vst.idx.msk vm6, v9  }
0x2dd: {  	[tilespmem:v11+s15+$0x0] =	vst.idx.msk vm7, v1  }
0x2de: {  	v11 =	vld [tilespmem:s26+$0x0];
	_ =	sdelay $0x4  }
0x2df: {  	v41 =	vadd.s32 $0xFFFFFD30, v11  }
0x2e0: {  	v43 =	vadd.s32 $0xFFFFFC40, v11;
	v42 =	vshll.u32 v41, $0x9  }
0x2e1: {  	v11 =	vshll.u32 v11, $0x7;
	v44 =	vshll.u32 v43, $0x9;
	v13 =	vand.u32 $0xFFFFF000, v42  }
0x2e2: {  	v11 =	vand.u32 $0x380, v11;
	v15 =	vand.u32 $0xFFFFF000, v44;
	v13 =	vadd.s32 v10, v13  }
0x2e3: {  	vm8 =	vlt.u32 v41, $0x78;
	v46 =	vadd.s32 v10, v15;
	v45 =	vor.u32 v11, v13  }
0x2e4: {  	vm9 =	vlt.u32 v43, $0x28;
	v11 =	vor.u32 v11, v46;
	v12 =	vor.u32 v5, v45  }
0x2e5: {  	v11 =	vor.u32 v5, v11;
	_ =	sdelay $0x3  }
0x2e6: {  	[tilespmem:v12+s15+$0x0] =	vst.idx.msk vm8, v9  }
0x2e7: {  	[tilespmem:v11+s15+$0x0] =	vst.idx.msk vm9, v1  }
0x2e8: {  	v11 =	vld [tilespmem:s26+$0x10];
	_ =	sdelay $0x4  }
0x2e9: {  	v47 =	vadd.s32 $0xFFFFFD30, v11  }
0x2ea: {  	v49 =	vadd.s32 $0xFFFFFC40, v11;
	v48 =	vshll.u32 v47, $0x9  }
0x2eb: {  	v11 =	vshll.u32 v11, $0x7;
	v50 =	vshll.u32 v49, $0x9;
	v13 =	vand.u32 $0xFFFFF000, v48  }
0x2ec: {  	v11 =	vand.u32 $0x380, v11;
	v15 =	vand.u32 $0xFFFFF000, v50;
	v13 =	vadd.s32 v10, v13  }
0x2ed: {  	vm10 =	vlt.u32 v47, $0x78;
	v52 =	vadd.s32 v10, v15;
	v51 =	vor.u32 v11, v13  }
0x2ee: {  	vm11 =	vlt.u32 v49, $0x28;
	v11 =	vor.u32 v11, v52;
	v12 =	vor.u32 v6, v51  }
0x2ef: {  	v11 =	vor.u32 v6, v11;
	_ =	sdelay $0x3  }
0x2f0: {  	[tilespmem:v12+s15+$0x0] =	vst.idx.msk vm10, v9  }
0x2f1: {  	[tilespmem:v11+s15+$0x0] =	vst.idx.msk vm11, v1  }
0x2f2: {  	v11 =	vld [tilespmem:s26+$0x20];
	_ =	sdelay $0x4  }
0x2f3: {  	v53 =	vadd.s32 $0xFFFFFD30, v11  }
0x2f4: {  	v55 =	vadd.s32 $0xFFFFFC40, v11;
	v54 =	vshll.u32 v53, $0x9  }
0x2f5: {  	v11 =	vshll.u32 v11, $0x7;
	v56 =	vshll.u32 v55, $0x9;
	v13 =	vand.u32 $0xFFFFF000, v54  }
0x2f6: {  	v11 =	vand.u32 $0x380, v11;
	v15 =	vand.u32 $0xFFFFF000, v56;
	v13 =	vadd.s32 v10, v13  }
0x2f7: {  	vm12 =	vlt.u32 v53, $0x78;
	v58 =	vadd.s32 v10, v15;
	v57 =	vor.u32 v11, v13  }
0x2f8: {  	vm13 =	vlt.u32 v55, $0x28;
	v11 =	vor.u32 v11, v58;
	v12 =	vor.u32 v7, v57  }
0x2f9: {  	v11 =	vor.u32 v7, v11;
	_ =	sdelay $0x3  }
0x2fa: {  	[tilespmem:v12+s15+$0x0] =	vst.idx.msk vm12, v9  }
0x2fb: {  	[tilespmem:v11+s15+$0x0] =	vst.idx.msk vm13, v1  }
0x2fc: {  	v11 =	vld [tilespmem:s26+$0x30];
	_ =	sdelay $0x4  }
0x2fd: {  	v59 =	vadd.s32 $0xFFFFFD30, v11  }
0x2fe: {  	v61 =	vadd.s32 $0xFFFFFC40, v11;
	v60 =	vshll.u32 v59, $0x9  }
0x2ff: {  	v11 =	vshll.u32 v11, $0x7;
	v62 =	vshll.u32 v61, $0x9;
	v13 =	vand.u32 $0xFFFFF000, v60  }
0x300: {  	v11 =	vand.u32 $0x380, v11;
	v15 =	vand.u32 $0xFFFFF000, v62;
	v13 =	vadd.s32 v10, v13  }
0x301: {  	vm14 =	vlt.u32 v59, $0x78;
	v10 =	vadd.s32 v10, v15;
	v63 =	vor.u32 v11, v13  }
0x302: {  	s24 =	sadd.s32 $0x8, s24;
	vm15 =	vlt.u32 v61, $0x28;
	v10 =	vor.u32 v11, v10;
	v12 =	vor.u32 v8, v63  }
0x303: {  	p0 =	slt.u32 s24, $0x18;
	v10 =	vor.u32 v8, v10  }
.Ltmp8:
0x304: {  	_ = 	snop;
	(pc) =	sbr.rel @p0 .LBB2_18-.Ltmp8, $3  }
0x305: {  	_ =	sdelay $0x1  }
0x306: {  	[tilespmem:v12+s15+$0x0] =	vst.idx.msk vm14, v9  }
0x307: {  	s25 =	sadd.s32 $0x80, s25;
	s26 =	sadd.s32 $0x80, s26;
	[tilespmem:v10+s15+$0x0] =	vst.idx.msk vm15, v1  }
0x308: {  	[hbm4b:s13+s19] =	stream.strided.scatter [tilespmem:s15], [sflag:$0x1], $0x5000, s20, s19, $0x38;
	[tilespmem:$0x1E200] =	vst v63  }
0x309: {  	s23 =	sadd.s32 $0x1, s23  }
0x30a: {  	_ =	swait.ge [sflag:s21], $0x5000;
	p0 =	sne.s32 s23, s14  }
.Ltmp9:
0x30b: {  	[sflag:s21] =	ssyncset.done $0x0;
	(pc) =	sbr.rel @p0 .LBB2_1-.Ltmp9, $4  }
0x30c: {  	[sflag:s21] =	ssyncadd.s32 $0xFFFFB000  }
0x30d: {  	_ =	swait.ge [sflag:s22], $0xF000  }
0x30e: {  	[sflag:s22] =	ssyncset.done $0x0  }
0x30f: {  	[sflag:s22] =	ssyncadd.s32 $0xFFFF1000  }
0x310: {  	_ =	sfence.sel $0x180000  }
0x311: {  	[bflag:$0x0] =	sbarrier.arrive $0xFFFF  }
0x312: {  	p0 =	sne.s32 s1, $0x0;
	_ =	strace $0x90000047  }
0x313: {  	s0 =	sadd.s32 @!p0 $0x100000, s0;
	[bflag:$0x2] =	sbarrier.arrive $0xFFFF  }
0x314: {  	[sflag:s0] =	ssyncadd.tile.s32 @!p0 $0x1;
	_ =	shalt  }
.Lfunc_end2:
_tile_overlayer_lowered:
.L_overlay_start_2:
0x315: {  	(tag) =	ssettag $0x2  }
0x316: {  	s0 =	rddreg [dreg:$0x0];
	s2 =	stileid.u32  }
0x317: {  	s1 =	rddreg [dreg:$0x1];
	p0 =	sne.s32 s2, $0x0  }
0x318: {  	s3 =	rddreg [dreg:$0x2];
	[bflag:$0x3] =	sbarrier.arrive $0xFFFF;
	s2 =	simm.s32 @!p0 $0x1C04  }
0x319: {  	[timem:s3], [sflag:s2] =	dma.local @!p0 [hbm:s0], s1  }
0x31a: {  	s0 =	simm.s32 @!p0 $0x4  }
0x31b: {  	_ =	swait.ge @!p0 [sflag:s0], s1  }
0x31c: {  	s1 =	ssub.s32 @!p0 $0x0, s1;
	[sflag:s0] =	ssyncset.done @!p0 $0x0  }
0x31d: {  	[sflag:s0] =	ssyncadd.s32 @!p0 s1  }
0x31e: {  	[bflag:$0x3] =	sbarrier.arrive $0xFFFF  }
0x31f: {  	_ =	shalt  }

</sc_bundles>
